<compile_context>
chip_gen: v7x
topology: tpu7x:2x2x1
jax: 0.10.2.dev20260603
libtpu: 0.0.44.dev20260713+nightly
codegen_flags: <defaults>
</compile_context>

<pallas_src>
import functools
import math

import jax
import jax.numpy as jnp
import numpy as np
from jax import lax
from jax.experimental import pallas as pl
from jax.experimental.pallas import tpu as pltpu
from jax.experimental.pallas import tpu_sc as plsc

VOCAB = 1000000
D = 64
MAXTOK = 20
B = 1024
S = 50
EPS = 1e-5

NUM_CORES = 2
NUM_SUBCORES = 16
NUM_WORKERS = NUM_CORES * NUM_SUBCORES
N_EVENTS = B * S
EV_PER_WORKER = N_EVENTS // NUM_WORKERS
EV_PER_CHUNK = 32
CHUNKS = EV_PER_WORKER // EV_PER_CHUNK
ROWS_PER_CHUNK = EV_PER_CHUNK * MAXTOK
GATHER_ROWS = 128
N_GATHERS = ROWS_PER_CHUNK // GATHER_ROWS
NVREG = D // 16


def _mean_pe():
    position = np.arange(MAXTOK, dtype=np.float64)[:, None]
    div_term = np.exp(
        np.arange(0, D, 2, dtype=np.float64) * (-math.log(10000.0) / D))
    pe = np.zeros((MAXTOK, D), dtype=np.float64)
    pe[:, 0::2] = np.sin(position * div_term)
    pe[:, 1::2] = np.cos(position * div_term)
    return pe.mean(axis=0).astype(np.float32)


_MPE = _mean_pe()


def _lane_sum(v):
    for sh in (8, 4, 2, 1):
        perm = lax.iota(jnp.int32, 16) ^ sh
        shuf = lax.gather(
            v, perm[:, None],
            dimension_numbers=lax.GatherDimensionNumbers(
                offset_dims=(), collapsed_slice_dims=(0,),
                start_index_map=(0,)),
            slice_sizes=(1,),
            mode=lax.GatherScatterMode.PROMISE_IN_BOUNDS)
        v = v + shuf
    return v


def _rsqrt(x):
    i = lax.bitcast_convert_type(x, jnp.int32)
    y = lax.bitcast_convert_type(
        jnp.int32(0x5F3759DF) - (i >> 1), jnp.float32)
    for _ in range(3):
        y = y * (1.5 - 0.5 * x * y * y)
    return y


def _sc_body(table_h, ids_h, aux_h, out_h, idxs, rowss, outs, aux_v, row0_v,
             isems, gsems, osems):
    wid = lax.axis_index("s") * NUM_CORES + lax.axis_index("c")

    pltpu.sync_copy(aux_h, aux_v)
    pltpu.sync_copy(table_h.at[pl.ds(0, 1)], row0_v)
    mpe = [aux_v[pl.ds(16 * k, 16)] for k in range(NVREG)]
    gam = [aux_v[pl.ds(D + 16 * k, 16)] for k in range(NVREG)]
    bet = [aux_v[pl.ds(2 * D + 16 * k, 16)] for k in range(NVREG)]
    r0v = [row0_v[0, pl.ds(16 * k, 16)] for k in range(NVREG)]

    inv_tok = jnp.float32(1.0 / MAXTOK)
    inv_d = jnp.float32(1.0 / D)
    lane4 = lax.iota(jnp.int32, 16) < 4

    def ids_copy(c, b):
        g = wid * CHUNKS + c
        return pltpu.make_async_copy(
            ids_h.at[pl.ds(g * ROWS_PER_CHUNK, ROWS_PER_CHUNK)],
            idxs[b].at[pl.ds(0, ROWS_PER_CHUNK)], isems[b])

    def gather(j, b):
        return pltpu.make_async_copy(
            table_h.at[idxs[b].at[pl.ds(j * GATHER_ROWS, GATHER_ROWS)]],
            rowss[b].at[pl.ds(j * GATHER_ROWS, GATHER_ROWS)], gsems[b])

    def out_copy(c, b):
        g = wid * CHUNKS + c
        return pltpu.make_async_copy(
            outs[b], out_h.at[pl.ds(g * EV_PER_CHUNK, EV_PER_CHUNK)],
            osems[b])

    ids_copy(0, 0).start()
    ids_copy(1, 1).start()
    ids_copy(0, 0).wait()
    for j in range(N_GATHERS):
        gather(j, 0).start()

    def compute(c, b):
        idx_v, rows_v, out_v = idxs[b], rowss[b], outs[b]

        def ev_body(e, carry2):
            r0 = e * MAXTOK
            v0 = idx_v[pl.ds(r0, 16)]
            v1 = idx_v[pl.ds(r0 + 16, 16)]
            n0 = (plsc.all_reduce_population_count(v0 == 0)
                  + plsc.all_reduce_population_count((v1 == 0) & lane4))
            n0f = n0.astype(jnp.float32)
            acc = [jnp.zeros((16,), jnp.float32) for _ in range(NVREG)]
            for t in range(MAXTOK):
                for k in range(NVREG):
                    acc[k] = acc[k] + rows_v[r0 + t, pl.ds(16 * k, 16)]
            p = [(acc[k] - n0f * r0v[k]) * inv_tok + mpe[k]
                 for k in range(NVREG)]
            tot = p[0] + p[1] + p[2] + p[3]
            sq = p[0] * p[0] + p[1] * p[1] + p[2] * p[2] + p[3] * p[3]
            mu = _lane_sum(tot) * inv_d
            var = _lane_sum(sq) * inv_d - mu * mu
            rs = _rsqrt(var + EPS)
            for k in range(NVREG):
                out_v[e, pl.ds(16 * k, 16)] = (p[k] - mu) * rs * gam[k] + bet[k]
            return carry2

        lax.fori_loop(0, EV_PER_CHUNK, ev_body, 0, unroll=False)

    def phase(c, b):
        @pl.when(c + 1 < CHUNKS)
        def _():
            ids_copy(c + 1, 1 - b).wait()
            for j in range(N_GATHERS):
                gather(j, 1 - b).start()

        for j in range(N_GATHERS):
            gather(j, b).wait()

        @pl.when(c >= 2)
        def _():
            out_copy(c, b).wait()

        compute(c, b)

        @pl.when(c + 2 < CHUNKS)
        def _():
            ids_copy(c + 2, b).start()

        out_copy(c, b).start()

    def j_body(j, carry):
        for b in range(2):
            phase(2 * j + b, b)
        return carry

    lax.fori_loop(0, CHUNKS // 2, j_body, 0, unroll=False)
    for b in range(2):
        out_copy(0, b).wait()


def _sc_entry(table_h, ids_h, aux_h, out_h, i0, i1, r0, r1, o0, o1, aux_v,
              row0_v, is0, is1, gs0, gs1, os0, os1):
    _sc_body(table_h, ids_h, aux_h, out_h, (i0, i1), (r0, r1), (o0, o1),
             aux_v, row0_v, (is0, is1), (gs0, gs1), (os0, os1))


_sc_kernel = functools.partial(
    pl.kernel,
    out_type=jax.ShapeDtypeStruct((N_EVENTS, D), jnp.float32),
    mesh=plsc.VectorSubcoreMesh(core_axis_name="c", subcore_axis_name="s"),
    compiler_params=pltpu.CompilerParams(
        use_tc_tiling_on_sc=False, needs_layout_passes=False),
    scratch_types=(
        [pltpu.VMEM((ROWS_PER_CHUNK + 16,), jnp.int32)] * 2
        + [pltpu.VMEM((ROWS_PER_CHUNK, D), jnp.float32)] * 2
        + [pltpu.VMEM((EV_PER_CHUNK, D), jnp.float32)] * 2
        + [pltpu.VMEM((3 * D,), jnp.float32)]
        + [pltpu.VMEM((1, D), jnp.float32)]
        + [pltpu.SemaphoreType.DMA] * 6
    ),
)(_sc_entry)


@jax.jit
def kernel(input_ids, token_table, ln_gamma, ln_beta):
    ids_flat = input_ids.reshape(-1)
    aux = jnp.concatenate([_MPE, ln_gamma, ln_beta])
    out = _sc_kernel(token_table, ids_flat, aux)
    return out.reshape(B, S, D)

# --- scband reference (transcript-rebuilt; emitter-appended) ---
"""Pipeline reference for scband-event-embedding-16939351015548 (READ-ONLY COPY).

The authoritative reference and input builder live on the scoring server;
editing this copy changes nothing except your own understanding.
"""

import jax, jax.numpy as jnp
import numpy as np
import math

VOCAB = 1000000
D = 64
MAXTOK = 20
B = 1024
S = 50
EPS = 1e-5


def make_pe(d_model, max_len):
    position = np.arange(max_len, dtype=np.float64)[:, None]
    div_term = np.exp(np.arange(0, d_model, 2, dtype=np.float64) * (-math.log(10000.0) / d_model))
    pe = np.zeros((max_len, d_model), dtype=np.float64)
    pe[:, 0::2] = np.sin(position * div_term)
    pe[:, 1::2] = np.cos(position * div_term)
    return jnp.asarray(pe, dtype=jnp.float32)


def setup_inputs(seed: int = 0) -> dict:
    key = jax.random.key(seed)
    k1, k2 = jax.random.split(key, 2)
    input_ids = jax.random.randint(k1, (B, S, MAXTOK), 0, VOCAB, dtype=jnp.int32)
    token_table = jax.random.normal(k2, (VOCAB, D), dtype=jnp.float32)
    ln_gamma = jnp.ones((D,), dtype=jnp.float32)
    ln_beta = jnp.zeros((D,), dtype=jnp.float32)
    return {"input_ids": input_ids, "token_table": token_table, "ln_gamma": ln_gamma, "ln_beta": ln_beta}


def reference(input_ids, token_table, ln_gamma, ln_beta):
    # padding_idx=0: row 0 is zero and receives no gradient
    table = token_table.at[0].set(0.0)
    flat = input_ids.reshape(-1, MAXTOK)                      # [B*S, MAXTOK]
    token_embeds = jnp.take(table, flat, axis=0)              # [B*S, MAXTOK, D]
    pe = make_pe(D, MAXTOK)
    token_embeds = token_embeds + pe[None, :, :]
    # attention_mask is None -> mean over tokens
    event_embeds = token_embeds.mean(axis=1)                  # [B*S, D]
    event_embeds = event_embeds.reshape(B, S, D)
    # LayerNorm (biased variance, eps=1e-5)
    mu = event_embeds.mean(axis=-1, keepdims=True)
    var = jnp.mean((event_embeds - mu) ** 2, axis=-1, keepdims=True)
    out = (event_embeds - mu) / jnp.sqrt(var + EPS) * ln_gamma + ln_beta
    # dropout is identity in eval mode
    return out

if __name__ == "__main__":
    import jax
    _d = setup_inputs()
    print(jax.jit(kernel)(*tuple(_d.values())))

</pallas_src>

<mosaic_0001>
#map = affine_map<(d0, d1) -> (0, 0)>
#map1 = affine_map<(d0, d1) -> (0)>
module attributes {stable_mosaic.version = 14 : i64} {
  func.func @_sc_entry(%arg0: i32, %arg1: i32, %arg2: memref<1000000x64xf32, #tpu.memory_space<hbm>>, %arg3: memref<1024000xi32, #tpu.memory_space<hbm>>, %arg4: memref<192xf32, #tpu.memory_space<hbm>>, %arg5: memref<51200x64xf32, #tpu.memory_space<hbm>>, %arg6: memref<656xi32, #tpu.memory_space<vmem>>, %arg7: memref<656xi32, #tpu.memory_space<vmem>>, %arg8: memref<640x64xf32, #tpu.memory_space<vmem>>, %arg9: memref<640x64xf32, #tpu.memory_space<vmem>>, %arg10: memref<32x64xf32, #tpu.memory_space<vmem>>, %arg11: memref<32x64xf32, #tpu.memory_space<vmem>>, %arg12: memref<192xf32, #tpu.memory_space<vmem>>, %arg13: memref<1x64xf32, #tpu.memory_space<vmem>>, %arg14: memref<!tpu.dma_semaphore, #tpu.memory_space<semaphore_mem>>, %arg15: memref<!tpu.dma_semaphore, #tpu.memory_space<semaphore_mem>>, %arg16: memref<!tpu.dma_semaphore, #tpu.memory_space<semaphore_mem>>, %arg17: memref<!tpu.dma_semaphore, #tpu.memory_space<semaphore_mem>>, %arg18: memref<!tpu.dma_semaphore, #tpu.memory_space<semaphore_mem>>, %arg19: memref<!tpu.dma_semaphore, #tpu.memory_space<semaphore_mem>>) attributes {dimension_semantics = [#tpu.dimension_semantics<core_parallel>, #tpu.dimension_semantics<subcore_parallel>], iteration_bounds = array<i64: 2, 16>, scalar_prefetch = 0 : i64, scratch_operands = 14 : i64, tpu.core_type = #tpu.core_type<sc_vector_subcore>, window_params = [{transform_indices = #map}, {transform_indices = #map1}, {transform_indices = #map1}, {transform_indices = #map}]} {
    %mul3A = arith.constant 2 : i32
    %mul3A_0 = arith.muli %arg1, %mul3A : i32
    %add3A = arith.addi %mul3A_0, %arg0 : i32
    "tpu.region"() ({
      %run_scoped3A = tpu.sem_alloc : memref<!tpu.dma_semaphore, #tpu.memory_space<semaphore_mem>>
      tpu.enqueue_dma source(%arg4 : memref<192xf32, #tpu.memory_space<hbm>>) target(%arg12 : memref<192xf32, #tpu.memory_space<vmem>>) target_semaphore(%run_scoped3A : memref<!tpu.dma_semaphore, #tpu.memory_space<semaphore_mem>>)
      tpu.wait_dma2 semaphore(%run_scoped3A : memref<!tpu.dma_semaphore, #tpu.memory_space<semaphore_mem>>) src(%arg4 : memref<192xf32, #tpu.memory_space<hbm>>) dst(%arg12 : memref<192xf32, #tpu.memory_space<vmem>>)
      tpu.yield
    }) : () -> ()
    "tpu.region"() ({
      %run_scoped3A = tpu.sem_alloc : memref<!tpu.dma_semaphore, #tpu.memory_space<semaphore_mem>>
      %dma_start3A_143 = arith.constant 0 : i32
      %dma_start3A_144 = arith.constant 0 : i32
      %dma_start3A_145 = tpu.memref_slice %arg2[%dma_start3A_143, %dma_start3A_144] : memref<1000000x64xf32, #tpu.memory_space<hbm>> -> memref<1x64xf32, #tpu.memory_space<hbm>>
      %dma_start3A_146 = arith.constant 0 : i32
      %dma_start3A_147 = arith.constant 0 : i32
      %dma_start3A_148 = tpu.memref_slice %arg2[%dma_start3A_146, %dma_start3A_147] : memref<1000000x64xf32, #tpu.memory_space<hbm>> -> memref<1x64xf32, #tpu.memory_space<hbm>>
      tpu.enqueue_dma source(%dma_start3A_148 : memref<1x64xf32, #tpu.memory_space<hbm>>) target(%arg13 : memref<1x64xf32, #tpu.memory_space<vmem>>) target_semaphore(%run_scoped3A : memref<!tpu.dma_semaphore, #tpu.memory_space<semaphore_mem>>)
      %dma_wait3A_149 = arith.constant 0 : i32
      %dma_wait3A_150 = arith.constant 0 : i32
      %dma_wait3A_151 = tpu.memref_slice %arg2[%dma_wait3A_149, %dma_wait3A_150] : memref<1000000x64xf32, #tpu.memory_space<hbm>> -> memref<1x64xf32, #tpu.memory_space<hbm>>
      %dma_wait3A_152 = arith.constant 0 : i32
      %dma_wait3A_153 = arith.constant 0 : i32
      %dma_wait3A_154 = tpu.memref_slice %arg2[%dma_wait3A_152, %dma_wait3A_153] : memref<1000000x64xf32, #tpu.memory_space<hbm>> -> memref<1x64xf32, #tpu.memory_space<hbm>>
      tpu.wait_dma2 semaphore(%run_scoped3A : memref<!tpu.dma_semaphore, #tpu.memory_space<semaphore_mem>>) src(%dma_wait3A_154 : memref<1x64xf32, #tpu.memory_space<hbm>>) dst(%arg13 : memref<1x64xf32, #tpu.memory_space<vmem>>)
      tpu.yield
    }) : () -> ()
    %get3A = arith.constant 0 : index
    %get3A_1 = tpu.vector_load %arg12[%get3A] {strides = array<i32>} : memref<192xf32, #tpu.memory_space<vmem>>, vector<16xf32>,
    %get3A_2 = arith.constant 16 : index
    %get3A_3 = tpu.vector_load %arg12[%get3A_2] {strides = array<i32>} : memref<192xf32, #tpu.memory_space<vmem>>, vector<16xf32>,
    %get3A_4 = arith.constant 32 : index
    %get3A_5 = tpu.vector_load %arg12[%get3A_4] {strides = array<i32>} : memref<192xf32, #tpu.memory_space<vmem>>, vector<16xf32>,
    %get3A_6 = arith.constant 48 : index
    %get3A_7 = tpu.vector_load %arg12[%get3A_6] {strides = array<i32>} : memref<192xf32, #tpu.memory_space<vmem>>, vector<16xf32>,
    %get3A_8 = arith.constant 64 : index
    %get3A_9 = tpu.vector_load %arg12[%get3A_8] {strides = array<i32>} : memref<192xf32, #tpu.memory_space<vmem>>, vector<16xf32>,
    %get3A_10 = arith.constant 80 : index
    %get3A_11 = tpu.vector_load %arg12[%get3A_10] {strides = array<i32>} : memref<192xf32, #tpu.memory_space<vmem>>, vector<16xf32>,
    %get3A_12 = arith.constant 96 : index
    %get3A_13 = tpu.vector_load %arg12[%get3A_12] {strides = array<i32>} : memref<192xf32, #tpu.memory_space<vmem>>, vector<16xf32>,
    %get3A_14 = arith.constant 112 : index
    %get3A_15 = tpu.vector_load %arg12[%get3A_14] {strides = array<i32>} : memref<192xf32, #tpu.memory_space<vmem>>, vector<16xf32>,
    %get3A_16 = arith.constant 128 : index
    %get3A_17 = tpu.vector_load %arg12[%get3A_16] {strides = array<i32>} : memref<192xf32, #tpu.memory_space<vmem>>, vector<16xf32>,
    %get3A_18 = arith.constant 144 : index
    %get3A_19 = tpu.vector_load %arg12[%get3A_18] {strides = array<i32>} : memref<192xf32, #tpu.memory_space<vmem>>, vector<16xf32>,
    %get3A_20 = arith.constant 160 : index
    %get3A_21 = tpu.vector_load %arg12[%get3A_20] {strides = array<i32>} : memref<192xf32, #tpu.memory_space<vmem>>, vector<16xf32>,
    %get3A_22 = arith.constant 176 : index
    %get3A_23 = tpu.vector_load %arg12[%get3A_22] {strides = array<i32>} : memref<192xf32, #tpu.memory_space<vmem>>, vector<16xf32>,
    %get3A_24 = arith.constant 0 : i32
    %get3A_25 = arith.index_cast %get3A_24 : i32 to index
    %get3A_26 = arith.constant 0 : index
    %get3A_27 = tpu.vector_load %arg13[%get3A_25, %get3A_26] {strides = array<i32>} : memref<1x64xf32, #tpu.memory_space<vmem>>, vector<16xf32>,
    %get3A_28 = arith.constant 0 : i32
    %get3A_29 = arith.index_cast %get3A_28 : i32 to index
    %get3A_30 = arith.constant 16 : index
    %get3A_31 = tpu.vector_load %arg13[%get3A_29, %get3A_30] {strides = array<i32>} : memref<1x64xf32, #tpu.memory_space<vmem>>, vector<16xf32>,
    %get3A_32 = arith.constant 0 : i32
    %get3A_33 = arith.index_cast %get3A_32 : i32 to index
    %get3A_34 = arith.constant 32 : index
    %get3A_35 = tpu.vector_load %arg13[%get3A_33, %get3A_34] {strides = array<i32>} : memref<1x64xf32, #tpu.memory_space<vmem>>, vector<16xf32>,
    %get3A_36 = arith.constant 0 : i32
    %get3A_37 = arith.index_cast %get3A_36 : i32 to index
    %get3A_38 = arith.constant 48 : index
    %get3A_39 = tpu.vector_load %arg13[%get3A_37, %get3A_38] {strides = array<i32>} : memref<1x64xf32, #tpu.memory_space<vmem>>, vector<16xf32>,
    %iota3A = tpu.iota {dimensions = array<i32: 0>} : vector<16xi32>
    %lt3A = arith.constant 4 : i32
    %lt3A_40 = vector.broadcast %lt3A : i32 to vector<16xi32>
    %lt3A_41 = arith.cmpi slt, %iota3A, %lt3A_40 : vector<16xi32>
    %mul3A_42 = arith.constant 50 : i32
    %mul3A_43 = arith.muli %add3A, %mul3A_42 : i32
    %add3A_44 = arith.constant 0 : i32
    %add3A_45 = arith.addi %mul3A_43, %add3A_44 : i32
    %mul3A_46 = arith.constant 640 : i32
    %mul3A_47 = arith.muli %add3A_45, %mul3A_46 : i32
    %dma_start3A = arith.constant 0 : i32
    %dma_start3A_48 = tpu.memref_slice %arg6[%dma_start3A] : memref<656xi32, #tpu.memory_space<vmem>> -> memref<640xi32, #tpu.memory_space<vmem>>
    %dma_start3A_49 = tpu.memref_slice %arg3[%mul3A_47] : memref<1024000xi32, #tpu.memory_space<hbm>> -> memref<640xi32, #tpu.memory_space<hbm>>
    %dma_start3A_50 = arith.constant 0 : i32
    %dma_start3A_51 = tpu.memref_slice %arg6[%dma_start3A_50] : memref<656xi32, #tpu.memory_space<vmem>> -> memref<640xi32, #tpu.memory_space<vmem>>
    %dma_start3A_52 = tpu.memref_slice %arg3[%mul3A_47] : memref<1024000xi32, #tpu.memory_space<hbm>> -> memref<640xi32, #tpu.memory_space<hbm>>
    tpu.enqueue_dma source(%dma_start3A_52 : memref<640xi32, #tpu.memory_space<hbm>>) target(%dma_start3A_51 : memref<640xi32, #tpu.memory_space<vmem>>) target_semaphore(%arg14 : memref<!tpu.dma_semaphore, #tpu.memory_space<semaphore_mem>>)
    %mul3A_53 = arith.constant 50 : i32
    %mul3A_54 = arith.muli %add3A, %mul3A_53 : i32
    %add3A_55 = arith.constant 1 : i32
    %add3A_56 = arith.addi %mul3A_54, %add3A_55 : i32
    %mul3A_57 = arith.constant 640 : i32
    %mul3A_58 = arith.muli %add3A_56, %mul3A_57 : i32
    %dma_start3A_59 = arith.constant 0 : i32
    %dma_start3A_60 = tpu.memref_slice %arg7[%dma_start3A_59] : memref<656xi32, #tpu.memory_space<vmem>> -> memref<640xi32, #tpu.memory_space<vmem>>
    %dma_start3A_61 = tpu.memref_slice %arg3[%mul3A_58] : memref<1024000xi32, #tpu.memory_space<hbm>> -> memref<640xi32, #tpu.memory_space<hbm>>
    %dma_start3A_62 = arith.constant 0 : i32
    %dma_start3A_63 = tpu.memref_slice %arg7[%dma_start3A_62] : memref<656xi32, #tpu.memory_space<vmem>> -> memref<640xi32, #tpu.memory_space<vmem>>
    %dma_start3A_64 = tpu.memref_slice %arg3[%mul3A_58] : memref<1024000xi32, #tpu.memory_space<hbm>> -> memref<640xi32, #tpu.memory_space<hbm>>
    tpu.enqueue_dma source(%dma_start3A_64 : memref<640xi32, #tpu.memory_space<hbm>>) target(%dma_start3A_63 : memref<640xi32, #tpu.memory_space<vmem>>) target_semaphore(%arg15 : memref<!tpu.dma_semaphore, #tpu.memory_space<semaphore_mem>>)
    %mul3A_65 = arith.constant 50 : i32
    %mul3A_66 = arith.muli %add3A, %mul3A_65 : i32
    %add3A_67 = arith.constant 0 : i32
    %add3A_68 = arith.addi %mul3A_66, %add3A_67 : i32
    %mul3A_69 = arith.constant 640 : i32
    %mul3A_70 = arith.muli %add3A_68, %mul3A_69 : i32
    %dma_wait3A = arith.constant 0 : i32
    %dma_wait3A_71 = tpu.memref_slice %arg6[%dma_wait3A] : memref<656xi32, #tpu.memory_space<vmem>> -> memref<640xi32, #tpu.memory_space<vmem>>
    %dma_wait3A_72 = tpu.memref_slice %arg3[%mul3A_70] : memref<1024000xi32, #tpu.memory_space<hbm>> -> memref<640xi32, #tpu.memory_space<hbm>>
    %dma_wait3A_73 = arith.constant 0 : i32
    %dma_wait3A_74 = tpu.memref_slice %arg6[%dma_wait3A_73] : memref<656xi32, #tpu.memory_space<vmem>> -> memref<640xi32, #tpu.memory_space<vmem>>
    %dma_wait3A_75 = tpu.memref_slice %arg3[%mul3A_70] : memref<1024000xi32, #tpu.memory_space<hbm>> -> memref<640xi32, #tpu.memory_space<hbm>>
    tpu.wait_dma2 semaphore(%arg14 : memref<!tpu.dma_semaphore, #tpu.memory_space<semaphore_mem>>) src(%dma_wait3A_75 : memref<640xi32, #tpu.memory_space<hbm>>) dst(%dma_wait3A_74 : memref<640xi32, #tpu.memory_space<vmem>>)
    %dma_start3A_76 = arith.constant 0 : i32
    %dma_start3A_77 = arith.constant 0 : i32
    %dma_start3A_78 = tpu.memref_slice %arg8[%dma_start3A_76, %dma_start3A_77] : memref<640x64xf32, #tpu.memory_space<vmem>> -> memref<128x64xf32, #tpu.memory_space<vmem>>
    %dma_start3A_79 = arith.constant 0 : i32
    %dma_start3A_80 = tpu.memref_slice %arg6[%dma_start3A_79] : memref<656xi32, #tpu.memory_space<vmem>> -> memref<128xi32, #tpu.memory_space<vmem>>
    %dma_start3A_81 = arith.constant 0 : i32
    %dma_start3A_82 = arith.constant 0 : i32
    %dma_start3A_83 = tpu.memref_slice %arg2[%dma_start3A_81, %dma_start3A_82] : memref<1000000x64xf32, #tpu.memory_space<hbm>> -> memref<1000000x64xf32, #tpu.memory_space<hbm>>
    tpu.enqueue_indirect_dma source(%dma_start3A_83 : memref<1000000x64xf32, #tpu.memory_space<hbm>>) target(%dma_start3A_78 : memref<128x64xf32, #tpu.memory_space<vmem>>) offsets(%dma_start3A_80 : memref<128xi32, #tpu.memory_space<vmem>>) semaphore(%arg16 : memref<!tpu.dma_semaphore, #tpu.memory_space<semaphore_mem>>)
    %dma_start3A_84 = arith.constant 128 : i32
    %dma_start3A_85 = arith.constant 0 : i32
    %dma_start3A_86 = tpu.memref_slice %arg8[%dma_start3A_84, %dma_start3A_85] : memref<640x64xf32, #tpu.memory_space<vmem>> -> memref<128x64xf32, #tpu.memory_space<vmem>>
    %dma_start3A_87 = arith.constant 128 : i32
    %dma_start3A_88 = tpu.memref_slice %arg6[%dma_start3A_87] : memref<656xi32, #tpu.memory_space<vmem>> -> memref<128xi32, #tpu.memory_space<vmem>>
    %dma_start3A_89 = arith.constant 0 : i32
    %dma_start3A_90 = arith.constant 0 : i32
    %dma_start3A_91 = tpu.memref_slice %arg2[%dma_start3A_89, %dma_start3A_90] : memref<1000000x64xf32, #tpu.memory_space<hbm>> -> memref<1000000x64xf32, #tpu.memory_space<hbm>>
    tpu.enqueue_indirect_dma source(%dma_start3A_91 : memref<1000000x64xf32, #tpu.memory_space<hbm>>) target(%dma_start3A_86 : memref<128x64xf32, #tpu.memory_space<vmem>>) offsets(%dma_start3A_88 : memref<128xi32, #tpu.memory_space<vmem>>) semaphore(%arg16 : memref<!tpu.dma_semaphore, #tpu.memory_space<semaphore_mem>>)
    %dma_start3A_92 = arith.constant 256 : i32
    %dma_start3A_93 = arith.constant 0 : i32
    %dma_start3A_94 = tpu.memref_slice %arg8[%dma_start3A_92, %dma_start3A_93] : memref<640x64xf32, #tpu.memory_space<vmem>> -> memref<128x64xf32, #tpu.memory_space<vmem>>
    %dma_start3A_95 = arith.constant 256 : i32
    %dma_start3A_96 = tpu.memref_slice %arg6[%dma_start3A_95] : memref<656xi32, #tpu.memory_space<vmem>> -> memref<128xi32, #tpu.memory_space<vmem>>
    %dma_start3A_97 = arith.constant 0 : i32
    %dma_start3A_98 = arith.constant 0 : i32
    %dma_start3A_99 = tpu.memref_slice %arg2[%dma_start3A_97, %dma_start3A_98] : memref<1000000x64xf32, #tpu.memory_space<hbm>> -> memref<1000000x64xf32, #tpu.memory_space<hbm>>
    tpu.enqueue_indirect_dma source(%dma_start3A_99 : memref<1000000x64xf32, #tpu.memory_space<hbm>>) target(%dma_start3A_94 : memref<128x64xf32, #tpu.memory_space<vmem>>) offsets(%dma_start3A_96 : memref<128xi32, #tpu.memory_space<vmem>>) semaphore(%arg16 : memref<!tpu.dma_semaphore, #tpu.memory_space<semaphore_mem>>)
    %dma_start3A_100 = arith.constant 384 : i32
    %dma_start3A_101 = arith.constant 0 : i32
    %dma_start3A_102 = tpu.memref_slice %arg8[%dma_start3A_100, %dma_start3A_101] : memref<640x64xf32, #tpu.memory_space<vmem>> -> memref<128x64xf32, #tpu.memory_space<vmem>>
    %dma_start3A_103 = arith.constant 384 : i32
    %dma_start3A_104 = tpu.memref_slice %arg6[%dma_start3A_103] : memref<656xi32, #tpu.memory_space<vmem>> -> memref<128xi32, #tpu.memory_space<vmem>>
    %dma_start3A_105 = arith.constant 0 : i32
    %dma_start3A_106 = arith.constant 0 : i32
    %dma_start3A_107 = tpu.memref_slice %arg2[%dma_start3A_105, %dma_start3A_106] : memref<1000000x64xf32, #tpu.memory_space<hbm>> -> memref<1000000x64xf32, #tpu.memory_space<hbm>>
    tpu.enqueue_indirect_dma source(%dma_start3A_107 : memref<1000000x64xf32, #tpu.memory_space<hbm>>) target(%dma_start3A_102 : memref<128x64xf32, #tpu.memory_space<vmem>>) offsets(%dma_start3A_104 : memref<128xi32, #tpu.memory_space<vmem>>) semaphore(%arg16 : memref<!tpu.dma_semaphore, #tpu.memory_space<semaphore_mem>>)
    %dma_start3A_108 = arith.constant 512 : i32
    %dma_start3A_109 = arith.constant 0 : i32
    %dma_start3A_110 = tpu.memref_slice %arg8[%dma_start3A_108, %dma_start3A_109] : memref<640x64xf32, #tpu.memory_space<vmem>> -> memref<128x64xf32, #tpu.memory_space<vmem>>
    %dma_start3A_111 = arith.constant 512 : i32
    %dma_start3A_112 = tpu.memref_slice %arg6[%dma_start3A_111] : memref<656xi32, #tpu.memory_space<vmem>> -> memref<128xi32, #tpu.memory_space<vmem>>
    %dma_start3A_113 = arith.constant 0 : i32
    %dma_start3A_114 = arith.constant 0 : i32
    %dma_start3A_115 = tpu.memref_slice %arg2[%dma_start3A_113, %dma_start3A_114] : memref<1000000x64xf32, #tpu.memory_space<hbm>> -> memref<1000000x64xf32, #tpu.memory_space<hbm>>
    tpu.enqueue_indirect_dma source(%dma_start3A_115 : memref<1000000x64xf32, #tpu.memory_space<hbm>>) target(%dma_start3A_110 : memref<128x64xf32, #tpu.memory_space<vmem>>) offsets(%dma_start3A_112 : memref<128xi32, #tpu.memory_space<vmem>>) semaphore(%arg16 : memref<!tpu.dma_semaphore, #tpu.memory_space<semaphore_mem>>)
    %scan3A = arith.constant 0 : i32
    %scan3A_116 = arith.constant 5.000000e-02 : f32
    %scan3A_117 = arith.constant 1.562500e-02 : f32
    %scan3A_118 = arith.constant 0 : i32
    %scan3A_119 = arith.constant 25 : i32
    %scan3A_120 = arith.addi %scan3A_118, %scan3A_119 : i32
    %scan3A_121 = arith.constant 1 : i32
    scf.for %scan3A_143 = %scan3A_118 to %scan3A_120 step %scan3A_121  : i32 {
      %mul3A_144 = arith.constant 2 : i32
      %mul3A_145 = arith.muli %mul3A_144, %scan3A_143 : i32
      %add3A_146 = arith.constant 0 : i32
      %add3A_147 = arith.addi %mul3A_145, %add3A_146 : i32
      %add3A_148 = arith.constant 1 : i32
      %add3A_149 = arith.addi %add3A_147, %add3A_148 : i32
      %lt3A_150 = arith.constant 50 : i32
      %lt3A_151 = arith.cmpi slt, %add3A_149, %lt3A_150 : i32
      %convert_element_type3A = arith.extui %lt3A_151 : i1 to i32
      %cond3A = arith.constant 0 : i32
      %cond3A_152 = arith.cmpi ne, %convert_element_type3A, %cond3A : i32
      scf.if %cond3A_152 {
        %add3A_297 = arith.constant 1 : i32
        %add3A_298 = arith.addi %add3A_147, %add3A_297 : i32
        %mul3A_299 = arith.constant 50 : i32
        %mul3A_300 = arith.muli %add3A, %mul3A_299 : i32
        %add3A_301 = arith.addi %mul3A_300, %add3A_298 : i32
        %mul3A_302 = arith.constant 640 : i32
        %mul3A_303 = arith.muli %add3A_301, %mul3A_302 : i32
        %dma_wait3A_304 = arith.constant 0 : i32
        %dma_wait3A_305 = tpu.memref_slice %arg7[%dma_wait3A_304] : memref<656xi32, #tpu.memory_space<vmem>> -> memref<640xi32, #tpu.memory_space<vmem>>
        %dma_wait3A_306 = tpu.memref_slice %arg3[%mul3A_303] : memref<1024000xi32, #tpu.memory_space<hbm>> -> memref<640xi32, #tpu.memory_space<hbm>>
        %dma_wait3A_307 = arith.constant 0 : i32
        %dma_wait3A_308 = tpu.memref_slice %arg7[%dma_wait3A_307] : memref<656xi32, #tpu.memory_space<vmem>> -> memref<640xi32, #tpu.memory_space<vmem>>
        %dma_wait3A_309 = tpu.memref_slice %arg3[%mul3A_303] : memref<1024000xi32, #tpu.memory_space<hbm>> -> memref<640xi32, #tpu.memory_space<hbm>>
        tpu.wait_dma2 semaphore(%arg15 : memref<!tpu.dma_semaphore, #tpu.memory_space<semaphore_mem>>) src(%dma_wait3A_309 : memref<640xi32, #tpu.memory_space<hbm>>) dst(%dma_wait3A_308 : memref<640xi32, #tpu.memory_space<vmem>>)
        %dma_start3A_310 = arith.constant 0 : i32
        %dma_start3A_311 = arith.constant 0 : i32
        %dma_start3A_312 = tpu.memref_slice %arg9[%dma_start3A_310, %dma_start3A_311] : memref<640x64xf32, #tpu.memory_space<vmem>> -> memref<128x64xf32, #tpu.memory_space<vmem>>
        %dma_start3A_313 = arith.constant 0 : i32
        %dma_start3A_314 = tpu.memref_slice %arg7[%dma_start3A_313] : memref<656xi32, #tpu.memory_space<vmem>> -> memref<128xi32, #tpu.memory_space<vmem>>
        %dma_start3A_315 = arith.constant 0 : i32
        %dma_start3A_316 = arith.constant 0 : i32
        %dma_start3A_317 = tpu.memref_slice %arg2[%dma_start3A_315, %dma_start3A_316] : memref<1000000x64xf32, #tpu.memory_space<hbm>> -> memref<1000000x64xf32, #tpu.memory_space<hbm>>
        tpu.enqueue_indirect_dma source(%dma_start3A_317 : memref<1000000x64xf32, #tpu.memory_space<hbm>>) target(%dma_start3A_312 : memref<128x64xf32, #tpu.memory_space<vmem>>) offsets(%dma_start3A_314 : memref<128xi32, #tpu.memory_space<vmem>>) semaphore(%arg17 : memref<!tpu.dma_semaphore, #tpu.memory_space<semaphore_mem>>)
        %dma_start3A_318 = arith.constant 128 : i32
        %dma_start3A_319 = arith.constant 0 : i32
        %dma_start3A_320 = tpu.memref_slice %arg9[%dma_start3A_318, %dma_start3A_319] : memref<640x64xf32, #tpu.memory_space<vmem>> -> memref<128x64xf32, #tpu.memory_space<vmem>>
        %dma_start3A_321 = arith.constant 128 : i32
        %dma_start3A_322 = tpu.memref_slice %arg7[%dma_start3A_321] : memref<656xi32, #tpu.memory_space<vmem>> -> memref<128xi32, #tpu.memory_space<vmem>>
        %dma_start3A_323 = arith.constant 0 : i32
        %dma_start3A_324 = arith.constant 0 : i32
        %dma_start3A_325 = tpu.memref_slice %arg2[%dma_start3A_323, %dma_start3A_324] : memref<1000000x64xf32, #tpu.memory_space<hbm>> -> memref<1000000x64xf32, #tpu.memory_space<hbm>>
        tpu.enqueue_indirect_dma source(%dma_start3A_325 : memref<1000000x64xf32, #tpu.memory_space<hbm>>) target(%dma_start3A_320 : memref<128x64xf32, #tpu.memory_space<vmem>>) offsets(%dma_start3A_322 : memref<128xi32, #tpu.memory_space<vmem>>) semaphore(%arg17 : memref<!tpu.dma_semaphore, #tpu.memory_space<semaphore_mem>>)
        %dma_start3A_326 = arith.constant 256 : i32
        %dma_start3A_327 = arith.constant 0 : i32
        %dma_start3A_328 = tpu.memref_slice %arg9[%dma_start3A_326, %dma_start3A_327] : memref<640x64xf32, #tpu.memory_space<vmem>> -> memref<128x64xf32, #tpu.memory_space<vmem>>
        %dma_start3A_329 = arith.constant 256 : i32
        %dma_start3A_330 = tpu.memref_slice %arg7[%dma_start3A_329] : memref<656xi32, #tpu.memory_space<vmem>> -> memref<128xi32, #tpu.memory_space<vmem>>
        %dma_start3A_331 = arith.constant 0 : i32
        %dma_start3A_332 = arith.constant 0 : i32
        %dma_start3A_333 = tpu.memref_slice %arg2[%dma_start3A_331, %dma_start3A_332] : memref<1000000x64xf32, #tpu.memory_space<hbm>> -> memref<1000000x64xf32, #tpu.memory_space<hbm>>
        tpu.enqueue_indirect_dma source(%dma_start3A_333 : memref<1000000x64xf32, #tpu.memory_space<hbm>>) target(%dma_start3A_328 : memref<128x64xf32, #tpu.memory_space<vmem>>) offsets(%dma_start3A_330 : memref<128xi32, #tpu.memory_space<vmem>>) semaphore(%arg17 : memref<!tpu.dma_semaphore, #tpu.memory_space<semaphore_mem>>)
        %dma_start3A_334 = arith.constant 384 : i32
        %dma_start3A_335 = arith.constant 0 : i32
        %dma_start3A_336 = tpu.memref_slice %arg9[%dma_start3A_334, %dma_start3A_335] : memref<640x64xf32, #tpu.memory_space<vmem>> -> memref<128x64xf32, #tpu.memory_space<vmem>>
        %dma_start3A_337 = arith.constant 384 : i32
        %dma_start3A_338 = tpu.memref_slice %arg7[%dma_start3A_337] : memref<656xi32, #tpu.memory_space<vmem>> -> memref<128xi32, #tpu.memory_space<vmem>>
        %dma_start3A_339 = arith.constant 0 : i32
        %dma_start3A_340 = arith.constant 0 : i32
        %dma_start3A_341 = tpu.memref_slice %arg2[%dma_start3A_339, %dma_start3A_340] : memref<1000000x64xf32, #tpu.memory_space<hbm>> -> memref<1000000x64xf32, #tpu.memory_space<hbm>>
        tpu.enqueue_indirect_dma source(%dma_start3A_341 : memref<1000000x64xf32, #tpu.memory_space<hbm>>) target(%dma_start3A_336 : memref<128x64xf32, #tpu.memory_space<vmem>>) offsets(%dma_start3A_338 : memref<128xi32, #tpu.memory_space<vmem>>) semaphore(%arg17 : memref<!tpu.dma_semaphore, #tpu.memory_space<semaphore_mem>>)
        %dma_start3A_342 = arith.constant 512 : i32
        %dma_start3A_343 = arith.constant 0 : i32
        %dma_start3A_344 = tpu.memref_slice %arg9[%dma_start3A_342, %dma_start3A_343] : memref<640x64xf32, #tpu.memory_space<vmem>> -> memref<128x64xf32, #tpu.memory_space<vmem>>
        %dma_start3A_345 = arith.constant 512 : i32
        %dma_start3A_346 = tpu.memref_slice %arg7[%dma_start3A_345] : memref<656xi32, #tpu.memory_space<vmem>> -> memref<128xi32, #tpu.memory_space<vmem>>
        %dma_start3A_347 = arith.constant 0 : i32
        %dma_start3A_348 = arith.constant 0 : i32
        %dma_start3A_349 = tpu.memref_slice %arg2[%dma_start3A_347, %dma_start3A_348] : memref<1000000x64xf32, #tpu.memory_space<hbm>> -> memref<1000000x64xf32, #tpu.memory_space<hbm>>
        tpu.enqueue_indirect_dma source(%dma_start3A_349 : memref<1000000x64xf32, #tpu.memory_space<hbm>>) target(%dma_start3A_344 : memref<128x64xf32, #tpu.memory_space<vmem>>) offsets(%dma_start3A_346 : memref<128xi32, #tpu.memory_space<vmem>>) semaphore(%arg17 : memref<!tpu.dma_semaphore, #tpu.memory_space<semaphore_mem>>)
      } else {
      }
      %dma_wait3A_153 = arith.constant 0 : i32
      %dma_wait3A_154 = arith.constant 0 : i32
      %dma_wait3A_155 = tpu.memref_slice %arg8[%dma_wait3A_153, %dma_wait3A_154] : memref<640x64xf32, #tpu.memory_space<vmem>> -> memref<128x64xf32, #tpu.memory_space<vmem>>
      %dma_wait3A_156 = arith.constant 0 : i32
      %dma_wait3A_157 = tpu.memref_slice %arg6[%dma_wait3A_156] : memref<656xi32, #tpu.memory_space<vmem>> -> memref<128xi32, #tpu.memory_space<vmem>>
      %dma_wait3A_158 = arith.constant 0 : i32
      %dma_wait3A_159 = arith.constant 0 : i32
      %dma_wait3A_160 = tpu.memref_slice %arg2[%dma_wait3A_158, %dma_wait3A_159] : memref<1000000x64xf32, #tpu.memory_space<hbm>> -> memref<1000000x64xf32, #tpu.memory_space<hbm>>
      tpu.wait_indirect_dma semaphore(%arg16 : memref<!tpu.dma_semaphore, #tpu.memory_space<semaphore_mem>>) src(%dma_wait3A_160 : memref<1000000x64xf32, #tpu.memory_space<hbm>>) dst(%dma_wait3A_155 : memref<128x64xf32, #tpu.memory_space<vmem>>)
      %dma_wait3A_161 = arith.constant 128 : i32
      %dma_wait3A_162 = arith.constant 0 : i32
      %dma_wait3A_163 = tpu.memref_slice %arg8[%dma_wait3A_161, %dma_wait3A_162] : memref<640x64xf32, #tpu.memory_space<vmem>> -> memref<128x64xf32, #tpu.memory_space<vmem>>
      %dma_wait3A_164 = arith.constant 128 : i32
      %dma_wait3A_165 = tpu.memref_slice %arg6[%dma_wait3A_164] : memref<656xi32, #tpu.memory_space<vmem>> -> memref<128xi32, #tpu.memory_space<vmem>>
      %dma_wait3A_166 = arith.constant 0 : i32
      %dma_wait3A_167 = arith.constant 0 : i32
      %dma_wait3A_168 = tpu.memref_slice %arg2[%dma_wait3A_166, %dma_wait3A_167] : memref<1000000x64xf32, #tpu.memory_space<hbm>> -> memref<1000000x64xf32, #tpu.memory_space<hbm>>
      tpu.wait_indirect_dma semaphore(%arg16 : memref<!tpu.dma_semaphore, #tpu.memory_space<semaphore_mem>>) src(%dma_wait3A_168 : memref<1000000x64xf32, #tpu.memory_space<hbm>>) dst(%dma_wait3A_163 : memref<128x64xf32, #tpu.memory_space<vmem>>)
      %dma_wait3A_169 = arith.constant 256 : i32
      %dma_wait3A_170 = arith.constant 0 : i32
      %dma_wait3A_171 = tpu.memref_slice %arg8[%dma_wait3A_169, %dma_wait3A_170] : memref<640x64xf32, #tpu.memory_space<vmem>> -> memref<128x64xf32, #tpu.memory_space<vmem>>
      %dma_wait3A_172 = arith.constant 256 : i32
      %dma_wait3A_173 = tpu.memref_slice %arg6[%dma_wait3A_172] : memref<656xi32, #tpu.memory_space<vmem>> -> memref<128xi32, #tpu.memory_space<vmem>>
      %dma_wait3A_174 = arith.constant 0 : i32
      %dma_wait3A_175 = arith.constant 0 : i32
      %dma_wait3A_176 = tpu.memref_slice %arg2[%dma_wait3A_174, %dma_wait3A_175] : memref<1000000x64xf32, #tpu.memory_space<hbm>> -> memref<1000000x64xf32, #tpu.memory_space<hbm>>
      tpu.wait_indirect_dma semaphore(%arg16 : memref<!tpu.dma_semaphore, #tpu.memory_space<semaphore_mem>>) src(%dma_wait3A_176 : memref<1000000x64xf32, #tpu.memory_space<hbm>>) dst(%dma_wait3A_171 : memref<128x64xf32, #tpu.memory_space<vmem>>)
      %dma_wait3A_177 = arith.constant 384 : i32
      %dma_wait3A_178 = arith.constant 0 : i32
      %dma_wait3A_179 = tpu.memref_slice %arg8[%dma_wait3A_177, %dma_wait3A_178] : memref<640x64xf32, #tpu.memory_space<vmem>> -> memref<128x64xf32, #tpu.memory_space<vmem>>
      %dma_wait3A_180 = arith.constant 384 : i32
      %dma_wait3A_181 = tpu.memref_slice %arg6[%dma_wait3A_180] : memref<656xi32, #tpu.memory_space<vmem>> -> memref<128xi32, #tpu.memory_space<vmem>>
      %dma_wait3A_182 = arith.constant 0 : i32
      %dma_wait3A_183 = arith.constant 0 : i32
      %dma_wait3A_184 = tpu.memref_slice %arg2[%dma_wait3A_182, %dma_wait3A_183] : memref<1000000x64xf32, #tpu.memory_space<hbm>> -> memref<1000000x64xf32, #tpu.memory_space<hbm>>
      tpu.wait_indirect_dma semaphore(%arg16 : memref<!tpu.dma_semaphore, #tpu.memory_space<semaphore_mem>>) src(%dma_wait3A_184 : memref<1000000x64xf32, #tpu.memory_space<hbm>>) dst(%dma_wait3A_179 : memref<128x64xf32, #tpu.memory_space<vmem>>)
      %dma_wait3A_185 = arith.constant 512 : i32
      %dma_wait3A_186 = arith.constant 0 : i32
      %dma_wait3A_187 = tpu.memref_slice %arg8[%dma_wait3A_185, %dma_wait3A_186] : memref<640x64xf32, #tpu.memory_space<vmem>> -> memref<128x64xf32, #tpu.memory_space<vmem>>
      %dma_wait3A_188 = arith.constant 512 : i32
      %dma_wait3A_189 = tpu.memref_slice %arg6[%dma_wait3A_188] : memref<656xi32, #tpu.memory_space<vmem>> -> memref<128xi32, #tpu.memory_space<vmem>>
      %dma_wait3A_190 = arith.constant 0 : i32
      %dma_wait3A_191 = arith.constant 0 : i32
      %dma_wait3A_192 = tpu.memref_slice %arg2[%dma_wait3A_190, %dma_wait3A_191] : memref<1000000x64xf32, #tpu.memory_space<hbm>> -> memref<1000000x64xf32, #tpu.memory_space<hbm>>
      tpu.wait_indirect_dma semaphore(%arg16 : memref<!tpu.dma_semaphore, #tpu.memory_space<semaphore_mem>>) src(%dma_wait3A_192 : memref<1000000x64xf32, #tpu.memory_space<hbm>>) dst(%dma_wait3A_187 : memref<128x64xf32, #tpu.memory_space<vmem>>)
      %ge3A = arith.constant 2 : i32
      %ge3A_193 = arith.cmpi sge, %add3A_147, %ge3A : i32
      %convert_element_type3A_194 = arith.extui %ge3A_193 : i1 to i32
      %cond3A_195 = arith.constant 0 : i32
      %cond3A_196 = arith.cmpi ne, %convert_element_type3A_194, %cond3A_195 : i32
      scf.if %cond3A_196 {
        %mul3A_297 = arith.constant 50 : i32
        %mul3A_298 = arith.muli %add3A, %mul3A_297 : i32
        %add3A_299 = arith.addi %mul3A_298, %add3A_147 : i32
        %mul3A_300 = arith.constant 32 : i32
        %mul3A_301 = arith.muli %add3A_299, %mul3A_300 : i32
        %dma_wait3A_302 = arith.constant 0 : i32
        %dma_wait3A_303 = tpu.memref_slice %arg5[%mul3A_301, %dma_wait3A_302] : memref<51200x64xf32, #tpu.memory_space<hbm>> -> memref<32x64xf32, #tpu.memory_space<hbm>>
        %dma_wait3A_304 = arith.constant 0 : i32
        %dma_wait3A_305 = tpu.memref_slice %arg5[%mul3A_301, %dma_wait3A_304] : memref<51200x64xf32, #tpu.memory_space<hbm>> -> memref<32x64xf32, #tpu.memory_space<hbm>>
        tpu.wait_dma2 semaphore(%arg18 : memref<!tpu.dma_semaphore, #tpu.memory_space<semaphore_mem>>) src(%arg10 : memref<32x64xf32, #tpu.memory_space<vmem>>) dst(%dma_wait3A_305 : memref<32x64xf32, #tpu.memory_space<hbm>>)
      } else {
      }
      %scan3A_197 = arith.constant 0 : i32
      %scan3A_198 = arith.constant 0 : i32
      %scan3A_199 = arith.constant 32 : i32
      %scan3A_200 = arith.addi %scan3A_198, %scan3A_199 : i32
      %scan3A_201 = arith.constant 1 : i32
      scf.for %scan3A_297 = %scan3A_198 to %scan3A_200 step %scan3A_201  : i32 {
        %mul3A_298 = arith.constant 20 : i32
        %mul3A_299 = arith.muli %scan3A_297, %mul3A_298 : i32
        %get3A_300 = arith.index_cast %mul3A_299 : i32 to index
        %get3A_301 = tpu.vector_load %arg6[%get3A_300] {strides = array<i32>} : memref<656xi32, #tpu.memory_space<vmem>>, vector<16xi32>,
        %add3A_302 = arith.constant 16 : i32
        %add3A_303 = arith.addi %mul3A_299, %add3A_302 : i32
        %get3A_304 = arith.index_cast %add3A_303 : i32 to index
        %get3A_305 = tpu.vector_load %arg6[%get3A_304] {strides = array<i32>} : memref<656xi32, #tpu.memory_space<vmem>>, vector<16xi32>,
        %eq3A = arith.constant 0 : i32
        %eq3A_306 = vector.broadcast %eq3A : i32 to vector<16xi32>
        %eq3A_307 = arith.cmpi eq, %get3A_301, %eq3A_306 : vector<16xi32>
        %all_reduce_population_count3A = tpu.all_reduce %eq3A_307 {dim = 0 : i64, kind = #tpu.reduction_kind<sum>} : vector<16xi1> -> vector<16xi32>
        %eq3A_308 = arith.constant 0 : i32
        %eq3A_309 = vector.broadcast %eq3A_308 : i32 to vector<16xi32>
        %eq3A_310 = arith.cmpi eq, %get3A_305, %eq3A_309 : vector<16xi32>
        %and3A = arith.andi %eq3A_310, %lt3A_41 : vector<16xi1>
        %all_reduce_population_count3A_311 = tpu.all_reduce %and3A {dim = 0 : i64, kind = #tpu.reduction_kind<sum>} : vector<16xi1> -> vector<16xi32>
        %add3A_312 = arith.addi %all_reduce_population_count3A, %all_reduce_population_count3A_311 : vector<16xi32>
        %convert_element_type3A_313 = arith.sitofp %add3A_312 : vector<16xi32> to vector<16xf32>
        %broadcast_in_dim3A = arith.constant 0.000000e+00 : f32
        %broadcast_in_dim3A_314 = vector.broadcast %broadcast_in_dim3A : f32 to vector<16xf32>
        %broadcast_in_dim3A_315 = arith.constant 0.000000e+00 : f32
        %broadcast_in_dim3A_316 = vector.broadcast %broadcast_in_dim3A_315 : f32 to vector<16xf32>
        %broadcast_in_dim3A_317 = arith.constant 0.000000e+00 : f32
        %broadcast_in_dim3A_318 = vector.broadcast %broadcast_in_dim3A_317 : f32 to vector<16xf32>
        %broadcast_in_dim3A_319 = arith.constant 0.000000e+00 : f32
        %broadcast_in_dim3A_320 = vector.broadcast %broadcast_in_dim3A_319 : f32 to vector<16xf32>
        %add3A_321 = arith.constant 0 : i32
        %add3A_322 = arith.addi %mul3A_299, %add3A_321 : i32
        %get3A_323 = arith.index_cast %add3A_322 : i32 to index
        %get3A_324 = arith.constant 0 : index
        %get3A_325 = tpu.vector_load %arg8[%get3A_323, %get3A_324] {strides = array<i32>} : memref<640x64xf32, #tpu.memory_space<vmem>>, vector<16xf32>,
        %add3A_326 = arith.addf %broadcast_in_dim3A_314, %get3A_325 : vector<16xf32>
        %add3A_327 = arith.constant 0 : i32
        %add3A_328 = arith.addi %mul3A_299, %add3A_327 : i32
        %get3A_329 = arith.index_cast %add3A_328 : i32 to index
        %get3A_330 = arith.constant 16 : index
        %get3A_331 = tpu.vector_load %arg8[%get3A_329, %get3A_330] {strides = array<i32>} : memref<640x64xf32, #tpu.memory_space<vmem>>, vector<16xf32>,
        %add3A_332 = arith.addf %broadcast_in_dim3A_316, %get3A_331 : vector<16xf32>
        %add3A_333 = arith.constant 0 : i32
        %add3A_334 = arith.addi %mul3A_299, %add3A_333 : i32
        %get3A_335 = arith.index_cast %add3A_334 : i32 to index
        %get3A_336 = arith.constant 32 : index
        %get3A_337 = tpu.vector_load %arg8[%get3A_335, %get3A_336] {strides = array<i32>} : memref<640x64xf32, #tpu.memory_space<vmem>>, vector<16xf32>,
        %add3A_338 = arith.addf %broadcast_in_dim3A_318, %get3A_337 : vector<16xf32>
        %add3A_339 = arith.constant 0 : i32
        %add3A_340 = arith.addi %mul3A_299, %add3A_339 : i32
        %get3A_341 = arith.index_cast %add3A_340 : i32 to index
        %get3A_342 = arith.constant 48 : index
        %get3A_343 = tpu.vector_load %arg8[%get3A_341, %get3A_342] {strides = array<i32>} : memref<640x64xf32, #tpu.memory_space<vmem>>, vector<16xf32>,
        %add3A_344 = arith.addf %broadcast_in_dim3A_320, %get3A_343 : vector<16xf32>
        %add3A_345 = arith.constant 1 : i32
        %add3A_346 = arith.addi %mul3A_299, %add3A_345 : i32
        %get3A_347 = arith.index_cast %add3A_346 : i32 to index
        %get3A_348 = arith.constant 0 : index
        %get3A_349 = tpu.vector_load %arg8[%get3A_347, %get3A_348] {strides = array<i32>} : memref<640x64xf32, #tpu.memory_space<vmem>>, vector<16xf32>,
        %add3A_350 = arith.addf %add3A_326, %get3A_349 : vector<16xf32>
        %add3A_351 = arith.constant 1 : i32
        %add3A_352 = arith.addi %mul3A_299, %add3A_351 : i32
        %get3A_353 = arith.index_cast %add3A_352 : i32 to index
        %get3A_354 = arith.constant 16 : index
        %get3A_355 = tpu.vector_load %arg8[%get3A_353, %get3A_354] {strides = array<i32>} : memref<640x64xf32, #tpu.memory_space<vmem>>, vector<16xf32>,
        %add3A_356 = arith.addf %add3A_332, %get3A_355 : vector<16xf32>
        %add3A_357 = arith.constant 1 : i32
        %add3A_358 = arith.addi %mul3A_299, %add3A_357 : i32
        %get3A_359 = arith.index_cast %add3A_358 : i32 to index
        %get3A_360 = arith.constant 32 : index
        %get3A_361 = tpu.vector_load %arg8[%get3A_359, %get3A_360] {strides = array<i32>} : memref<640x64xf32, #tpu.memory_space<vmem>>, vector<16xf32>,
        %add3A_362 = arith.addf %add3A_338, %get3A_361 : vector<16xf32>
        %add3A_363 = arith.constant 1 : i32
        %add3A_364 = arith.addi %mul3A_299, %add3A_363 : i32
        %get3A_365 = arith.index_cast %add3A_364 : i32 to index
        %get3A_366 = arith.constant 48 : index
        %get3A_367 = tpu.vector_load %arg8[%get3A_365, %get3A_366] {strides = array<i32>} : memref<640x64xf32, #tpu.memory_space<vmem>>, vector<16xf32>,
        %add3A_368 = arith.addf %add3A_344, %get3A_367 : vector<16xf32>
        %add3A_369 = arith.constant 2 : i32
        %add3A_370 = arith.addi %mul3A_299, %add3A_369 : i32
        %get3A_371 = arith.index_cast %add3A_370 : i32 to index
        %get3A_372 = arith.constant 0 : index
        %get3A_373 = tpu.vector_load %arg8[%get3A_371, %get3A_372] {strides = array<i32>} : memref<640x64xf32, #tpu.memory_space<vmem>>, vector<16xf32>,
        %add3A_374 = arith.addf %add3A_350, %get3A_373 : vector<16xf32>
        %add3A_375 = arith.constant 2 : i32
        %add3A_376 = arith.addi %mul3A_299, %add3A_375 : i32
        %get3A_377 = arith.index_cast %add3A_376 : i32 to index
        %get3A_378 = arith.constant 16 : index
        %get3A_379 = tpu.vector_load %arg8[%get3A_377, %get3A_378] {strides = array<i32>} : memref<640x64xf32, #tpu.memory_space<vmem>>, vector<16xf32>,
        %add3A_380 = arith.addf %add3A_356, %get3A_379 : vector<16xf32>
        %add3A_381 = arith.constant 2 : i32
        %add3A_382 = arith.addi %mul3A_299, %add3A_381 : i32
        %get3A_383 = arith.index_cast %add3A_382 : i32 to index
        %get3A_384 = arith.constant 32 : index
        %get3A_385 = tpu.vector_load %arg8[%get3A_383, %get3A_384] {strides = array<i32>} : memref<640x64xf32, #tpu.memory_space<vmem>>, vector<16xf32>,
        %add3A_386 = arith.addf %add3A_362, %get3A_385 : vector<16xf32>
        %add3A_387 = arith.constant 2 : i32
        %add3A_388 = arith.addi %mul3A_299, %add3A_387 : i32
        %get3A_389 = arith.index_cast %add3A_388 : i32 to index
        %get3A_390 = arith.constant 48 : index
        %get3A_391 = tpu.vector_load %arg8[%get3A_389, %get3A_390] {strides = array<i32>} : memref<640x64xf32, #tpu.memory_space<vmem>>, vector<16xf32>,
        %add3A_392 = arith.addf %add3A_368, %get3A_391 : vector<16xf32>
        %add3A_393 = arith.constant 3 : i32
        %add3A_394 = arith.addi %mul3A_299, %add3A_393 : i32
        %get3A_395 = arith.index_cast %add3A_394 : i32 to index
        %get3A_396 = arith.constant 0 : index
        %get3A_397 = tpu.vector_load %arg8[%get3A_395, %get3A_396] {strides = array<i32>} : memref<640x64xf32, #tpu.memory_space<vmem>>, vector<16xf32>,
        %add3A_398 = arith.addf %add3A_374, %get3A_397 : vector<16xf32>
        %add3A_399 = arith.constant 3 : i32
        %add3A_400 = arith.addi %mul3A_299, %add3A_399 : i32
        %get3A_401 = arith.index_cast %add3A_400 : i32 to index
        %get3A_402 = arith.constant 16 : index
        %get3A_403 = tpu.vector_load %arg8[%get3A_401, %get3A_402] {strides = array<i32>} : memref<640x64xf32, #tpu.memory_space<vmem>>, vector<16xf32>,
        %add3A_404 = arith.addf %add3A_380, %get3A_403 : vector<16xf32>
        %add3A_405 = arith.constant 3 : i32
        %add3A_406 = arith.addi %mul3A_299, %add3A_405 : i32
        %get3A_407 = arith.index_cast %add3A_406 : i32 to index
        %get3A_408 = arith.constant 32 : index
        %get3A_409 = tpu.vector_load %arg8[%get3A_407, %get3A_408] {strides = array<i32>} : memref<640x64xf32, #tpu.memory_space<vmem>>, vector<16xf32>,
        %add3A_410 = arith.addf %add3A_386, %get3A_409 : vector<16xf32>
        %add3A_411 = arith.constant 3 : i32
        %add3A_412 = arith.addi %mul3A_299, %add3A_411 : i32
        %get3A_413 = arith.index_cast %add3A_412 : i32 to index
        %get3A_414 = arith.constant 48 : index
        %get3A_415 = tpu.vector_load %arg8[%get3A_413, %get3A_414] {strides = array<i32>} : memref<640x64xf32, #tpu.memory_space<vmem>>, vector<16xf32>,
        %add3A_416 = arith.addf %add3A_392, %get3A_415 : vector<16xf32>
        %add3A_417 = arith.constant 4 : i32
        %add3A_418 = arith.addi %mul3A_299, %add3A_417 : i32
        %get3A_419 = arith.index_cast %add3A_418 : i32 to index
        %get3A_420 = arith.constant 0 : index
        %get3A_421 = tpu.vector_load %arg8[%get3A_419, %get3A_420] {strides = array<i32>} : memref<640x64xf32, #tpu.memory_space<vmem>>, vector<16xf32>,
        %add3A_422 = arith.addf %add3A_398, %get3A_421 : vector<16xf32>
        %add3A_423 = arith.constant 4 : i32
        %add3A_424 = arith.addi %mul3A_299, %add3A_423 : i32
        %get3A_425 = arith.index_cast %add3A_424 : i32 to index
        %get3A_426 = arith.constant 16 : index
        %get3A_427 = tpu.vector_load %arg8[%get3A_425, %get3A_426] {strides = array<i32>} : memref<640x64xf32, #tpu.memory_space<vmem>>, vector<16xf32>,
        %add3A_428 = arith.addf %add3A_404, %get3A_427 : vector<16xf32>
        %add3A_429 = arith.constant 4 : i32
        %add3A_430 = arith.addi %mul3A_299, %add3A_429 : i32
        %get3A_431 = arith.index_cast %add3A_430 : i32 to index
        %get3A_432 = arith.constant 32 : index
        %get3A_433 = tpu.vector_load %arg8[%get3A_431, %get3A_432] {strides = array<i32>} : memref<640x64xf32, #tpu.memory_space<vmem>>, vector<16xf32>,
        %add3A_434 = arith.addf %add3A_410, %get3A_433 : vector<16xf32>
        %add3A_435 = arith.constant 4 : i32
        %add3A_436 = arith.addi %mul3A_299, %add3A_435 : i32
        %get3A_437 = arith.index_cast %add3A_436 : i32 to index
        %get3A_438 = arith.constant 48 : index
        %get3A_439 = tpu.vector_load %arg8[%get3A_437, %get3A_438] {strides = array<i32>} : memref<640x64xf32, #tpu.memory_space<vmem>>, vector<16xf32>,
        %add3A_440 = arith.addf %add3A_416, %get3A_439 : vector<16xf32>
        %add3A_441 = arith.constant 5 : i32
        %add3A_442 = arith.addi %mul3A_299, %add3A_441 : i32
        %get3A_443 = arith.index_cast %add3A_442 : i32 to index
        %get3A_444 = arith.constant 0 : index
        %get3A_445 = tpu.vector_load %arg8[%get3A_443, %get3A_444] {strides = array<i32>} : memref<640x64xf32, #tpu.memory_space<vmem>>, vector<16xf32>,
        %add3A_446 = arith.addf %add3A_422, %get3A_445 : vector<16xf32>
        %add3A_447 = arith.constant 5 : i32
        %add3A_448 = arith.addi %mul3A_299, %add3A_447 : i32
        %get3A_449 = arith.index_cast %add3A_448 : i32 to index
        %get3A_450 = arith.constant 16 : index
        %get3A_451 = tpu.vector_load %arg8[%get3A_449, %get3A_450] {strides = array<i32>} : memref<640x64xf32, #tpu.memory_space<vmem>>, vector<16xf32>,
        %add3A_452 = arith.addf %add3A_428, %get3A_451 : vector<16xf32>
        %add3A_453 = arith.constant 5 : i32
        %add3A_454 = arith.addi %mul3A_299, %add3A_453 : i32
        %get3A_455 = arith.index_cast %add3A_454 : i32 to index
        %get3A_456 = arith.constant 32 : index
        %get3A_457 = tpu.vector_load %arg8[%get3A_455, %get3A_456] {strides = array<i32>} : memref<640x64xf32, #tpu.memory_space<vmem>>, vector<16xf32>,
        %add3A_458 = arith.addf %add3A_434, %get3A_457 : vector<16xf32>
        %add3A_459 = arith.constant 5 : i32
        %add3A_460 = arith.addi %mul3A_299, %add3A_459 : i32
        %get3A_461 = arith.index_cast %add3A_460 : i32 to index
        %get3A_462 = arith.constant 48 : index
        %get3A_463 = tpu.vector_load %arg8[%get3A_461, %get3A_462] {strides = array<i32>} : memref<640x64xf32, #tpu.memory_space<vmem>>, vector<16xf32>,
        %add3A_464 = arith.addf %add3A_440, %get3A_463 : vector<16xf32>
        %add3A_465 = arith.constant 6 : i32
        %add3A_466 = arith.addi %mul3A_299, %add3A_465 : i32
        %get3A_467 = arith.index_cast %add3A_466 : i32 to index
        %get3A_468 = arith.constant 0 : index
        %get3A_469 = tpu.vector_load %arg8[%get3A_467, %get3A_468] {strides = array<i32>} : memref<640x64xf32, #tpu.memory_space<vmem>>, vector<16xf32>,
        %add3A_470 = arith.addf %add3A_446, %get3A_469 : vector<16xf32>
        %add3A_471 = arith.constant 6 : i32
        %add3A_472 = arith.addi %mul3A_299, %add3A_471 : i32
        %get3A_473 = arith.index_cast %add3A_472 : i32 to index
        %get3A_474 = arith.constant 16 : index
        %get3A_475 = tpu.vector_load %arg8[%get3A_473, %get3A_474] {strides = array<i32>} : memref<640x64xf32, #tpu.memory_space<vmem>>, vector<16xf32>,
        %add3A_476 = arith.addf %add3A_452, %get3A_475 : vector<16xf32>
        %add3A_477 = arith.constant 6 : i32
        %add3A_478 = arith.addi %mul3A_299, %add3A_477 : i32
        %get3A_479 = arith.index_cast %add3A_478 : i32 to index
        %get3A_480 = arith.constant 32 : index
        %get3A_481 = tpu.vector_load %arg8[%get3A_479, %get3A_480] {strides = array<i32>} : memref<640x64xf32, #tpu.memory_space<vmem>>, vector<16xf32>,
        %add3A_482 = arith.addf %add3A_458, %get3A_481 : vector<16xf32>
        %add3A_483 = arith.constant 6 : i32
        %add3A_484 = arith.addi %mul3A_299, %add3A_483 : i32
        %get3A_485 = arith.index_cast %add3A_484 : i32 to index
        %get3A_486 = arith.constant 48 : index
        %get3A_487 = tpu.vector_load %arg8[%get3A_485, %get3A_486] {strides = array<i32>} : memref<640x64xf32, #tpu.memory_space<vmem>>, vector<16xf32>,
        %add3A_488 = arith.addf %add3A_464, %get3A_487 : vector<16xf32>
        %add3A_489 = arith.constant 7 : i32
        %add3A_490 = arith.addi %mul3A_299, %add3A_489 : i32
        %get3A_491 = arith.index_cast %add3A_490 : i32 to index
        %get3A_492 = arith.constant 0 : index
        %get3A_493 = tpu.vector_load %arg8[%get3A_491, %get3A_492] {strides = array<i32>} : memref<640x64xf32, #tpu.memory_space<vmem>>, vector<16xf32>,
        %add3A_494 = arith.addf %add3A_470, %get3A_493 : vector<16xf32>
        %add3A_495 = arith.constant 7 : i32
        %add3A_496 = arith.addi %mul3A_299, %add3A_495 : i32
        %get3A_497 = arith.index_cast %add3A_496 : i32 to index
        %get3A_498 = arith.constant 16 : index
        %get3A_499 = tpu.vector_load %arg8[%get3A_497, %get3A_498] {strides = array<i32>} : memref<640x64xf32, #tpu.memory_space<vmem>>, vector<16xf32>,
        %add3A_500 = arith.addf %add3A_476, %get3A_499 : vector<16xf32>
        %add3A_501 = arith.constant 7 : i32
        %add3A_502 = arith.addi %mul3A_299, %add3A_501 : i32
        %get3A_503 = arith.index_cast %add3A_502 : i32 to index
        %get3A_504 = arith.constant 32 : index
        %get3A_505 = tpu.vector_load %arg8[%get3A_503, %get3A_504] {strides = array<i32>} : memref<640x64xf32, #tpu.memory_space<vmem>>, vector<16xf32>,
        %add3A_506 = arith.addf %add3A_482, %get3A_505 : vector<16xf32>
        %add3A_507 = arith.constant 7 : i32
        %add3A_508 = arith.addi %mul3A_299, %add3A_507 : i32
        %get3A_509 = arith.index_cast %add3A_508 : i32 to index
        %get3A_510 = arith.constant 48 : index
        %get3A_511 = tpu.vector_load %arg8[%get3A_509, %get3A_510] {strides = array<i32>} : memref<640x64xf32, #tpu.memory_space<vmem>>, vector<16xf32>,
        %add3A_512 = arith.addf %add3A_488, %get3A_511 : vector<16xf32>
        %add3A_513 = arith.constant 8 : i32
        %add3A_514 = arith.addi %mul3A_299, %add3A_513 : i32
        %get3A_515 = arith.index_cast %add3A_514 : i32 to index
        %get3A_516 = arith.constant 0 : index
        %get3A_517 = tpu.vector_load %arg8[%get3A_515, %get3A_516] {strides = array<i32>} : memref<640x64xf32, #tpu.memory_space<vmem>>, vector<16xf32>,
        %add3A_518 = arith.addf %add3A_494, %get3A_517 : vector<16xf32>
        %add3A_519 = arith.constant 8 : i32
        %add3A_520 = arith.addi %mul3A_299, %add3A_519 : i32
        %get3A_521 = arith.index_cast %add3A_520 : i32 to index
        %get3A_522 = arith.constant 16 : index
        %get3A_523 = tpu.vector_load %arg8[%get3A_521, %get3A_522] {strides = array<i32>} : memref<640x64xf32, #tpu.memory_space<vmem>>, vector<16xf32>,
        %add3A_524 = arith.addf %add3A_500, %get3A_523 : vector<16xf32>
        %add3A_525 = arith.constant 8 : i32
        %add3A_526 = arith.addi %mul3A_299, %add3A_525 : i32
        %get3A_527 = arith.index_cast %add3A_526 : i32 to index
        %get3A_528 = arith.constant 32 : index
        %get3A_529 = tpu.vector_load %arg8[%get3A_527, %get3A_528] {strides = array<i32>} : memref<640x64xf32, #tpu.memory_space<vmem>>, vector<16xf32>,
        %add3A_530 = arith.addf %add3A_506, %get3A_529 : vector<16xf32>
        %add3A_531 = arith.constant 8 : i32
        %add3A_532 = arith.addi %mul3A_299, %add3A_531 : i32
        %get3A_533 = arith.index_cast %add3A_532 : i32 to index
        %get3A_534 = arith.constant 48 : index
        %get3A_535 = tpu.vector_load %arg8[%get3A_533, %get3A_534] {strides = array<i32>} : memref<640x64xf32, #tpu.memory_space<vmem>>, vector<16xf32>,
        %add3A_536 = arith.addf %add3A_512, %get3A_535 : vector<16xf32>
        %add3A_537 = arith.constant 9 : i32
        %add3A_538 = arith.addi %mul3A_299, %add3A_537 : i32
        %get3A_539 = arith.index_cast %add3A_538 : i32 to index
        %get3A_540 = arith.constant 0 : index
        %get3A_541 = tpu.vector_load %arg8[%get3A_539, %get3A_540] {strides = array<i32>} : memref<640x64xf32, #tpu.memory_space<vmem>>, vector<16xf32>,
        %add3A_542 = arith.addf %add3A_518, %get3A_541 : vector<16xf32>
        %add3A_543 = arith.constant 9 : i32
        %add3A_544 = arith.addi %mul3A_299, %add3A_543 : i32
        %get3A_545 = arith.index_cast %add3A_544 : i32 to index
        %get3A_546 = arith.constant 16 : index
        %get3A_547 = tpu.vector_load %arg8[%get3A_545, %get3A_546] {strides = array<i32>} : memref<640x64xf32, #tpu.memory_space<vmem>>, vector<16xf32>,
        %add3A_548 = arith.addf %add3A_524, %get3A_547 : vector<16xf32>
        %add3A_549 = arith.constant 9 : i32
        %add3A_550 = arith.addi %mul3A_299, %add3A_549 : i32
        %get3A_551 = arith.index_cast %add3A_550 : i32 to index
        %get3A_552 = arith.constant 32 : index
        %get3A_553 = tpu.vector_load %arg8[%get3A_551, %get3A_552] {strides = array<i32>} : memref<640x64xf32, #tpu.memory_space<vmem>>, vector<16xf32>,
        %add3A_554 = arith.addf %add3A_530, %get3A_553 : vector<16xf32>
        %add3A_555 = arith.constant 9 : i32
        %add3A_556 = arith.addi %mul3A_299, %add3A_555 : i32
        %get3A_557 = arith.index_cast %add3A_556 : i32 to index
        %get3A_558 = arith.constant 48 : index
        %get3A_559 = tpu.vector_load %arg8[%get3A_557, %get3A_558] {strides = array<i32>} : memref<640x64xf32, #tpu.memory_space<vmem>>, vector<16xf32>,
        %add3A_560 = arith.addf %add3A_536, %get3A_559 : vector<16xf32>
        %add3A_561 = arith.constant 10 : i32
        %add3A_562 = arith.addi %mul3A_299, %add3A_561 : i32
        %get3A_563 = arith.index_cast %add3A_562 : i32 to index
        %get3A_564 = arith.constant 0 : index
        %get3A_565 = tpu.vector_load %arg8[%get3A_563, %get3A_564] {strides = array<i32>} : memref<640x64xf32, #tpu.memory_space<vmem>>, vector<16xf32>,
        %add3A_566 = arith.addf %add3A_542, %get3A_565 : vector<16xf32>
        %add3A_567 = arith.constant 10 : i32
        %add3A_568 = arith.addi %mul3A_299, %add3A_567 : i32
        %get3A_569 = arith.index_cast %add3A_568 : i32 to index
        %get3A_570 = arith.constant 16 : index
        %get3A_571 = tpu.vector_load %arg8[%get3A_569, %get3A_570] {strides = array<i32>} : memref<640x64xf32, #tpu.memory_space<vmem>>, vector<16xf32>,
        %add3A_572 = arith.addf %add3A_548, %get3A_571 : vector<16xf32>
        %add3A_573 = arith.constant 10 : i32
        %add3A_574 = arith.addi %mul3A_299, %add3A_573 : i32
        %get3A_575 = arith.index_cast %add3A_574 : i32 to index
        %get3A_576 = arith.constant 32 : index
        %get3A_577 = tpu.vector_load %arg8[%get3A_575, %get3A_576] {strides = array<i32>} : memref<640x64xf32, #tpu.memory_space<vmem>>, vector<16xf32>,
        %add3A_578 = arith.addf %add3A_554, %get3A_577 : vector<16xf32>
        %add3A_579 = arith.constant 10 : i32
        %add3A_580 = arith.addi %mul3A_299, %add3A_579 : i32
        %get3A_581 = arith.index_cast %add3A_580 : i32 to index
        %get3A_582 = arith.constant 48 : index
        %get3A_583 = tpu.vector_load %arg8[%get3A_581, %get3A_582] {strides = array<i32>} : memref<640x64xf32, #tpu.memory_space<vmem>>, vector<16xf32>,
        %add3A_584 = arith.addf %add3A_560, %get3A_583 : vector<16xf32>
        %add3A_585 = arith.constant 11 : i32
        %add3A_586 = arith.addi %mul3A_299, %add3A_585 : i32
        %get3A_587 = arith.index_cast %add3A_586 : i32 to index
        %get3A_588 = arith.constant 0 : index
        %get3A_589 = tpu.vector_load %arg8[%get3A_587, %get3A_588] {strides = array<i32>} : memref<640x64xf32, #tpu.memory_space<vmem>>, vector<16xf32>,
        %add3A_590 = arith.addf %add3A_566, %get3A_589 : vector<16xf32>
        %add3A_591 = arith.constant 11 : i32
        %add3A_592 = arith.addi %mul3A_299, %add3A_591 : i32
        %get3A_593 = arith.index_cast %add3A_592 : i32 to index
        %get3A_594 = arith.constant 16 : index
        %get3A_595 = tpu.vector_load %arg8[%get3A_593, %get3A_594] {strides = array<i32>} : memref<640x64xf32, #tpu.memory_space<vmem>>, vector<16xf32>,
        %add3A_596 = arith.addf %add3A_572, %get3A_595 : vector<16xf32>
        %add3A_597 = arith.constant 11 : i32
        %add3A_598 = arith.addi %mul3A_299, %add3A_597 : i32
        %get3A_599 = arith.index_cast %add3A_598 : i32 to index
        %get3A_600 = arith.constant 32 : index
        %get3A_601 = tpu.vector_load %arg8[%get3A_599, %get3A_600] {strides = array<i32>} : memref<640x64xf32, #tpu.memory_space<vmem>>, vector<16xf32>,
        %add3A_602 = arith.addf %add3A_578, %get3A_601 : vector<16xf32>
        %add3A_603 = arith.constant 11 : i32
        %add3A_604 = arith.addi %mul3A_299, %add3A_603 : i32
        %get3A_605 = arith.index_cast %add3A_604 : i32 to index
        %get3A_606 = arith.constant 48 : index
        %get3A_607 = tpu.vector_load %arg8[%get3A_605, %get3A_606] {strides = array<i32>} : memref<640x64xf32, #tpu.memory_space<vmem>>, vector<16xf32>,
        %add3A_608 = arith.addf %add3A_584, %get3A_607 : vector<16xf32>
        %add3A_609 = arith.constant 12 : i32
        %add3A_610 = arith.addi %mul3A_299, %add3A_609 : i32
        %get3A_611 = arith.index_cast %add3A_610 : i32 to index
        %get3A_612 = arith.constant 0 : index
        %get3A_613 = tpu.vector_load %arg8[%get3A_611, %get3A_612] {strides = array<i32>} : memref<640x64xf32, #tpu.memory_space<vmem>>, vector<16xf32>,
        %add3A_614 = arith.addf %add3A_590, %get3A_613 : vector<16xf32>
        %add3A_615 = arith.constant 12 : i32
        %add3A_616 = arith.addi %mul3A_299, %add3A_615 : i32
        %get3A_617 = arith.index_cast %add3A_616 : i32 to index
        %get3A_618 = arith.constant 16 : index
        %get3A_619 = tpu.vector_load %arg8[%get3A_617, %get3A_618] {strides = array<i32>} : memref<640x64xf32, #tpu.memory_space<vmem>>, vector<16xf32>,
        %add3A_620 = arith.addf %add3A_596, %get3A_619 : vector<16xf32>
        %add3A_621 = arith.constant 12 : i32
        %add3A_622 = arith.addi %mul3A_299, %add3A_621 : i32
        %get3A_623 = arith.index_cast %add3A_622 : i32 to index
        %get3A_624 = arith.constant 32 : index
        %get3A_625 = tpu.vector_load %arg8[%get3A_623, %get3A_624] {strides = array<i32>} : memref<640x64xf32, #tpu.memory_space<vmem>>, vector<16xf32>,
        %add3A_626 = arith.addf %add3A_602, %get3A_625 : vector<16xf32>
        %add3A_627 = arith.constant 12 : i32
        %add3A_628 = arith.addi %mul3A_299, %add3A_627 : i32
        %get3A_629 = arith.index_cast %add3A_628 : i32 to index
        %get3A_630 = arith.constant 48 : index
        %get3A_631 = tpu.vector_load %arg8[%get3A_629, %get3A_630] {strides = array<i32>} : memref<640x64xf32, #tpu.memory_space<vmem>>, vector<16xf32>,
        %add3A_632 = arith.addf %add3A_608, %get3A_631 : vector<16xf32>
        %add3A_633 = arith.constant 13 : i32
        %add3A_634 = arith.addi %mul3A_299, %add3A_633 : i32
        %get3A_635 = arith.index_cast %add3A_634 : i32 to index
        %get3A_636 = arith.constant 0 : index
        %get3A_637 = tpu.vector_load %arg8[%get3A_635, %get3A_636] {strides = array<i32>} : memref<640x64xf32, #tpu.memory_space<vmem>>, vector<16xf32>,
        %add3A_638 = arith.addf %add3A_614, %get3A_637 : vector<16xf32>
        %add3A_639 = arith.constant 13 : i32
        %add3A_640 = arith.addi %mul3A_299, %add3A_639 : i32
        %get3A_641 = arith.index_cast %add3A_640 : i32 to index
        %get3A_642 = arith.constant 16 : index
        %get3A_643 = tpu.vector_load %arg8[%get3A_641, %get3A_642] {strides = array<i32>} : memref<640x64xf32, #tpu.memory_space<vmem>>, vector<16xf32>,
        %add3A_644 = arith.addf %add3A_620, %get3A_643 : vector<16xf32>
        %add3A_645 = arith.constant 13 : i32
        %add3A_646 = arith.addi %mul3A_299, %add3A_645 : i32
        %get3A_647 = arith.index_cast %add3A_646 : i32 to index
        %get3A_648 = arith.constant 32 : index
        %get3A_649 = tpu.vector_load %arg8[%get3A_647, %get3A_648] {strides = array<i32>} : memref<640x64xf32, #tpu.memory_space<vmem>>, vector<16xf32>,
        %add3A_650 = arith.addf %add3A_626, %get3A_649 : vector<16xf32>
        %add3A_651 = arith.constant 13 : i32
        %add3A_652 = arith.addi %mul3A_299, %add3A_651 : i32
        %get3A_653 = arith.index_cast %add3A_652 : i32 to index
        %get3A_654 = arith.constant 48 : index
        %get3A_655 = tpu.vector_load %arg8[%get3A_653, %get3A_654] {strides = array<i32>} : memref<640x64xf32, #tpu.memory_space<vmem>>, vector<16xf32>,
        %add3A_656 = arith.addf %add3A_632, %get3A_655 : vector<16xf32>
        %add3A_657 = arith.constant 14 : i32
        %add3A_658 = arith.addi %mul3A_299, %add3A_657 : i32
        %get3A_659 = arith.index_cast %add3A_658 : i32 to index
        %get3A_660 = arith.constant 0 : index
        %get3A_661 = tpu.vector_load %arg8[%get3A_659, %get3A_660] {strides = array<i32>} : memref<640x64xf32, #tpu.memory_space<vmem>>, vector<16xf32>,
        %add3A_662 = arith.addf %add3A_638, %get3A_661 : vector<16xf32>
        %add3A_663 = arith.constant 14 : i32
        %add3A_664 = arith.addi %mul3A_299, %add3A_663 : i32
        %get3A_665 = arith.index_cast %add3A_664 : i32 to index
        %get3A_666 = arith.constant 16 : index
        %get3A_667 = tpu.vector_load %arg8[%get3A_665, %get3A_666] {strides = array<i32>} : memref<640x64xf32, #tpu.memory_space<vmem>>, vector<16xf32>,
        %add3A_668 = arith.addf %add3A_644, %get3A_667 : vector<16xf32>
        %add3A_669 = arith.constant 14 : i32
        %add3A_670 = arith.addi %mul3A_299, %add3A_669 : i32
        %get3A_671 = arith.index_cast %add3A_670 : i32 to index
        %get3A_672 = arith.constant 32 : index
        %get3A_673 = tpu.vector_load %arg8[%get3A_671, %get3A_672] {strides = array<i32>} : memref<640x64xf32, #tpu.memory_space<vmem>>, vector<16xf32>,
        %add3A_674 = arith.addf %add3A_650, %get3A_673 : vector<16xf32>
        %add3A_675 = arith.constant 14 : i32
        %add3A_676 = arith.addi %mul3A_299, %add3A_675 : i32
        %get3A_677 = arith.index_cast %add3A_676 : i32 to index
        %get3A_678 = arith.constant 48 : index
        %get3A_679 = tpu.vector_load %arg8[%get3A_677, %get3A_678] {strides = array<i32>} : memref<640x64xf32, #tpu.memory_space<vmem>>, vector<16xf32>,
        %add3A_680 = arith.addf %add3A_656, %get3A_679 : vector<16xf32>
        %add3A_681 = arith.constant 15 : i32
        %add3A_682 = arith.addi %mul3A_299, %add3A_681 : i32
        %get3A_683 = arith.index_cast %add3A_682 : i32 to index
        %get3A_684 = arith.constant 0 : index
        %get3A_685 = tpu.vector_load %arg8[%get3A_683, %get3A_684] {strides = array<i32>} : memref<640x64xf32, #tpu.memory_space<vmem>>, vector<16xf32>,
        %add3A_686 = arith.addf %add3A_662, %get3A_685 : vector<16xf32>
        %add3A_687 = arith.constant 15 : i32
        %add3A_688 = arith.addi %mul3A_299, %add3A_687 : i32
        %get3A_689 = arith.index_cast %add3A_688 : i32 to index
        %get3A_690 = arith.constant 16 : index
        %get3A_691 = tpu.vector_load %arg8[%get3A_689, %get3A_690] {strides = array<i32>} : memref<640x64xf32, #tpu.memory_space<vmem>>, vector<16xf32>,
        %add3A_692 = arith.addf %add3A_668, %get3A_691 : vector<16xf32>
        %add3A_693 = arith.constant 15 : i32
        %add3A_694 = arith.addi %mul3A_299, %add3A_693 : i32
        %get3A_695 = arith.index_cast %add3A_694 : i32 to index
        %get3A_696 = arith.constant 32 : index
        %get3A_697 = tpu.vector_load %arg8[%get3A_695, %get3A_696] {strides = array<i32>} : memref<640x64xf32, #tpu.memory_space<vmem>>, vector<16xf32>,
        %add3A_698 = arith.addf %add3A_674, %get3A_697 : vector<16xf32>
        %add3A_699 = arith.constant 15 : i32
        %add3A_700 = arith.addi %mul3A_299, %add3A_699 : i32
        %get3A_701 = arith.index_cast %add3A_700 : i32 to index
        %get3A_702 = arith.constant 48 : index
        %get3A_703 = tpu.vector_load %arg8[%get3A_701, %get3A_702] {strides = array<i32>} : memref<640x64xf32, #tpu.memory_space<vmem>>, vector<16xf32>,
        %add3A_704 = arith.addf %add3A_680, %get3A_703 : vector<16xf32>
        %add3A_705 = arith.constant 16 : i32
        %add3A_706 = arith.addi %mul3A_299, %add3A_705 : i32
        %get3A_707 = arith.index_cast %add3A_706 : i32 to index
        %get3A_708 = arith.constant 0 : index
        %get3A_709 = tpu.vector_load %arg8[%get3A_707, %get3A_708] {strides = array<i32>} : memref<640x64xf32, #tpu.memory_space<vmem>>, vector<16xf32>,
        %add3A_710 = arith.addf %add3A_686, %get3A_709 : vector<16xf32>
        %add3A_711 = arith.constant 16 : i32
        %add3A_712 = arith.addi %mul3A_299, %add3A_711 : i32
        %get3A_713 = arith.index_cast %add3A_712 : i32 to index
        %get3A_714 = arith.constant 16 : index
        %get3A_715 = tpu.vector_load %arg8[%get3A_713, %get3A_714] {strides = array<i32>} : memref<640x64xf32, #tpu.memory_space<vmem>>, vector<16xf32>,
        %add3A_716 = arith.addf %add3A_692, %get3A_715 : vector<16xf32>
        %add3A_717 = arith.constant 16 : i32
        %add3A_718 = arith.addi %mul3A_299, %add3A_717 : i32
        %get3A_719 = arith.index_cast %add3A_718 : i32 to index
        %get3A_720 = arith.constant 32 : index
        %get3A_721 = tpu.vector_load %arg8[%get3A_719, %get3A_720] {strides = array<i32>} : memref<640x64xf32, #tpu.memory_space<vmem>>, vector<16xf32>,
        %add3A_722 = arith.addf %add3A_698, %get3A_721 : vector<16xf32>
        %add3A_723 = arith.constant 16 : i32
        %add3A_724 = arith.addi %mul3A_299, %add3A_723 : i32
        %get3A_725 = arith.index_cast %add3A_724 : i32 to index
        %get3A_726 = arith.constant 48 : index
        %get3A_727 = tpu.vector_load %arg8[%get3A_725, %get3A_726] {strides = array<i32>} : memref<640x64xf32, #tpu.memory_space<vmem>>, vector<16xf32>,
        %add3A_728 = arith.addf %add3A_704, %get3A_727 : vector<16xf32>
        %add3A_729 = arith.constant 17 : i32
        %add3A_730 = arith.addi %mul3A_299, %add3A_729 : i32
        %get3A_731 = arith.index_cast %add3A_730 : i32 to index
        %get3A_732 = arith.constant 0 : index
        %get3A_733 = tpu.vector_load %arg8[%get3A_731, %get3A_732] {strides = array<i32>} : memref<640x64xf32, #tpu.memory_space<vmem>>, vector<16xf32>,
        %add3A_734 = arith.addf %add3A_710, %get3A_733 : vector<16xf32>
        %add3A_735 = arith.constant 17 : i32
        %add3A_736 = arith.addi %mul3A_299, %add3A_735 : i32
        %get3A_737 = arith.index_cast %add3A_736 : i32 to index
        %get3A_738 = arith.constant 16 : index
        %get3A_739 = tpu.vector_load %arg8[%get3A_737, %get3A_738] {strides = array<i32>} : memref<640x64xf32, #tpu.memory_space<vmem>>, vector<16xf32>,
        %add3A_740 = arith.addf %add3A_716, %get3A_739 : vector<16xf32>
        %add3A_741 = arith.constant 17 : i32
        %add3A_742 = arith.addi %mul3A_299, %add3A_741 : i32
        %get3A_743 = arith.index_cast %add3A_742 : i32 to index
        %get3A_744 = arith.constant 32 : index
        %get3A_745 = tpu.vector_load %arg8[%get3A_743, %get3A_744] {strides = array<i32>} : memref<640x64xf32, #tpu.memory_space<vmem>>, vector<16xf32>,
        %add3A_746 = arith.addf %add3A_722, %get3A_745 : vector<16xf32>
        %add3A_747 = arith.constant 17 : i32
        %add3A_748 = arith.addi %mul3A_299, %add3A_747 : i32
        %get3A_749 = arith.index_cast %add3A_748 : i32 to index
        %get3A_750 = arith.constant 48 : index
        %get3A_751 = tpu.vector_load %arg8[%get3A_749, %get3A_750] {strides = array<i32>} : memref<640x64xf32, #tpu.memory_space<vmem>>, vector<16xf32>,
        %add3A_752 = arith.addf %add3A_728, %get3A_751 : vector<16xf32>
        %add3A_753 = arith.constant 18 : i32
        %add3A_754 = arith.addi %mul3A_299, %add3A_753 : i32
        %get3A_755 = arith.index_cast %add3A_754 : i32 to index
        %get3A_756 = arith.constant 0 : index
        %get3A_757 = tpu.vector_load %arg8[%get3A_755, %get3A_756] {strides = array<i32>} : memref<640x64xf32, #tpu.memory_space<vmem>>, vector<16xf32>,
        %add3A_758 = arith.addf %add3A_734, %get3A_757 : vector<16xf32>
        %add3A_759 = arith.constant 18 : i32
        %add3A_760 = arith.addi %mul3A_299, %add3A_759 : i32
        %get3A_761 = arith.index_cast %add3A_760 : i32 to index
        %get3A_762 = arith.constant 16 : index
        %get3A_763 = tpu.vector_load %arg8[%get3A_761, %get3A_762] {strides = array<i32>} : memref<640x64xf32, #tpu.memory_space<vmem>>, vector<16xf32>,
        %add3A_764 = arith.addf %add3A_740, %get3A_763 : vector<16xf32>
        %add3A_765 = arith.constant 18 : i32
        %add3A_766 = arith.addi %mul3A_299, %add3A_765 : i32
        %get3A_767 = arith.index_cast %add3A_766 : i32 to index
        %get3A_768 = arith.constant 32 : index
        %get3A_769 = tpu.vector_load %arg8[%get3A_767, %get3A_768] {strides = array<i32>} : memref<640x64xf32, #tpu.memory_space<vmem>>, vector<16xf32>,
        %add3A_770 = arith.addf %add3A_746, %get3A_769 : vector<16xf32>
        %add3A_771 = arith.constant 18 : i32
        %add3A_772 = arith.addi %mul3A_299, %add3A_771 : i32
        %get3A_773 = arith.index_cast %add3A_772 : i32 to index
        %get3A_774 = arith.constant 48 : index
        %get3A_775 = tpu.vector_load %arg8[%get3A_773, %get3A_774] {strides = array<i32>} : memref<640x64xf32, #tpu.memory_space<vmem>>, vector<16xf32>,
        %add3A_776 = arith.addf %add3A_752, %get3A_775 : vector<16xf32>
        %add3A_777 = arith.constant 19 : i32
        %add3A_778 = arith.addi %mul3A_299, %add3A_777 : i32
        %get3A_779 = arith.index_cast %add3A_778 : i32 to index
        %get3A_780 = arith.constant 0 : index
        %get3A_781 = tpu.vector_load %arg8[%get3A_779, %get3A_780] {strides = array<i32>} : memref<640x64xf32, #tpu.memory_space<vmem>>, vector<16xf32>,
        %add3A_782 = arith.addf %add3A_758, %get3A_781 : vector<16xf32>
        %add3A_783 = arith.constant 19 : i32
        %add3A_784 = arith.addi %mul3A_299, %add3A_783 : i32
        %get3A_785 = arith.index_cast %add3A_784 : i32 to index
        %get3A_786 = arith.constant 16 : index
        %get3A_787 = tpu.vector_load %arg8[%get3A_785, %get3A_786] {strides = array<i32>} : memref<640x64xf32, #tpu.memory_space<vmem>>, vector<16xf32>,
        %add3A_788 = arith.addf %add3A_764, %get3A_787 : vector<16xf32>
        %add3A_789 = arith.constant 19 : i32
        %add3A_790 = arith.addi %mul3A_299, %add3A_789 : i32
        %get3A_791 = arith.index_cast %add3A_790 : i32 to index
        %get3A_792 = arith.constant 32 : index
        %get3A_793 = tpu.vector_load %arg8[%get3A_791, %get3A_792] {strides = array<i32>} : memref<640x64xf32, #tpu.memory_space<vmem>>, vector<16xf32>,
        %add3A_794 = arith.addf %add3A_770, %get3A_793 : vector<16xf32>
        %add3A_795 = arith.constant 19 : i32
        %add3A_796 = arith.addi %mul3A_299, %add3A_795 : i32
        %get3A_797 = arith.index_cast %add3A_796 : i32 to index
        %get3A_798 = arith.constant 48 : index
        %get3A_799 = tpu.vector_load %arg8[%get3A_797, %get3A_798] {strides = array<i32>} : memref<640x64xf32, #tpu.memory_space<vmem>>, vector<16xf32>,
        %add3A_800 = arith.addf %add3A_776, %get3A_799 : vector<16xf32>
        %mul3A_801 = arith.mulf %convert_element_type3A_313, %get3A_27 : vector<16xf32>
        %sub3A = arith.subf %add3A_782, %mul3A_801 : vector<16xf32>
        %mul3A_802 = vector.broadcast %scan3A_116 : f32 to vector<16xf32>
        %mul3A_803 = arith.mulf %sub3A, %mul3A_802 : vector<16xf32>
        %add3A_804 = arith.addf %mul3A_803, %get3A_1 : vector<16xf32>
        %mul3A_805 = arith.mulf %convert_element_type3A_313, %get3A_31 : vector<16xf32>
        %sub3A_806 = arith.subf %add3A_788, %mul3A_805 : vector<16xf32>
        %mul3A_807 = vector.broadcast %scan3A_116 : f32 to vector<16xf32>
        %mul3A_808 = arith.mulf %sub3A_806, %mul3A_807 : vector<16xf32>
        %add3A_809 = arith.addf %mul3A_808, %get3A_3 : vector<16xf32>
        %mul3A_810 = arith.mulf %convert_element_type3A_313, %get3A_35 : vector<16xf32>
        %sub3A_811 = arith.subf %add3A_794, %mul3A_810 : vector<16xf32>
        %mul3A_812 = vector.broadcast %scan3A_116 : f32 to vector<16xf32>
        %mul3A_813 = arith.mulf %sub3A_811, %mul3A_812 : vector<16xf32>
        %add3A_814 = arith.addf %mul3A_813, %get3A_5 : vector<16xf32>
        %mul3A_815 = arith.mulf %convert_element_type3A_313, %get3A_39 : vector<16xf32>
        %sub3A_816 = arith.subf %add3A_800, %mul3A_815 : vector<16xf32>
        %mul3A_817 = vector.broadcast %scan3A_116 : f32 to vector<16xf32>
        %mul3A_818 = arith.mulf %sub3A_816, %mul3A_817 : vector<16xf32>
        %add3A_819 = arith.addf %mul3A_818, %get3A_7 : vector<16xf32>
        %add3A_820 = arith.addf %add3A_804, %add3A_809 : vector<16xf32>
        %add3A_821 = arith.addf %add3A_820, %add3A_814 : vector<16xf32>
        %add3A_822 = arith.addf %add3A_821, %add3A_819 : vector<16xf32>
        %mul3A_823 = arith.mulf %add3A_804, %add3A_804 : vector<16xf32>
        %mul3A_824 = arith.mulf %add3A_809, %add3A_809 : vector<16xf32>
        %add3A_825 = arith.addf %mul3A_823, %mul3A_824 : vector<16xf32>
        %mul3A_826 = arith.mulf %add3A_814, %add3A_814 : vector<16xf32>
        %add3A_827 = arith.addf %add3A_825, %mul3A_826 : vector<16xf32>
        %mul3A_828 = arith.mulf %add3A_819, %add3A_819 : vector<16xf32>
        %add3A_829 = arith.addf %add3A_827, %mul3A_828 : vector<16xf32>
        %iota3A_830 = tpu.iota {dimensions = array<i32: 0>} : vector<16xi32>
        %xor3A = arith.constant 8 : i32
        %xor3A_831 = vector.broadcast %xor3A : i32 to vector<16xi32>
        %xor3A_832 = arith.xori %iota3A_830, %xor3A_831 : vector<16xi32>
        %broadcast_in_dim3A_833 = vector.shape_cast %xor3A_832 : vector<16xi32> to vector<16x1xi32>
        %gather3A = vector.shape_cast %broadcast_in_dim3A_833 : vector<16x1xi32> to vector<16xi32>
        %gather3A_834 = tpu.dynamic_gather %add3A_822[%gather3A] in [0] : vector<16xf32>, vector<16xi32> -> vector<16xf32>
        %add3A_835 = arith.addf %add3A_822, %gather3A_834 : vector<16xf32>
        %iota3A_836 = tpu.iota {dimensions = array<i32: 0>} : vector<16xi32>
        %xor3A_837 = arith.constant 4 : i32
        %xor3A_838 = vector.broadcast %xor3A_837 : i32 to vector<16xi32>
        %xor3A_839 = arith.xori %iota3A_836, %xor3A_838 : vector<16xi32>
        %broadcast_in_dim3A_840 = vector.shape_cast %xor3A_839 : vector<16xi32> to vector<16x1xi32>
        %gather3A_841 = vector.shape_cast %broadcast_in_dim3A_840 : vector<16x1xi32> to vector<16xi32>
        %gather3A_842 = tpu.dynamic_gather %add3A_835[%gather3A_841] in [0] : vector<16xf32>, vector<16xi32> -> vector<16xf32>
        %add3A_843 = arith.addf %add3A_835, %gather3A_842 : vector<16xf32>
        %iota3A_844 = tpu.iota {dimensions = array<i32: 0>} : vector<16xi32>
        %xor3A_845 = arith.constant 2 : i32
        %xor3A_846 = vector.broadcast %xor3A_845 : i32 to vector<16xi32>
        %xor3A_847 = arith.xori %iota3A_844, %xor3A_846 : vector<16xi32>
        %broadcast_in_dim3A_848 = vector.shape_cast %xor3A_847 : vector<16xi32> to vector<16x1xi32>
        %gather3A_849 = vector.shape_cast %broadcast_in_dim3A_848 : vector<16x1xi32> to vector<16xi32>
        %gather3A_850 = tpu.dynamic_gather %add3A_843[%gather3A_849] in [0] : vector<16xf32>, vector<16xi32> -> vector<16xf32>
        %add3A_851 = arith.addf %add3A_843, %gather3A_850 : vector<16xf32>
        %iota3A_852 = tpu.iota {dimensions = array<i32: 0>} : vector<16xi32>
        %xor3A_853 = arith.constant 1 : i32
        %xor3A_854 = vector.broadcast %xor3A_853 : i32 to vector<16xi32>
        %xor3A_855 = arith.xori %iota3A_852, %xor3A_854 : vector<16xi32>
        %broadcast_in_dim3A_856 = vector.shape_cast %xor3A_855 : vector<16xi32> to vector<16x1xi32>
        %gather3A_857 = vector.shape_cast %broadcast_in_dim3A_856 : vector<16x1xi32> to vector<16xi32>
        %gather3A_858 = tpu.dynamic_gather %add3A_851[%gather3A_857] in [0] : vector<16xf32>, vector<16xi32> -> vector<16xf32>
        %add3A_859 = arith.addf %add3A_851, %gather3A_858 : vector<16xf32>
        %mul3A_860 = vector.broadcast %scan3A_117 : f32 to vector<16xf32>
        %mul3A_861 = arith.mulf %add3A_859, %mul3A_860 : vector<16xf32>
        %iota3A_862 = tpu.iota {dimensions = array<i32: 0>} : vector<16xi32>
        %xor3A_863 = arith.constant 8 : i32
        %xor3A_864 = vector.broadcast %xor3A_863 : i32 to vector<16xi32>
        %xor3A_865 = arith.xori %iota3A_862, %xor3A_864 : vector<16xi32>
        %broadcast_in_dim3A_866 = vector.shape_cast %xor3A_865 : vector<16xi32> to vector<16x1xi32>
        %gather3A_867 = vector.shape_cast %broadcast_in_dim3A_866 : vector<16x1xi32> to vector<16xi32>
        %gather3A_868 = tpu.dynamic_gather %add3A_829[%gather3A_867] in [0] : vector<16xf32>, vector<16xi32> -> vector<16xf32>
        %add3A_869 = arith.addf %add3A_829, %gather3A_868 : vector<16xf32>
        %iota3A_870 = tpu.iota {dimensions = array<i32: 0>} : vector<16xi32>
        %xor3A_871 = arith.constant 4 : i32
        %xor3A_872 = vector.broadcast %xor3A_871 : i32 to vector<16xi32>
        %xor3A_873 = arith.xori %iota3A_870, %xor3A_872 : vector<16xi32>
        %broadcast_in_dim3A_874 = vector.shape_cast %xor3A_873 : vector<16xi32> to vector<16x1xi32>
        %gather3A_875 = vector.shape_cast %broadcast_in_dim3A_874 : vector<16x1xi32> to vector<16xi32>
        %gather3A_876 = tpu.dynamic_gather %add3A_869[%gather3A_875] in [0] : vector<16xf32>, vector<16xi32> -> vector<16xf32>
        %add3A_877 = arith.addf %add3A_869, %gather3A_876 : vector<16xf32>
        %iota3A_878 = tpu.iota {dimensions = array<i32: 0>} : vector<16xi32>
        %xor3A_879 = arith.constant 2 : i32
        %xor3A_880 = vector.broadcast %xor3A_879 : i32 to vector<16xi32>
        %xor3A_881 = arith.xori %iota3A_878, %xor3A_880 : vector<16xi32>
        %broadcast_in_dim3A_882 = vector.shape_cast %xor3A_881 : vector<16xi32> to vector<16x1xi32>
        %gather3A_883 = vector.shape_cast %broadcast_in_dim3A_882 : vector<16x1xi32> to vector<16xi32>
        %gather3A_884 = tpu.dynamic_gather %add3A_877[%gather3A_883] in [0] : vector<16xf32>, vector<16xi32> -> vector<16xf32>
        %add3A_885 = arith.addf %add3A_877, %gather3A_884 : vector<16xf32>
        %iota3A_886 = tpu.iota {dimensions = array<i32: 0>} : vector<16xi32>
        %xor3A_887 = arith.constant 1 : i32
        %xor3A_888 = vector.broadcast %xor3A_887 : i32 to vector<16xi32>
        %xor3A_889 = arith.xori %iota3A_886, %xor3A_888 : vector<16xi32>
        %broadcast_in_dim3A_890 = vector.shape_cast %xor3A_889 : vector<16xi32> to vector<16x1xi32>
        %gather3A_891 = vector.shape_cast %broadcast_in_dim3A_890 : vector<16x1xi32> to vector<16xi32>
        %gather3A_892 = tpu.dynamic_gather %add3A_885[%gather3A_891] in [0] : vector<16xf32>, vector<16xi32> -> vector<16xf32>
        %add3A_893 = arith.addf %add3A_885, %gather3A_892 : vector<16xf32>
        %mul3A_894 = vector.broadcast %scan3A_117 : f32 to vector<16xf32>
        %mul3A_895 = arith.mulf %add3A_893, %mul3A_894 : vector<16xf32>
        %mul3A_896 = arith.mulf %mul3A_861, %mul3A_861 : vector<16xf32>
        %sub3A_897 = arith.subf %mul3A_895, %mul3A_896 : vector<16xf32>
        %add3A_898 = arith.constant 9.99999974E-6 : f32
        %add3A_899 = vector.broadcast %add3A_898 : f32 to vector<16xf32>
        %add3A_900 = arith.addf %sub3A_897, %add3A_899 : vector<16xf32>
        %bitcast_convert_type3A = tpu.bitcast %add3A_900 : vector<16xf32> -> vector<16xi32>
        %shift_right_arithmetic3A = arith.constant 1 : i32
        %shift_right_arithmetic3A_901 = vector.broadcast %shift_right_arithmetic3A : i32 to vector<16xi32>
        %shift_right_arithmetic3A_902 = arith.shrsi %bitcast_convert_type3A, %shift_right_arithmetic3A_901 : vector<16xi32>
        %sub3A_903 = arith.constant 1597463007 : i32
        %sub3A_904 = vector.broadcast %sub3A_903 : i32 to vector<16xi32>
        %sub3A_905 = arith.subi %sub3A_904, %shift_right_arithmetic3A_902 : vector<16xi32>
        %bitcast_convert_type3A_906 = tpu.bitcast %sub3A_905 : vector<16xi32> -> vector<16xf32>
        %mul3A_907 = arith.constant 5.000000e-01 : f32
        %mul3A_908 = vector.broadcast %mul3A_907 : f32 to vector<16xf32>
        %mul3A_909 = arith.mulf %mul3A_908, %add3A_900 : vector<16xf32>
        %mul3A_910 = arith.mulf %mul3A_909, %bitcast_convert_type3A_906 : vector<16xf32>
        %mul3A_911 = arith.mulf %mul3A_910, %bitcast_convert_type3A_906 : vector<16xf32>
        %sub3A_912 = arith.constant 1.500000e+00 : f32
        %sub3A_913 = vector.broadcast %sub3A_912 : f32 to vector<16xf32>
        %sub3A_914 = arith.subf %sub3A_913, %mul3A_911 : vector<16xf32>
        %mul3A_915 = arith.mulf %bitcast_convert_type3A_906, %sub3A_914 : vector<16xf32>
        %mul3A_916 = arith.constant 5.000000e-01 : f32
        %mul3A_917 = vector.broadcast %mul3A_916 : f32 to vector<16xf32>
        %mul3A_918 = arith.mulf %mul3A_917, %add3A_900 : vector<16xf32>
        %mul3A_919 = arith.mulf %mul3A_918, %mul3A_915 : vector<16xf32>
        %mul3A_920 = arith.mulf %mul3A_919, %mul3A_915 : vector<16xf32>
        %sub3A_921 = arith.constant 1.500000e+00 : f32
        %sub3A_922 = vector.broadcast %sub3A_921 : f32 to vector<16xf32>
        %sub3A_923 = arith.subf %sub3A_922, %mul3A_920 : vector<16xf32>
        %mul3A_924 = arith.mulf %mul3A_915, %sub3A_923 : vector<16xf32>
        %mul3A_925 = arith.constant 5.000000e-01 : f32
        %mul3A_926 = vector.broadcast %mul3A_925 : f32 to vector<16xf32>
        %mul3A_927 = arith.mulf %mul3A_926, %add3A_900 : vector<16xf32>
        %mul3A_928 = arith.mulf %mul3A_927, %mul3A_924 : vector<16xf32>
        %mul3A_929 = arith.mulf %mul3A_928, %mul3A_924 : vector<16xf32>
        %sub3A_930 = arith.constant 1.500000e+00 : f32
        %sub3A_931 = vector.broadcast %sub3A_930 : f32 to vector<16xf32>
        %sub3A_932 = arith.subf %sub3A_931, %mul3A_929 : vector<16xf32>
        %mul3A_933 = arith.mulf %mul3A_924, %sub3A_932 : vector<16xf32>
        %sub3A_934 = arith.subf %add3A_804, %mul3A_861 : vector<16xf32>
        %mul3A_935 = arith.mulf %sub3A_934, %mul3A_933 : vector<16xf32>
        %mul3A_936 = arith.mulf %mul3A_935, %get3A_9 : vector<16xf32>
        %add3A_937 = arith.addf %mul3A_936, %get3A_17 : vector<16xf32>
        %swap3A = arith.index_cast %scan3A_297 : i32 to index
        %swap3A_938 = arith.constant 0 : index
        %swap3A_939 = tpu.vector_load %arg10[%swap3A, %swap3A_938] {strides = array<i32>} : memref<32x64xf32, #tpu.memory_space<vmem>>, vector<16xf32>,
        tpu.vector_store %arg10[%swap3A, %swap3A_938], %add3A_937 {strides = array<i32>} : memref<32x64xf32, #tpu.memory_space<vmem>>, vector<16xf32>,
        %sub3A_940 = arith.subf %add3A_809, %mul3A_861 : vector<16xf32>
        %mul3A_941 = arith.mulf %sub3A_940, %mul3A_933 : vector<16xf32>
        %mul3A_942 = arith.mulf %mul3A_941, %get3A_11 : vector<16xf32>
        %add3A_943 = arith.addf %mul3A_942, %get3A_19 : vector<16xf32>
        %swap3A_944 = arith.index_cast %scan3A_297 : i32 to index
        %swap3A_945 = arith.constant 16 : index
        %swap3A_946 = tpu.vector_load %arg10[%swap3A_944, %swap3A_945] {strides = array<i32>} : memref<32x64xf32, #tpu.memory_space<vmem>>, vector<16xf32>,
        tpu.vector_store %arg10[%swap3A_944, %swap3A_945], %add3A_943 {strides = array<i32>} : memref<32x64xf32, #tpu.memory_space<vmem>>, vector<16xf32>,
        %sub3A_947 = arith.subf %add3A_814, %mul3A_861 : vector<16xf32>
        %mul3A_948 = arith.mulf %sub3A_947, %mul3A_933 : vector<16xf32>
        %mul3A_949 = arith.mulf %mul3A_948, %get3A_13 : vector<16xf32>
        %add3A_950 = arith.addf %mul3A_949, %get3A_21 : vector<16xf32>
        %swap3A_951 = arith.index_cast %scan3A_297 : i32 to index
        %swap3A_952 = arith.constant 32 : index
        %swap3A_953 = tpu.vector_load %arg10[%swap3A_951, %swap3A_952] {strides = array<i32>} : memref<32x64xf32, #tpu.memory_space<vmem>>, vector<16xf32>,
        tpu.vector_store %arg10[%swap3A_951, %swap3A_952], %add3A_950 {strides = array<i32>} : memref<32x64xf32, #tpu.memory_space<vmem>>, vector<16xf32>,
        %sub3A_954 = arith.subf %add3A_819, %mul3A_861 : vector<16xf32>
        %mul3A_955 = arith.mulf %sub3A_954, %mul3A_933 : vector<16xf32>
        %mul3A_956 = arith.mulf %mul3A_955, %get3A_15 : vector<16xf32>
        %add3A_957 = arith.addf %mul3A_956, %get3A_23 : vector<16xf32>
        %swap3A_958 = arith.index_cast %scan3A_297 : i32 to index
        %swap3A_959 = arith.constant 48 : index
        %swap3A_960 = tpu.vector_load %arg10[%swap3A_958, %swap3A_959] {strides = array<i32>} : memref<32x64xf32, #tpu.memory_space<vmem>>, vector<16xf32>,
        tpu.vector_store %arg10[%swap3A_958, %swap3A_959], %add3A_957 {strides = array<i32>} : memref<32x64xf32, #tpu.memory_space<vmem>>, vector<16xf32>,
      }
      %scan3A_202 = arith.constant 32 : i32
      %add3A_203 = arith.constant 2 : i32
      %add3A_204 = arith.addi %add3A_147, %add3A_203 : i32
      %lt3A_205 = arith.constant 50 : i32
      %lt3A_206 = arith.cmpi slt, %add3A_204, %lt3A_205 : i32
      %convert_element_type3A_207 = arith.extui %lt3A_206 : i1 to i32
      %cond3A_208 = arith.constant 0 : i32
      %cond3A_209 = arith.cmpi ne, %convert_element_type3A_207, %cond3A_208 : i32
      scf.if %cond3A_209 {
        %add3A_297 = arith.constant 2 : i32
        %add3A_298 = arith.addi %add3A_147, %add3A_297 : i32
        %mul3A_299 = arith.constant 50 : i32
        %mul3A_300 = arith.muli %add3A, %mul3A_299 : i32
        %add3A_301 = arith.addi %mul3A_300, %add3A_298 : i32
        %mul3A_302 = arith.constant 640 : i32
        %mul3A_303 = arith.muli %add3A_301, %mul3A_302 : i32
        %dma_start3A_304 = arith.constant 0 : i32
        %dma_start3A_305 = tpu.memref_slice %arg6[%dma_start3A_304] : memref<656xi32, #tpu.memory_space<vmem>> -> memref<640xi32, #tpu.memory_space<vmem>>
        %dma_start3A_306 = tpu.memref_slice %arg3[%mul3A_303] : memref<1024000xi32, #tpu.memory_space<hbm>> -> memref<640xi32, #tpu.memory_space<hbm>>
        %dma_start3A_307 = arith.constant 0 : i32
        %dma_start3A_308 = tpu.memref_slice %arg6[%dma_start3A_307] : memref<656xi32, #tpu.memory_space<vmem>> -> memref<640xi32, #tpu.memory_space<vmem>>
        %dma_start3A_309 = tpu.memref_slice %arg3[%mul3A_303] : memref<1024000xi32, #tpu.memory_space<hbm>> -> memref<640xi32, #tpu.memory_space<hbm>>
        tpu.enqueue_dma source(%dma_start3A_309 : memref<640xi32, #tpu.memory_space<hbm>>) target(%dma_start3A_308 : memref<640xi32, #tpu.memory_space<vmem>>) target_semaphore(%arg14 : memref<!tpu.dma_semaphore, #tpu.memory_space<semaphore_mem>>)
      } else {
      }
      %mul3A_210 = arith.constant 50 : i32
      %mul3A_211 = arith.muli %add3A, %mul3A_210 : i32
      %add3A_212 = arith.addi %mul3A_211, %add3A_147 : i32
      %mul3A_213 = arith.constant 32 : i32
      %mul3A_214 = arith.muli %add3A_212, %mul3A_213 : i32
      %dma_start3A_215 = arith.constant 0 : i32
      %dma_start3A_216 = tpu.memref_slice %arg5[%mul3A_214, %dma_start3A_215] : memref<51200x64xf32, #tpu.memory_space<hbm>> -> memref<32x64xf32, #tpu.memory_space<hbm>>
      %dma_start3A_217 = arith.constant 0 : i32
      %dma_start3A_218 = tpu.memref_slice %arg5[%mul3A_214, %dma_start3A_217] : memref<51200x64xf32, #tpu.memory_space<hbm>> -> memref<32x64xf32, #tpu.memory_space<hbm>>
      tpu.enqueue_dma source(%arg10 : memref<32x64xf32, #tpu.memory_space<vmem>>) target(%dma_start3A_218 : memref<32x64xf32, #tpu.memory_space<hbm>>) target_semaphore(%arg18 : memref<!tpu.dma_semaphore, #tpu.memory_space<semaphore_mem>>)
      %mul3A_219 = arith.constant 2 : i32
      %mul3A_220 = arith.muli %mul3A_219, %scan3A_143 : i32
      %add3A_221 = arith.constant 1 : i32
      %add3A_222 = arith.addi %mul3A_220, %add3A_221 : i32
      %add3A_223 = arith.constant 1 : i32
      %add3A_224 = arith.addi %add3A_222, %add3A_223 : i32
      %lt3A_225 = arith.constant 50 : i32
      %lt3A_226 = arith.cmpi slt, %add3A_224, %lt3A_225 : i32
      %convert_element_type3A_227 = arith.extui %lt3A_226 : i1 to i32
      %cond3A_228 = arith.constant 0 : i32
      %cond3A_229 = arith.cmpi ne, %convert_element_type3A_227, %cond3A_228 : i32
      scf.if %cond3A_229 {
        %add3A_297 = arith.constant 1 : i32
        %add3A_298 = arith.addi %add3A_222, %add3A_297 : i32
        %mul3A_299 = arith.constant 50 : i32
        %mul3A_300 = arith.muli %add3A, %mul3A_299 : i32
        %add3A_301 = arith.addi %mul3A_300, %add3A_298 : i32
        %mul3A_302 = arith.constant 640 : i32
        %mul3A_303 = arith.muli %add3A_301, %mul3A_302 : i32
        %dma_wait3A_304 = arith.constant 0 : i32
        %dma_wait3A_305 = tpu.memref_slice %arg6[%dma_wait3A_304] : memref<656xi32, #tpu.memory_space<vmem>> -> memref<640xi32, #tpu.memory_space<vmem>>
        %dma_wait3A_306 = tpu.memref_slice %arg3[%mul3A_303] : memref<1024000xi32, #tpu.memory_space<hbm>> -> memref<640xi32, #tpu.memory_space<hbm>>
        %dma_wait3A_307 = arith.constant 0 : i32
        %dma_wait3A_308 = tpu.memref_slice %arg6[%dma_wait3A_307] : memref<656xi32, #tpu.memory_space<vmem>> -> memref<640xi32, #tpu.memory_space<vmem>>
        %dma_wait3A_309 = tpu.memref_slice %arg3[%mul3A_303] : memref<1024000xi32, #tpu.memory_space<hbm>> -> memref<640xi32, #tpu.memory_space<hbm>>
        tpu.wait_dma2 semaphore(%arg14 : memref<!tpu.dma_semaphore, #tpu.memory_space<semaphore_mem>>) src(%dma_wait3A_309 : memref<640xi32, #tpu.memory_space<hbm>>) dst(%dma_wait3A_308 : memref<640xi32, #tpu.memory_space<vmem>>)
        %dma_start3A_310 = arith.constant 0 : i32
        %dma_start3A_311 = arith.constant 0 : i32
        %dma_start3A_312 = tpu.memref_slice %arg8[%dma_start3A_310, %dma_start3A_311] : memref<640x64xf32, #tpu.memory_space<vmem>> -> memref<128x64xf32, #tpu.memory_space<vmem>>
        %dma_start3A_313 = arith.constant 0 : i32
        %dma_start3A_314 = tpu.memref_slice %arg6[%dma_start3A_313] : memref<656xi32, #tpu.memory_space<vmem>> -> memref<128xi32, #tpu.memory_space<vmem>>
        %dma_start3A_315 = arith.constant 0 : i32
        %dma_start3A_316 = arith.constant 0 : i32
        %dma_start3A_317 = tpu.memref_slice %arg2[%dma_start3A_315, %dma_start3A_316] : memref<1000000x64xf32, #tpu.memory_space<hbm>> -> memref<1000000x64xf32, #tpu.memory_space<hbm>>
        tpu.enqueue_indirect_dma source(%dma_start3A_317 : memref<1000000x64xf32, #tpu.memory_space<hbm>>) target(%dma_start3A_312 : memref<128x64xf32, #tpu.memory_space<vmem>>) offsets(%dma_start3A_314 : memref<128xi32, #tpu.memory_space<vmem>>) semaphore(%arg16 : memref<!tpu.dma_semaphore, #tpu.memory_space<semaphore_mem>>)
        %dma_start3A_318 = arith.constant 128 : i32
        %dma_start3A_319 = arith.constant 0 : i32
        %dma_start3A_320 = tpu.memref_slice %arg8[%dma_start3A_318, %dma_start3A_319] : memref<640x64xf32, #tpu.memory_space<vmem>> -> memref<128x64xf32, #tpu.memory_space<vmem>>
        %dma_start3A_321 = arith.constant 128 : i32
        %dma_start3A_322 = tpu.memref_slice %arg6[%dma_start3A_321] : memref<656xi32, #tpu.memory_space<vmem>> -> memref<128xi32, #tpu.memory_space<vmem>>
        %dma_start3A_323 = arith.constant 0 : i32
        %dma_start3A_324 = arith.constant 0 : i32
        %dma_start3A_325 = tpu.memref_slice %arg2[%dma_start3A_323, %dma_start3A_324] : memref<1000000x64xf32, #tpu.memory_space<hbm>> -> memref<1000000x64xf32, #tpu.memory_space<hbm>>
        tpu.enqueue_indirect_dma source(%dma_start3A_325 : memref<1000000x64xf32, #tpu.memory_space<hbm>>) target(%dma_start3A_320 : memref<128x64xf32, #tpu.memory_space<vmem>>) offsets(%dma_start3A_322 : memref<128xi32, #tpu.memory_space<vmem>>) semaphore(%arg16 : memref<!tpu.dma_semaphore, #tpu.memory_space<semaphore_mem>>)
        %dma_start3A_326 = arith.constant 256 : i32
        %dma_start3A_327 = arith.constant 0 : i32
        %dma_start3A_328 = tpu.memref_slice %arg8[%dma_start3A_326, %dma_start3A_327] : memref<640x64xf32, #tpu.memory_space<vmem>> -> memref<128x64xf32, #tpu.memory_space<vmem>>
        %dma_start3A_329 = arith.constant 256 : i32
        %dma_start3A_330 = tpu.memref_slice %arg6[%dma_start3A_329] : memref<656xi32, #tpu.memory_space<vmem>> -> memref<128xi32, #tpu.memory_space<vmem>>
        %dma_start3A_331 = arith.constant 0 : i32
        %dma_start3A_332 = arith.constant 0 : i32
        %dma_start3A_333 = tpu.memref_slice %arg2[%dma_start3A_331, %dma_start3A_332] : memref<1000000x64xf32, #tpu.memory_space<hbm>> -> memref<1000000x64xf32, #tpu.memory_space<hbm>>
        tpu.enqueue_indirect_dma source(%dma_start3A_333 : memref<1000000x64xf32, #tpu.memory_space<hbm>>) target(%dma_start3A_328 : memref<128x64xf32, #tpu.memory_space<vmem>>) offsets(%dma_start3A_330 : memref<128xi32, #tpu.memory_space<vmem>>) semaphore(%arg16 : memref<!tpu.dma_semaphore, #tpu.memory_space<semaphore_mem>>)
        %dma_start3A_334 = arith.constant 384 : i32
        %dma_start3A_335 = arith.constant 0 : i32
        %dma_start3A_336 = tpu.memref_slice %arg8[%dma_start3A_334, %dma_start3A_335] : memref<640x64xf32, #tpu.memory_space<vmem>> -> memref<128x64xf32, #tpu.memory_space<vmem>>
        %dma_start3A_337 = arith.constant 384 : i32
        %dma_start3A_338 = tpu.memref_slice %arg6[%dma_start3A_337] : memref<656xi32, #tpu.memory_space<vmem>> -> memref<128xi32, #tpu.memory_space<vmem>>
        %dma_start3A_339 = arith.constant 0 : i32
        %dma_start3A_340 = arith.constant 0 : i32
        %dma_start3A_341 = tpu.memref_slice %arg2[%dma_start3A_339, %dma_start3A_340] : memref<1000000x64xf32, #tpu.memory_space<hbm>> -> memref<1000000x64xf32, #tpu.memory_space<hbm>>
        tpu.enqueue_indirect_dma source(%dma_start3A_341 : memref<1000000x64xf32, #tpu.memory_space<hbm>>) target(%dma_start3A_336 : memref<128x64xf32, #tpu.memory_space<vmem>>) offsets(%dma_start3A_338 : memref<128xi32, #tpu.memory_space<vmem>>) semaphore(%arg16 : memref<!tpu.dma_semaphore, #tpu.memory_space<semaphore_mem>>)
        %dma_start3A_342 = arith.constant 512 : i32
        %dma_start3A_343 = arith.constant 0 : i32
        %dma_start3A_344 = tpu.memref_slice %arg8[%dma_start3A_342, %dma_start3A_343] : memref<640x64xf32, #tpu.memory_space<vmem>> -> memref<128x64xf32, #tpu.memory_space<vmem>>
        %dma_start3A_345 = arith.constant 512 : i32
        %dma_start3A_346 = tpu.memref_slice %arg6[%dma_start3A_345] : memref<656xi32, #tpu.memory_space<vmem>> -> memref<128xi32, #tpu.memory_space<vmem>>
        %dma_start3A_347 = arith.constant 0 : i32
        %dma_start3A_348 = arith.constant 0 : i32
        %dma_start3A_349 = tpu.memref_slice %arg2[%dma_start3A_347, %dma_start3A_348] : memref<1000000x64xf32, #tpu.memory_space<hbm>> -> memref<1000000x64xf32, #tpu.memory_space<hbm>>
        tpu.enqueue_indirect_dma source(%dma_start3A_349 : memref<1000000x64xf32, #tpu.memory_space<hbm>>) target(%dma_start3A_344 : memref<128x64xf32, #tpu.memory_space<vmem>>) offsets(%dma_start3A_346 : memref<128xi32, #tpu.memory_space<vmem>>) semaphore(%arg16 : memref<!tpu.dma_semaphore, #tpu.memory_space<semaphore_mem>>)
      } else {
      }
      %dma_wait3A_230 = arith.constant 0 : i32
      %dma_wait3A_231 = arith.constant 0 : i32
      %dma_wait3A_232 = tpu.memref_slice %arg9[%dma_wait3A_230, %dma_wait3A_231] : memref<640x64xf32, #tpu.memory_space<vmem>> -> memref<128x64xf32, #tpu.memory_space<vmem>>
      %dma_wait3A_233 = arith.constant 0 : i32
      %dma_wait3A_234 = tpu.memref_slice %arg7[%dma_wait3A_233] : memref<656xi32, #tpu.memory_space<vmem>> -> memref<128xi32, #tpu.memory_space<vmem>>
      %dma_wait3A_235 = arith.constant 0 : i32
      %dma_wait3A_236 = arith.constant 0 : i32
      %dma_wait3A_237 = tpu.memref_slice %arg2[%dma_wait3A_235, %dma_wait3A_236] : memref<1000000x64xf32, #tpu.memory_space<hbm>> -> memref<1000000x64xf32, #tpu.memory_space<hbm>>
      tpu.wait_indirect_dma semaphore(%arg17 : memref<!tpu.dma_semaphore, #tpu.memory_space<semaphore_mem>>) src(%dma_wait3A_237 : memref<1000000x64xf32, #tpu.memory_space<hbm>>) dst(%dma_wait3A_232 : memref<128x64xf32, #tpu.memory_space<vmem>>)
      %dma_wait3A_238 = arith.constant 128 : i32
      %dma_wait3A_239 = arith.constant 0 : i32
      %dma_wait3A_240 = tpu.memref_slice %arg9[%dma_wait3A_238, %dma_wait3A_239] : memref<640x64xf32, #tpu.memory_space<vmem>> -> memref<128x64xf32, #tpu.memory_space<vmem>>
      %dma_wait3A_241 = arith.constant 128 : i32
      %dma_wait3A_242 = tpu.memref_slice %arg7[%dma_wait3A_241] : memref<656xi32, #tpu.memory_space<vmem>> -> memref<128xi32, #tpu.memory_space<vmem>>
      %dma_wait3A_243 = arith.constant 0 : i32
      %dma_wait3A_244 = arith.constant 0 : i32
      %dma_wait3A_245 = tpu.memref_slice %arg2[%dma_wait3A_243, %dma_wait3A_244] : memref<1000000x64xf32, #tpu.memory_space<hbm>> -> memref<1000000x64xf32, #tpu.memory_space<hbm>>
      tpu.wait_indirect_dma semaphore(%arg17 : memref<!tpu.dma_semaphore, #tpu.memory_space<semaphore_mem>>) src(%dma_wait3A_245 : memref<1000000x64xf32, #tpu.memory_space<hbm>>) dst(%dma_wait3A_240 : memref<128x64xf32, #tpu.memory_space<vmem>>)
      %dma_wait3A_246 = arith.constant 256 : i32
      %dma_wait3A_247 = arith.constant 0 : i32
      %dma_wait3A_248 = tpu.memref_slice %arg9[%dma_wait3A_246, %dma_wait3A_247] : memref<640x64xf32, #tpu.memory_space<vmem>> -> memref<128x64xf32, #tpu.memory_space<vmem>>
      %dma_wait3A_249 = arith.constant 256 : i32
      %dma_wait3A_250 = tpu.memref_slice %arg7[%dma_wait3A_249] : memref<656xi32, #tpu.memory_space<vmem>> -> memref<128xi32, #tpu.memory_space<vmem>>
      %dma_wait3A_251 = arith.constant 0 : i32
      %dma_wait3A_252 = arith.constant 0 : i32
      %dma_wait3A_253 = tpu.memref_slice %arg2[%dma_wait3A_251, %dma_wait3A_252] : memref<1000000x64xf32, #tpu.memory_space<hbm>> -> memref<1000000x64xf32, #tpu.memory_space<hbm>>
      tpu.wait_indirect_dma semaphore(%arg17 : memref<!tpu.dma_semaphore, #tpu.memory_space<semaphore_mem>>) src(%dma_wait3A_253 : memref<1000000x64xf32, #tpu.memory_space<hbm>>) dst(%dma_wait3A_248 : memref<128x64xf32, #tpu.memory_space<vmem>>)
      %dma_wait3A_254 = arith.constant 384 : i32
      %dma_wait3A_255 = arith.constant 0 : i32
      %dma_wait3A_256 = tpu.memref_slice %arg9[%dma_wait3A_254, %dma_wait3A_255] : memref<640x64xf32, #tpu.memory_space<vmem>> -> memref<128x64xf32, #tpu.memory_space<vmem>>
      %dma_wait3A_257 = arith.constant 384 : i32
      %dma_wait3A_258 = tpu.memref_slice %arg7[%dma_wait3A_257] : memref<656xi32, #tpu.memory_space<vmem>> -> memref<128xi32, #tpu.memory_space<vmem>>
      %dma_wait3A_259 = arith.constant 0 : i32
      %dma_wait3A_260 = arith.constant 0 : i32
      %dma_wait3A_261 = tpu.memref_slice %arg2[%dma_wait3A_259, %dma_wait3A_260] : memref<1000000x64xf32, #tpu.memory_space<hbm>> -> memref<1000000x64xf32, #tpu.memory_space<hbm>>
      tpu.wait_indirect_dma semaphore(%arg17 : memref<!tpu.dma_semaphore, #tpu.memory_space<semaphore_mem>>) src(%dma_wait3A_261 : memref<1000000x64xf32, #tpu.memory_space<hbm>>) dst(%dma_wait3A_256 : memref<128x64xf32, #tpu.memory_space<vmem>>)
      %dma_wait3A_262 = arith.constant 512 : i32
      %dma_wait3A_263 = arith.constant 0 : i32
      %dma_wait3A_264 = tpu.memref_slice %arg9[%dma_wait3A_262, %dma_wait3A_263] : memref<640x64xf32, #tpu.memory_space<vmem>> -> memref<128x64xf32, #tpu.memory_space<vmem>>
      %dma_wait3A_265 = arith.constant 512 : i32
      %dma_wait3A_266 = tpu.memref_slice %arg7[%dma_wait3A_265] : memref<656xi32, #tpu.memory_space<vmem>> -> memref<128xi32, #tpu.memory_space<vmem>>
      %dma_wait3A_267 = arith.constant 0 : i32
      %dma_wait3A_268 = arith.constant 0 : i32
      %dma_wait3A_269 = tpu.memref_slice %arg2[%dma_wait3A_267, %dma_wait3A_268] : memref<1000000x64xf32, #tpu.memory_space<hbm>> -> memref<1000000x64xf32, #tpu.memory_space<hbm>>
      tpu.wait_indirect_dma semaphore(%arg17 : memref<!tpu.dma_semaphore, #tpu.memory_space<semaphore_mem>>) src(%dma_wait3A_269 : memref<1000000x64xf32, #tpu.memory_space<hbm>>) dst(%dma_wait3A_264 : memref<128x64xf32, #tpu.memory_space<vmem>>)
      %ge3A_270 = arith.constant 2 : i32
      %ge3A_271 = arith.cmpi sge, %add3A_222, %ge3A_270 : i32
      %convert_element_type3A_272 = arith.extui %ge3A_271 : i1 to i32
      %cond3A_273 = arith.constant 0 : i32
      %cond3A_274 = arith.cmpi ne, %convert_element_type3A_272, %cond3A_273 : i32
      scf.if %cond3A_274 {
        %mul3A_297 = arith.constant 50 : i32
        %mul3A_298 = arith.muli %add3A, %mul3A_297 : i32
        %add3A_299 = arith.addi %mul3A_298, %add3A_222 : i32
        %mul3A_300 = arith.constant 32 : i32
        %mul3A_301 = arith.muli %add3A_299, %mul3A_300 : i32
        %dma_wait3A_302 = arith.constant 0 : i32
        %dma_wait3A_303 = tpu.memref_slice %arg5[%mul3A_301, %dma_wait3A_302] : memref<51200x64xf32, #tpu.memory_space<hbm>> -> memref<32x64xf32, #tpu.memory_space<hbm>>
        %dma_wait3A_304 = arith.constant 0 : i32
        %dma_wait3A_305 = tpu.memref_slice %arg5[%mul3A_301, %dma_wait3A_304] : memref<51200x64xf32, #tpu.memory_space<hbm>> -> memref<32x64xf32, #tpu.memory_space<hbm>>
        tpu.wait_dma2 semaphore(%arg19 : memref<!tpu.dma_semaphore, #tpu.memory_space<semaphore_mem>>) src(%arg11 : memref<32x64xf32, #tpu.memory_space<vmem>>) dst(%dma_wait3A_305 : memref<32x64xf32, #tpu.memory_space<hbm>>)
      } else {
      }
      %scan3A_275 = arith.constant 0 : i32
      %scan3A_276 = arith.constant 0 : i32
      %scan3A_277 = arith.constant 32 : i32
      %scan3A_278 = arith.addi %scan3A_276, %scan3A_277 : i32
      %scan3A_279 = arith.constant 1 : i32
      scf.for %scan3A_297 = %scan3A_276 to %scan3A_278 step %scan3A_279  : i32 {
        %mul3A_298 = arith.constant 20 : i32
        %mul3A_299 = arith.muli %scan3A_297, %mul3A_298 : i32
        %get3A_300 = arith.index_cast %mul3A_299 : i32 to index
        %get3A_301 = tpu.vector_load %arg7[%get3A_300] {strides = array<i32>} : memref<656xi32, #tpu.memory_space<vmem>>, vector<16xi32>,
        %add3A_302 = arith.constant 16 : i32
        %add3A_303 = arith.addi %mul3A_299, %add3A_302 : i32
        %get3A_304 = arith.index_cast %add3A_303 : i32 to index
        %get3A_305 = tpu.vector_load %arg7[%get3A_304] {strides = array<i32>} : memref<656xi32, #tpu.memory_space<vmem>>, vector<16xi32>,
        %eq3A = arith.constant 0 : i32
        %eq3A_306 = vector.broadcast %eq3A : i32 to vector<16xi32>
        %eq3A_307 = arith.cmpi eq, %get3A_301, %eq3A_306 : vector<16xi32>
        %all_reduce_population_count3A = tpu.all_reduce %eq3A_307 {dim = 0 : i64, kind = #tpu.reduction_kind<sum>} : vector<16xi1> -> vector<16xi32>
        %eq3A_308 = arith.constant 0 : i32
        %eq3A_309 = vector.broadcast %eq3A_308 : i32 to vector<16xi32>
        %eq3A_310 = arith.cmpi eq, %get3A_305, %eq3A_309 : vector<16xi32>
        %and3A = arith.andi %eq3A_310, %lt3A_41 : vector<16xi1>
        %all_reduce_population_count3A_311 = tpu.all_reduce %and3A {dim = 0 : i64, kind = #tpu.reduction_kind<sum>} : vector<16xi1> -> vector<16xi32>
        %add3A_312 = arith.addi %all_reduce_population_count3A, %all_reduce_population_count3A_311 : vector<16xi32>
        %convert_element_type3A_313 = arith.sitofp %add3A_312 : vector<16xi32> to vector<16xf32>
        %broadcast_in_dim3A = arith.constant 0.000000e+00 : f32
        %broadcast_in_dim3A_314 = vector.broadcast %broadcast_in_dim3A : f32 to vector<16xf32>
        %broadcast_in_dim3A_315 = arith.constant 0.000000e+00 : f32
        %broadcast_in_dim3A_316 = vector.broadcast %broadcast_in_dim3A_315 : f32 to vector<16xf32>
        %broadcast_in_dim3A_317 = arith.constant 0.000000e+00 : f32
        %broadcast_in_dim3A_318 = vector.broadcast %broadcast_in_dim3A_317 : f32 to vector<16xf32>
        %broadcast_in_dim3A_319 = arith.constant 0.000000e+00 : f32
        %broadcast_in_dim3A_320 = vector.broadcast %broadcast_in_dim3A_319 : f32 to vector<16xf32>
        %add3A_321 = arith.constant 0 : i32
        %add3A_322 = arith.addi %mul3A_299, %add3A_321 : i32
        %get3A_323 = arith.index_cast %add3A_322 : i32 to index
        %get3A_324 = arith.constant 0 : index
        %get3A_325 = tpu.vector_load %arg9[%get3A_323, %get3A_324] {strides = array<i32>} : memref<640x64xf32, #tpu.memory_space<vmem>>, vector<16xf32>,
        %add3A_326 = arith.addf %broadcast_in_dim3A_314, %get3A_325 : vector<16xf32>
        %add3A_327 = arith.constant 0 : i32
        %add3A_328 = arith.addi %mul3A_299, %add3A_327 : i32
        %get3A_329 = arith.index_cast %add3A_328 : i32 to index
        %get3A_330 = arith.constant 16 : index
        %get3A_331 = tpu.vector_load %arg9[%get3A_329, %get3A_330] {strides = array<i32>} : memref<640x64xf32, #tpu.memory_space<vmem>>, vector<16xf32>,
        %add3A_332 = arith.addf %broadcast_in_dim3A_316, %get3A_331 : vector<16xf32>
        %add3A_333 = arith.constant 0 : i32
        %add3A_334 = arith.addi %mul3A_299, %add3A_333 : i32
        %get3A_335 = arith.index_cast %add3A_334 : i32 to index
        %get3A_336 = arith.constant 32 : index
        %get3A_337 = tpu.vector_load %arg9[%get3A_335, %get3A_336] {strides = array<i32>} : memref<640x64xf32, #tpu.memory_space<vmem>>, vector<16xf32>,
        %add3A_338 = arith.addf %broadcast_in_dim3A_318, %get3A_337 : vector<16xf32>
        %add3A_339 = arith.constant 0 : i32
        %add3A_340 = arith.addi %mul3A_299, %add3A_339 : i32
        %get3A_341 = arith.index_cast %add3A_340 : i32 to index
        %get3A_342 = arith.constant 48 : index
        %get3A_343 = tpu.vector_load %arg9[%get3A_341, %get3A_342] {strides = array<i32>} : memref<640x64xf32, #tpu.memory_space<vmem>>, vector<16xf32>,
        %add3A_344 = arith.addf %broadcast_in_dim3A_320, %get3A_343 : vector<16xf32>
        %add3A_345 = arith.constant 1 : i32
        %add3A_346 = arith.addi %mul3A_299, %add3A_345 : i32
        %get3A_347 = arith.index_cast %add3A_346 : i32 to index
        %get3A_348 = arith.constant 0 : index
        %get3A_349 = tpu.vector_load %arg9[%get3A_347, %get3A_348] {strides = array<i32>} : memref<640x64xf32, #tpu.memory_space<vmem>>, vector<16xf32>,
        %add3A_350 = arith.addf %add3A_326, %get3A_349 : vector<16xf32>
        %add3A_351 = arith.constant 1 : i32
        %add3A_352 = arith.addi %mul3A_299, %add3A_351 : i32
        %get3A_353 = arith.index_cast %add3A_352 : i32 to index
        %get3A_354 = arith.constant 16 : index
        %get3A_355 = tpu.vector_load %arg9[%get3A_353, %get3A_354] {strides = array<i32>} : memref<640x64xf32, #tpu.memory_space<vmem>>, vector<16xf32>,
        %add3A_356 = arith.addf %add3A_332, %get3A_355 : vector<16xf32>
        %add3A_357 = arith.constant 1 : i32
        %add3A_358 = arith.addi %mul3A_299, %add3A_357 : i32
        %get3A_359 = arith.index_cast %add3A_358 : i32 to index
        %get3A_360 = arith.constant 32 : index
        %get3A_361 = tpu.vector_load %arg9[%get3A_359, %get3A_360] {strides = array<i32>} : memref<640x64xf32, #tpu.memory_space<vmem>>, vector<16xf32>,
        %add3A_362 = arith.addf %add3A_338, %get3A_361 : vector<16xf32>
        %add3A_363 = arith.constant 1 : i32
        %add3A_364 = arith.addi %mul3A_299, %add3A_363 : i32
        %get3A_365 = arith.index_cast %add3A_364 : i32 to index
        %get3A_366 = arith.constant 48 : index
        %get3A_367 = tpu.vector_load %arg9[%get3A_365, %get3A_366] {strides = array<i32>} : memref<640x64xf32, #tpu.memory_space<vmem>>, vector<16xf32>,
        %add3A_368 = arith.addf %add3A_344, %get3A_367 : vector<16xf32>
        %add3A_369 = arith.constant 2 : i32
        %add3A_370 = arith.addi %mul3A_299, %add3A_369 : i32
        %get3A_371 = arith.index_cast %add3A_370 : i32 to index
        %get3A_372 = arith.constant 0 : index
        %get3A_373 = tpu.vector_load %arg9[%get3A_371, %get3A_372] {strides = array<i32>} : memref<640x64xf32, #tpu.memory_space<vmem>>, vector<16xf32>,
        %add3A_374 = arith.addf %add3A_350, %get3A_373 : vector<16xf32>
        %add3A_375 = arith.constant 2 : i32
        %add3A_376 = arith.addi %mul3A_299, %add3A_375 : i32
        %get3A_377 = arith.index_cast %add3A_376 : i32 to index
        %get3A_378 = arith.constant 16 : index
        %get3A_379 = tpu.vector_load %arg9[%get3A_377, %get3A_378] {strides = array<i32>} : memref<640x64xf32, #tpu.memory_space<vmem>>, vector<16xf32>,
        %add3A_380 = arith.addf %add3A_356, %get3A_379 : vector<16xf32>
        %add3A_381 = arith.constant 2 : i32
        %add3A_382 = arith.addi %mul3A_299, %add3A_381 : i32
        %get3A_383 = arith.index_cast %add3A_382 : i32 to index
        %get3A_384 = arith.constant 32 : index
        %get3A_385 = tpu.vector_load %arg9[%get3A_383, %get3A_384] {strides = array<i32>} : memref<640x64xf32, #tpu.memory_space<vmem>>, vector<16xf32>,
        %add3A_386 = arith.addf %add3A_362, %get3A_385 : vector<16xf32>
        %add3A_387 = arith.constant 2 : i32
        %add3A_388 = arith.addi %mul3A_299, %add3A_387 : i32
        %get3A_389 = arith.index_cast %add3A_388 : i32 to index
        %get3A_390 = arith.constant 48 : index
        %get3A_391 = tpu.vector_load %arg9[%get3A_389, %get3A_390] {strides = array<i32>} : memref<640x64xf32, #tpu.memory_space<vmem>>, vector<16xf32>,
        %add3A_392 = arith.addf %add3A_368, %get3A_391 : vector<16xf32>
        %add3A_393 = arith.constant 3 : i32
        %add3A_394 = arith.addi %mul3A_299, %add3A_393 : i32
        %get3A_395 = arith.index_cast %add3A_394 : i32 to index
        %get3A_396 = arith.constant 0 : index
        %get3A_397 = tpu.vector_load %arg9[%get3A_395, %get3A_396] {strides = array<i32>} : memref<640x64xf32, #tpu.memory_space<vmem>>, vector<16xf32>,
        %add3A_398 = arith.addf %add3A_374, %get3A_397 : vector<16xf32>
        %add3A_399 = arith.constant 3 : i32
        %add3A_400 = arith.addi %mul3A_299, %add3A_399 : i32
        %get3A_401 = arith.index_cast %add3A_400 : i32 to index
        %get3A_402 = arith.constant 16 : index
        %get3A_403 = tpu.vector_load %arg9[%get3A_401, %get3A_402] {strides = array<i32>} : memref<640x64xf32, #tpu.memory_space<vmem>>, vector<16xf32>,
        %add3A_404 = arith.addf %add3A_380, %get3A_403 : vector<16xf32>
        %add3A_405 = arith.constant 3 : i32
        %add3A_406 = arith.addi %mul3A_299, %add3A_405 : i32
        %get3A_407 = arith.index_cast %add3A_406 : i32 to index
        %get3A_408 = arith.constant 32 : index
        %get3A_409 = tpu.vector_load %arg9[%get3A_407, %get3A_408] {strides = array<i32>} : memref<640x64xf32, #tpu.memory_space<vmem>>, vector<16xf32>,
        %add3A_410 = arith.addf %add3A_386, %get3A_409 : vector<16xf32>
        %add3A_411 = arith.constant 3 : i32
        %add3A_412 = arith.addi %mul3A_299, %add3A_411 : i32
        %get3A_413 = arith.index_cast %add3A_412 : i32 to index
        %get3A_414 = arith.constant 48 : index
        %get3A_415 = tpu.vector_load %arg9[%get3A_413, %get3A_414] {strides = array<i32>} : memref<640x64xf32, #tpu.memory_space<vmem>>, vector<16xf32>,
        %add3A_416 = arith.addf %add3A_392, %get3A_415 : vector<16xf32>
        %add3A_417 = arith.constant 4 : i32
        %add3A_418 = arith.addi %mul3A_299, %add3A_417 : i32
        %get3A_419 = arith.index_cast %add3A_418 : i32 to index
        %get3A_420 = arith.constant 0 : index
        %get3A_421 = tpu.vector_load %arg9[%get3A_419, %get3A_420] {strides = array<i32>} : memref<640x64xf32, #tpu.memory_space<vmem>>, vector<16xf32>,
        %add3A_422 = arith.addf %add3A_398, %get3A_421 : vector<16xf32>
        %add3A_423 = arith.constant 4 : i32
        %add3A_424 = arith.addi %mul3A_299, %add3A_423 : i32
        %get3A_425 = arith.index_cast %add3A_424 : i32 to index
        %get3A_426 = arith.constant 16 : index
        %get3A_427 = tpu.vector_load %arg9[%get3A_425, %get3A_426] {strides = array<i32>} : memref<640x64xf32, #tpu.memory_space<vmem>>, vector<16xf32>,
        %add3A_428 = arith.addf %add3A_404, %get3A_427 : vector<16xf32>
        %add3A_429 = arith.constant 4 : i32
        %add3A_430 = arith.addi %mul3A_299, %add3A_429 : i32
        %get3A_431 = arith.index_cast %add3A_430 : i32 to index
        %get3A_432 = arith.constant 32 : index
        %get3A_433 = tpu.vector_load %arg9[%get3A_431, %get3A_432] {strides = array<i32>} : memref<640x64xf32, #tpu.memory_space<vmem>>, vector<16xf32>,
        %add3A_434 = arith.addf %add3A_410, %get3A_433 : vector<16xf32>
        %add3A_435 = arith.constant 4 : i32
        %add3A_436 = arith.addi %mul3A_299, %add3A_435 : i32
        %get3A_437 = arith.index_cast %add3A_436 : i32 to index
        %get3A_438 = arith.constant 48 : index
        %get3A_439 = tpu.vector_load %arg9[%get3A_437, %get3A_438] {strides = array<i32>} : memref<640x64xf32, #tpu.memory_space<vmem>>, vector<16xf32>,
        %add3A_440 = arith.addf %add3A_416, %get3A_439 : vector<16xf32>
        %add3A_441 = arith.constant 5 : i32
        %add3A_442 = arith.addi %mul3A_299, %add3A_441 : i32
        %get3A_443 = arith.index_cast %add3A_442 : i32 to index
        %get3A_444 = arith.constant 0 : index
        %get3A_445 = tpu.vector_load %arg9[%get3A_443, %get3A_444] {strides = array<i32>} : memref<640x64xf32, #tpu.memory_space<vmem>>, vector<16xf32>,
        %add3A_446 = arith.addf %add3A_422, %get3A_445 : vector<16xf32>
        %add3A_447 = arith.constant 5 : i32
        %add3A_448 = arith.addi %mul3A_299, %add3A_447 : i32
        %get3A_449 = arith.index_cast %add3A_448 : i32 to index
        %get3A_450 = arith.constant 16 : index
        %get3A_451 = tpu.vector_load %arg9[%get3A_449, %get3A_450] {strides = array<i32>} : memref<640x64xf32, #tpu.memory_space<vmem>>, vector<16xf32>,
        %add3A_452 = arith.addf %add3A_428, %get3A_451 : vector<16xf32>
        %add3A_453 = arith.constant 5 : i32
        %add3A_454 = arith.addi %mul3A_299, %add3A_453 : i32
        %get3A_455 = arith.index_cast %add3A_454 : i32 to index
        %get3A_456 = arith.constant 32 : index
        %get3A_457 = tpu.vector_load %arg9[%get3A_455, %get3A_456] {strides = array<i32>} : memref<640x64xf32, #tpu.memory_space<vmem>>, vector<16xf32>,
        %add3A_458 = arith.addf %add3A_434, %get3A_457 : vector<16xf32>
        %add3A_459 = arith.constant 5 : i32
        %add3A_460 = arith.addi %mul3A_299, %add3A_459 : i32
        %get3A_461 = arith.index_cast %add3A_460 : i32 to index
        %get3A_462 = arith.constant 48 : index
        %get3A_463 = tpu.vector_load %arg9[%get3A_461, %get3A_462] {strides = array<i32>} : memref<640x64xf32, #tpu.memory_space<vmem>>, vector<16xf32>,
        %add3A_464 = arith.addf %add3A_440, %get3A_463 : vector<16xf32>
        %add3A_465 = arith.constant 6 : i32
        %add3A_466 = arith.addi %mul3A_299, %add3A_465 : i32
        %get3A_467 = arith.index_cast %add3A_466 : i32 to index
        %get3A_468 = arith.constant 0 : index
        %get3A_469 = tpu.vector_load %arg9[%get3A_467, %get3A_468] {strides = array<i32>} : memref<640x64xf32, #tpu.memory_space<vmem>>, vector<16xf32>,
        %add3A_470 = arith.addf %add3A_446, %get3A_469 : vector<16xf32>
        %add3A_471 = arith.constant 6 : i32
        %add3A_472 = arith.addi %mul3A_299, %add3A_471 : i32
        %get3A_473 = arith.index_cast %add3A_472 : i32 to index
        %get3A_474 = arith.constant 16 : index
        %get3A_475 = tpu.vector_load %arg9[%get3A_473, %get3A_474] {strides = array<i32>} : memref<640x64xf32, #tpu.memory_space<vmem>>, vector<16xf32>,
        %add3A_476 = arith.addf %add3A_452, %get3A_475 : vector<16xf32>
        %add3A_477 = arith.constant 6 : i32
        %add3A_478 = arith.addi %mul3A_299, %add3A_477 : i32
        %get3A_479 = arith.index_cast %add3A_478 : i32 to index
        %get3A_480 = arith.constant 32 : index
        %get3A_481 = tpu.vector_load %arg9[%get3A_479, %get3A_480] {strides = array<i32>} : memref<640x64xf32, #tpu.memory_space<vmem>>, vector<16xf32>,
        %add3A_482 = arith.addf %add3A_458, %get3A_481 : vector<16xf32>
        %add3A_483 = arith.constant 6 : i32
        %add3A_484 = arith.addi %mul3A_299, %add3A_483 : i32
        %get3A_485 = arith.index_cast %add3A_484 : i32 to index
        %get3A_486 = arith.constant 48 : index
        %get3A_487 = tpu.vector_load %arg9[%get3A_485, %get3A_486] {strides = array<i32>} : memref<640x64xf32, #tpu.memory_space<vmem>>, vector<16xf32>,
        %add3A_488 = arith.addf %add3A_464, %get3A_487 : vector<16xf32>
        %add3A_489 = arith.constant 7 : i32
        %add3A_490 = arith.addi %mul3A_299, %add3A_489 : i32
        %get3A_491 = arith.index_cast %add3A_490 : i32 to index
        %get3A_492 = arith.constant 0 : index
        %get3A_493 = tpu.vector_load %arg9[%get3A_491, %get3A_492] {strides = array<i32>} : memref<640x64xf32, #tpu.memory_space<vmem>>, vector<16xf32>,
        %add3A_494 = arith.addf %add3A_470, %get3A_493 : vector<16xf32>
        %add3A_495 = arith.constant 7 : i32
        %add3A_496 = arith.addi %mul3A_299, %add3A_495 : i32
        %get3A_497 = arith.index_cast %add3A_496 : i32 to index
        %get3A_498 = arith.constant 16 : index
        %get3A_499 = tpu.vector_load %arg9[%get3A_497, %get3A_498] {strides = array<i32>} : memref<640x64xf32, #tpu.memory_space<vmem>>, vector<16xf32>,
        %add3A_500 = arith.addf %add3A_476, %get3A_499 : vector<16xf32>
        %add3A_501 = arith.constant 7 : i32
        %add3A_502 = arith.addi %mul3A_299, %add3A_501 : i32
        %get3A_503 = arith.index_cast %add3A_502 : i32 to index
        %get3A_504 = arith.constant 32 : index
        %get3A_505 = tpu.vector_load %arg9[%get3A_503, %get3A_504] {strides = array<i32>} : memref<640x64xf32, #tpu.memory_space<vmem>>, vector<16xf32>,
        %add3A_506 = arith.addf %add3A_482, %get3A_505 : vector<16xf32>
        %add3A_507 = arith.constant 7 : i32
        %add3A_508 = arith.addi %mul3A_299, %add3A_507 : i32
        %get3A_509 = arith.index_cast %add3A_508 : i32 to index
        %get3A_510 = arith.constant 48 : index
        %get3A_511 = tpu.vector_load %arg9[%get3A_509, %get3A_510] {strides = array<i32>} : memref<640x64xf32, #tpu.memory_space<vmem>>, vector<16xf32>,
        %add3A_512 = arith.addf %add3A_488, %get3A_511 : vector<16xf32>
        %add3A_513 = arith.constant 8 : i32
        %add3A_514 = arith.addi %mul3A_299, %add3A_513 : i32
        %get3A_515 = arith.index_cast %add3A_514 : i32 to index
        %get3A_516 = arith.constant 0 : index
        %get3A_517 = tpu.vector_load %arg9[%get3A_515, %get3A_516] {strides = array<i32>} : memref<640x64xf32, #tpu.memory_space<vmem>>, vector<16xf32>,
        %add3A_518 = arith.addf %add3A_494, %get3A_517 : vector<16xf32>
        %add3A_519 = arith.constant 8 : i32
        %add3A_520 = arith.addi %mul3A_299, %add3A_519 : i32
        %get3A_521 = arith.index_cast %add3A_520 : i32 to index
        %get3A_522 = arith.constant 16 : index
        %get3A_523 = tpu.vector_load %arg9[%get3A_521, %get3A_522] {strides = array<i32>} : memref<640x64xf32, #tpu.memory_space<vmem>>, vector<16xf32>,
        %add3A_524 = arith.addf %add3A_500, %get3A_523 : vector<16xf32>
        %add3A_525 = arith.constant 8 : i32
        %add3A_526 = arith.addi %mul3A_299, %add3A_525 : i32
        %get3A_527 = arith.index_cast %add3A_526 : i32 to index
        %get3A_528 = arith.constant 32 : index
        %get3A_529 = tpu.vector_load %arg9[%get3A_527, %get3A_528] {strides = array<i32>} : memref<640x64xf32, #tpu.memory_space<vmem>>, vector<16xf32>,
        %add3A_530 = arith.addf %add3A_506, %get3A_529 : vector<16xf32>
        %add3A_531 = arith.constant 8 : i32
        %add3A_532 = arith.addi %mul3A_299, %add3A_531 : i32
        %get3A_533 = arith.index_cast %add3A_532 : i32 to index
        %get3A_534 = arith.constant 48 : index
        %get3A_535 = tpu.vector_load %arg9[%get3A_533, %get3A_534] {strides = array<i32>} : memref<640x64xf32, #tpu.memory_space<vmem>>, vector<16xf32>,
        %add3A_536 = arith.addf %add3A_512, %get3A_535 : vector<16xf32>
        %add3A_537 = arith.constant 9 : i32
        %add3A_538 = arith.addi %mul3A_299, %add3A_537 : i32
        %get3A_539 = arith.index_cast %add3A_538 : i32 to index
        %get3A_540 = arith.constant 0 : index
        %get3A_541 = tpu.vector_load %arg9[%get3A_539, %get3A_540] {strides = array<i32>} : memref<640x64xf32, #tpu.memory_space<vmem>>, vector<16xf32>,
        %add3A_542 = arith.addf %add3A_518, %get3A_541 : vector<16xf32>
        %add3A_543 = arith.constant 9 : i32
        %add3A_544 = arith.addi %mul3A_299, %add3A_543 : i32
        %get3A_545 = arith.index_cast %add3A_544 : i32 to index
        %get3A_546 = arith.constant 16 : index
        %get3A_547 = tpu.vector_load %arg9[%get3A_545, %get3A_546] {strides = array<i32>} : memref<640x64xf32, #tpu.memory_space<vmem>>, vector<16xf32>,
        %add3A_548 = arith.addf %add3A_524, %get3A_547 : vector<16xf32>
        %add3A_549 = arith.constant 9 : i32
        %add3A_550 = arith.addi %mul3A_299, %add3A_549 : i32
        %get3A_551 = arith.index_cast %add3A_550 : i32 to index
        %get3A_552 = arith.constant 32 : index
        %get3A_553 = tpu.vector_load %arg9[%get3A_551, %get3A_552] {strides = array<i32>} : memref<640x64xf32, #tpu.memory_space<vmem>>, vector<16xf32>,
        %add3A_554 = arith.addf %add3A_530, %get3A_553 : vector<16xf32>
        %add3A_555 = arith.constant 9 : i32
        %add3A_556 = arith.addi %mul3A_299, %add3A_555 : i32
        %get3A_557 = arith.index_cast %add3A_556 : i32 to index
        %get3A_558 = arith.constant 48 : index
        %get3A_559 = tpu.vector_load %arg9[%get3A_557, %get3A_558] {strides = array<i32>} : memref<640x64xf32, #tpu.memory_space<vmem>>, vector<16xf32>,
        %add3A_560 = arith.addf %add3A_536, %get3A_559 : vector<16xf32>
        %add3A_561 = arith.constant 10 : i32
        %add3A_562 = arith.addi %mul3A_299, %add3A_561 : i32
        %get3A_563 = arith.index_cast %add3A_562 : i32 to index
        %get3A_564 = arith.constant 0 : index
        %get3A_565 = tpu.vector_load %arg9[%get3A_563, %get3A_564] {strides = array<i32>} : memref<640x64xf32, #tpu.memory_space<vmem>>, vector<16xf32>,
        %add3A_566 = arith.addf %add3A_542, %get3A_565 : vector<16xf32>
        %add3A_567 = arith.constant 10 : i32
        %add3A_568 = arith.addi %mul3A_299, %add3A_567 : i32
        %get3A_569 = arith.index_cast %add3A_568 : i32 to index
        %get3A_570 = arith.constant 16 : index
        %get3A_571 = tpu.vector_load %arg9[%get3A_569, %get3A_570] {strides = array<i32>} : memref<640x64xf32, #tpu.memory_space<vmem>>, vector<16xf32>,
        %add3A_572 = arith.addf %add3A_548, %get3A_571 : vector<16xf32>
        %add3A_573 = arith.constant 10 : i32
        %add3A_574 = arith.addi %mul3A_299, %add3A_573 : i32
        %get3A_575 = arith.index_cast %add3A_574 : i32 to index
        %get3A_576 = arith.constant 32 : index
        %get3A_577 = tpu.vector_load %arg9[%get3A_575, %get3A_576] {strides = array<i32>} : memref<640x64xf32, #tpu.memory_space<vmem>>, vector<16xf32>,
        %add3A_578 = arith.addf %add3A_554, %get3A_577 : vector<16xf32>
        %add3A_579 = arith.constant 10 : i32
        %add3A_580 = arith.addi %mul3A_299, %add3A_579 : i32
        %get3A_581 = arith.index_cast %add3A_580 : i32 to index
        %get3A_582 = arith.constant 48 : index
        %get3A_583 = tpu.vector_load %arg9[%get3A_581, %get3A_582] {strides = array<i32>} : memref<640x64xf32, #tpu.memory_space<vmem>>, vector<16xf32>,
        %add3A_584 = arith.addf %add3A_560, %get3A_583 : vector<16xf32>
        %add3A_585 = arith.constant 11 : i32
        %add3A_586 = arith.addi %mul3A_299, %add3A_585 : i32
        %get3A_587 = arith.index_cast %add3A_586 : i32 to index
        %get3A_588 = arith.constant 0 : index
        %get3A_589 = tpu.vector_load %arg9[%get3A_587, %get3A_588] {strides = array<i32>} : memref<640x64xf32, #tpu.memory_space<vmem>>, vector<16xf32>,
        %add3A_590 = arith.addf %add3A_566, %get3A_589 : vector<16xf32>
        %add3A_591 = arith.constant 11 : i32
        %add3A_592 = arith.addi %mul3A_299, %add3A_591 : i32
        %get3A_593 = arith.index_cast %add3A_592 : i32 to index
        %get3A_594 = arith.constant 16 : index
        %get3A_595 = tpu.vector_load %arg9[%get3A_593, %get3A_594] {strides = array<i32>} : memref<640x64xf32, #tpu.memory_space<vmem>>, vector<16xf32>,
        %add3A_596 = arith.addf %add3A_572, %get3A_595 : vector<16xf32>
        %add3A_597 = arith.constant 11 : i32
        %add3A_598 = arith.addi %mul3A_299, %add3A_597 : i32
        %get3A_599 = arith.index_cast %add3A_598 : i32 to index
        %get3A_600 = arith.constant 32 : index
        %get3A_601 = tpu.vector_load %arg9[%get3A_599, %get3A_600] {strides = array<i32>} : memref<640x64xf32, #tpu.memory_space<vmem>>, vector<16xf32>,
        %add3A_602 = arith.addf %add3A_578, %get3A_601 : vector<16xf32>
        %add3A_603 = arith.constant 11 : i32
        %add3A_604 = arith.addi %mul3A_299, %add3A_603 : i32
        %get3A_605 = arith.index_cast %add3A_604 : i32 to index
        %get3A_606 = arith.constant 48 : index
        %get3A_607 = tpu.vector_load %arg9[%get3A_605, %get3A_606] {strides = array<i32>} : memref<640x64xf32, #tpu.memory_space<vmem>>, vector<16xf32>,
        %add3A_608 = arith.addf %add3A_584, %get3A_607 : vector<16xf32>
        %add3A_609 = arith.constant 12 : i32
        %add3A_610 = arith.addi %mul3A_299, %add3A_609 : i32
        %get3A_611 = arith.index_cast %add3A_610 : i32 to index
        %get3A_612 = arith.constant 0 : index
        %get3A_613 = tpu.vector_load %arg9[%get3A_611, %get3A_612] {strides = array<i32>} : memref<640x64xf32, #tpu.memory_space<vmem>>, vector<16xf32>,
        %add3A_614 = arith.addf %add3A_590, %get3A_613 : vector<16xf32>
        %add3A_615 = arith.constant 12 : i32
        %add3A_616 = arith.addi %mul3A_299, %add3A_615 : i32
        %get3A_617 = arith.index_cast %add3A_616 : i32 to index
        %get3A_618 = arith.constant 16 : index
        %get3A_619 = tpu.vector_load %arg9[%get3A_617, %get3A_618] {strides = array<i32>} : memref<640x64xf32, #tpu.memory_space<vmem>>, vector<16xf32>,
        %add3A_620 = arith.addf %add3A_596, %get3A_619 : vector<16xf32>
        %add3A_621 = arith.constant 12 : i32
        %add3A_622 = arith.addi %mul3A_299, %add3A_621 : i32
        %get3A_623 = arith.index_cast %add3A_622 : i32 to index
        %get3A_624 = arith.constant 32 : index
        %get3A_625 = tpu.vector_load %arg9[%get3A_623, %get3A_624] {strides = array<i32>} : memref<640x64xf32, #tpu.memory_space<vmem>>, vector<16xf32>,
        %add3A_626 = arith.addf %add3A_602, %get3A_625 : vector<16xf32>
        %add3A_627 = arith.constant 12 : i32
        %add3A_628 = arith.addi %mul3A_299, %add3A_627 : i32
        %get3A_629 = arith.index_cast %add3A_628 : i32 to index
        %get3A_630 = arith.constant 48 : index
        %get3A_631 = tpu.vector_load %arg9[%get3A_629, %get3A_630] {strides = array<i32>} : memref<640x64xf32, #tpu.memory_space<vmem>>, vector<16xf32>,
        %add3A_632 = arith.addf %add3A_608, %get3A_631 : vector<16xf32>
        %add3A_633 = arith.constant 13 : i32
        %add3A_634 = arith.addi %mul3A_299, %add3A_633 : i32
        %get3A_635 = arith.index_cast %add3A_634 : i32 to index
        %get3A_636 = arith.constant 0 : index
        %get3A_637 = tpu.vector_load %arg9[%get3A_635, %get3A_636] {strides = array<i32>} : memref<640x64xf32, #tpu.memory_space<vmem>>, vector<16xf32>,
        %add3A_638 = arith.addf %add3A_614, %get3A_637 : vector<16xf32>
        %add3A_639 = arith.constant 13 : i32
        %add3A_640 = arith.addi %mul3A_299, %add3A_639 : i32
        %get3A_641 = arith.index_cast %add3A_640 : i32 to index
        %get3A_642 = arith.constant 16 : index
        %get3A_643 = tpu.vector_load %arg9[%get3A_641, %get3A_642] {strides = array<i32>} : memref<640x64xf32, #tpu.memory_space<vmem>>, vector<16xf32>,
        %add3A_644 = arith.addf %add3A_620, %get3A_643 : vector<16xf32>
        %add3A_645 = arith.constant 13 : i32
        %add3A_646 = arith.addi %mul3A_299, %add3A_645 : i32
        %get3A_647 = arith.index_cast %add3A_646 : i32 to index
        %get3A_648 = arith.constant 32 : index
        %get3A_649 = tpu.vector_load %arg9[%get3A_647, %get3A_648] {strides = array<i32>} : memref<640x64xf32, #tpu.memory_space<vmem>>, vector<16xf32>,
        %add3A_650 = arith.addf %add3A_626, %get3A_649 : vector<16xf32>
        %add3A_651 = arith.constant 13 : i32
        %add3A_652 = arith.addi %mul3A_299, %add3A_651 : i32
        %get3A_653 = arith.index_cast %add3A_652 : i32 to index
        %get3A_654 = arith.constant 48 : index
        %get3A_655 = tpu.vector_load %arg9[%get3A_653, %get3A_654] {strides = array<i32>} : memref<640x64xf32, #tpu.memory_space<vmem>>, vector<16xf32>,
        %add3A_656 = arith.addf %add3A_632, %get3A_655 : vector<16xf32>
        %add3A_657 = arith.constant 14 : i32
        %add3A_658 = arith.addi %mul3A_299, %add3A_657 : i32
        %get3A_659 = arith.index_cast %add3A_658 : i32 to index
        %get3A_660 = arith.constant 0 : index
        %get3A_661 = tpu.vector_load %arg9[%get3A_659, %get3A_660] {strides = array<i32>} : memref<640x64xf32, #tpu.memory_space<vmem>>, vector<16xf32>,
        %add3A_662 = arith.addf %add3A_638, %get3A_661 : vector<16xf32>
        %add3A_663 = arith.constant 14 : i32
        %add3A_664 = arith.addi %mul3A_299, %add3A_663 : i32
        %get3A_665 = arith.index_cast %add3A_664 : i32 to index
        %get3A_666 = arith.constant 16 : index
        %get3A_667 = tpu.vector_load %arg9[%get3A_665, %get3A_666] {strides = array<i32>} : memref<640x64xf32, #tpu.memory_space<vmem>>, vector<16xf32>,
        %add3A_668 = arith.addf %add3A_644, %get3A_667 : vector<16xf32>
        %add3A_669 = arith.constant 14 : i32
        %add3A_670 = arith.addi %mul3A_299, %add3A_669 : i32
        %get3A_671 = arith.index_cast %add3A_670 : i32 to index
        %get3A_672 = arith.constant 32 : index
        %get3A_673 = tpu.vector_load %arg9[%get3A_671, %get3A_672] {strides = array<i32>} : memref<640x64xf32, #tpu.memory_space<vmem>>, vector<16xf32>,
        %add3A_674 = arith.addf %add3A_650, %get3A_673 : vector<16xf32>
        %add3A_675 = arith.constant 14 : i32
        %add3A_676 = arith.addi %mul3A_299, %add3A_675 : i32
        %get3A_677 = arith.index_cast %add3A_676 : i32 to index
        %get3A_678 = arith.constant 48 : index
        %get3A_679 = tpu.vector_load %arg9[%get3A_677, %get3A_678] {strides = array<i32>} : memref<640x64xf32, #tpu.memory_space<vmem>>, vector<16xf32>,
        %add3A_680 = arith.addf %add3A_656, %get3A_679 : vector<16xf32>
        %add3A_681 = arith.constant 15 : i32
        %add3A_682 = arith.addi %mul3A_299, %add3A_681 : i32
        %get3A_683 = arith.index_cast %add3A_682 : i32 to index
        %get3A_684 = arith.constant 0 : index
        %get3A_685 = tpu.vector_load %arg9[%get3A_683, %get3A_684] {strides = array<i32>} : memref<640x64xf32, #tpu.memory_space<vmem>>, vector<16xf32>,
        %add3A_686 = arith.addf %add3A_662, %get3A_685 : vector<16xf32>
        %add3A_687 = arith.constant 15 : i32
        %add3A_688 = arith.addi %mul3A_299, %add3A_687 : i32
        %get3A_689 = arith.index_cast %add3A_688 : i32 to index
        %get3A_690 = arith.constant 16 : index
        %get3A_691 = tpu.vector_load %arg9[%get3A_689, %get3A_690] {strides = array<i32>} : memref<640x64xf32, #tpu.memory_space<vmem>>, vector<16xf32>,
        %add3A_692 = arith.addf %add3A_668, %get3A_691 : vector<16xf32>
        %add3A_693 = arith.constant 15 : i32
        %add3A_694 = arith.addi %mul3A_299, %add3A_693 : i32
        %get3A_695 = arith.index_cast %add3A_694 : i32 to index
        %get3A_696 = arith.constant 32 : index
        %get3A_697 = tpu.vector_load %arg9[%get3A_695, %get3A_696] {strides = array<i32>} : memref<640x64xf32, #tpu.memory_space<vmem>>, vector<16xf32>,
        %add3A_698 = arith.addf %add3A_674, %get3A_697 : vector<16xf32>
        %add3A_699 = arith.constant 15 : i32
        %add3A_700 = arith.addi %mul3A_299, %add3A_699 : i32
        %get3A_701 = arith.index_cast %add3A_700 : i32 to index
        %get3A_702 = arith.constant 48 : index
        %get3A_703 = tpu.vector_load %arg9[%get3A_701, %get3A_702] {strides = array<i32>} : memref<640x64xf32, #tpu.memory_space<vmem>>, vector<16xf32>,
        %add3A_704 = arith.addf %add3A_680, %get3A_703 : vector<16xf32>
        %add3A_705 = arith.constant 16 : i32
        %add3A_706 = arith.addi %mul3A_299, %add3A_705 : i32
        %get3A_707 = arith.index_cast %add3A_706 : i32 to index
        %get3A_708 = arith.constant 0 : index
        %get3A_709 = tpu.vector_load %arg9[%get3A_707, %get3A_708] {strides = array<i32>} : memref<640x64xf32, #tpu.memory_space<vmem>>, vector<16xf32>,
        %add3A_710 = arith.addf %add3A_686, %get3A_709 : vector<16xf32>
        %add3A_711 = arith.constant 16 : i32
        %add3A_712 = arith.addi %mul3A_299, %add3A_711 : i32
        %get3A_713 = arith.index_cast %add3A_712 : i32 to index
        %get3A_714 = arith.constant 16 : index
        %get3A_715 = tpu.vector_load %arg9[%get3A_713, %get3A_714] {strides = array<i32>} : memref<640x64xf32, #tpu.memory_space<vmem>>, vector<16xf32>,
        %add3A_716 = arith.addf %add3A_692, %get3A_715 : vector<16xf32>
        %add3A_717 = arith.constant 16 : i32
        %add3A_718 = arith.addi %mul3A_299, %add3A_717 : i32
        %get3A_719 = arith.index_cast %add3A_718 : i32 to index
        %get3A_720 = arith.constant 32 : index
        %get3A_721 = tpu.vector_load %arg9[%get3A_719, %get3A_720] {strides = array<i32>} : memref<640x64xf32, #tpu.memory_space<vmem>>, vector<16xf32>,
        %add3A_722 = arith.addf %add3A_698, %get3A_721 : vector<16xf32>
        %add3A_723 = arith.constant 16 : i32
        %add3A_724 = arith.addi %mul3A_299, %add3A_723 : i32
        %get3A_725 = arith.index_cast %add3A_724 : i32 to index
        %get3A_726 = arith.constant 48 : index
        %get3A_727 = tpu.vector_load %arg9[%get3A_725, %get3A_726] {strides = array<i32>} : memref<640x64xf32, #tpu.memory_space<vmem>>, vector<16xf32>,
        %add3A_728 = arith.addf %add3A_704, %get3A_727 : vector<16xf32>
        %add3A_729 = arith.constant 17 : i32
        %add3A_730 = arith.addi %mul3A_299, %add3A_729 : i32
        %get3A_731 = arith.index_cast %add3A_730 : i32 to index
        %get3A_732 = arith.constant 0 : index
        %get3A_733 = tpu.vector_load %arg9[%get3A_731, %get3A_732] {strides = array<i32>} : memref<640x64xf32, #tpu.memory_space<vmem>>, vector<16xf32>,
        %add3A_734 = arith.addf %add3A_710, %get3A_733 : vector<16xf32>
        %add3A_735 = arith.constant 17 : i32
        %add3A_736 = arith.addi %mul3A_299, %add3A_735 : i32
        %get3A_737 = arith.index_cast %add3A_736 : i32 to index
        %get3A_738 = arith.constant 16 : index
        %get3A_739 = tpu.vector_load %arg9[%get3A_737, %get3A_738] {strides = array<i32>} : memref<640x64xf32, #tpu.memory_space<vmem>>, vector<16xf32>,
        %add3A_740 = arith.addf %add3A_716, %get3A_739 : vector<16xf32>
        %add3A_741 = arith.constant 17 : i32
        %add3A_742 = arith.addi %mul3A_299, %add3A_741 : i32
        %get3A_743 = arith.index_cast %add3A_742 : i32 to index
        %get3A_744 = arith.constant 32 : index
        %get3A_745 = tpu.vector_load %arg9[%get3A_743, %get3A_744] {strides = array<i32>} : memref<640x64xf32, #tpu.memory_space<vmem>>, vector<16xf32>,
        %add3A_746 = arith.addf %add3A_722, %get3A_745 : vector<16xf32>
        %add3A_747 = arith.constant 17 : i32
        %add3A_748 = arith.addi %mul3A_299, %add3A_747 : i32
        %get3A_749 = arith.index_cast %add3A_748 : i32 to index
        %get3A_750 = arith.constant 48 : index
        %get3A_751 = tpu.vector_load %arg9[%get3A_749, %get3A_750] {strides = array<i32>} : memref<640x64xf32, #tpu.memory_space<vmem>>, vector<16xf32>,
        %add3A_752 = arith.addf %add3A_728, %get3A_751 : vector<16xf32>
        %add3A_753 = arith.constant 18 : i32
        %add3A_754 = arith.addi %mul3A_299, %add3A_753 : i32
        %get3A_755 = arith.index_cast %add3A_754 : i32 to index
        %get3A_756 = arith.constant 0 : index
        %get3A_757 = tpu.vector_load %arg9[%get3A_755, %get3A_756] {strides = array<i32>} : memref<640x64xf32, #tpu.memory_space<vmem>>, vector<16xf32>,
        %add3A_758 = arith.addf %add3A_734, %get3A_757 : vector<16xf32>
        %add3A_759 = arith.constant 18 : i32
        %add3A_760 = arith.addi %mul3A_299, %add3A_759 : i32
        %get3A_761 = arith.index_cast %add3A_760 : i32 to index
        %get3A_762 = arith.constant 16 : index
        %get3A_763 = tpu.vector_load %arg9[%get3A_761, %get3A_762] {strides = array<i32>} : memref<640x64xf32, #tpu.memory_space<vmem>>, vector<16xf32>,
        %add3A_764 = arith.addf %add3A_740, %get3A_763 : vector<16xf32>
        %add3A_765 = arith.constant 18 : i32
        %add3A_766 = arith.addi %mul3A_299, %add3A_765 : i32
        %get3A_767 = arith.index_cast %add3A_766 : i32 to index
        %get3A_768 = arith.constant 32 : index
        %get3A_769 = tpu.vector_load %arg9[%get3A_767, %get3A_768] {strides = array<i32>} : memref<640x64xf32, #tpu.memory_space<vmem>>, vector<16xf32>,
        %add3A_770 = arith.addf %add3A_746, %get3A_769 : vector<16xf32>
        %add3A_771 = arith.constant 18 : i32
        %add3A_772 = arith.addi %mul3A_299, %add3A_771 : i32
        %get3A_773 = arith.index_cast %add3A_772 : i32 to index
        %get3A_774 = arith.constant 48 : index
        %get3A_775 = tpu.vector_load %arg9[%get3A_773, %get3A_774] {strides = array<i32>} : memref<640x64xf32, #tpu.memory_space<vmem>>, vector<16xf32>,
        %add3A_776 = arith.addf %add3A_752, %get3A_775 : vector<16xf32>
        %add3A_777 = arith.constant 19 : i32
        %add3A_778 = arith.addi %mul3A_299, %add3A_777 : i32
        %get3A_779 = arith.index_cast %add3A_778 : i32 to index
        %get3A_780 = arith.constant 0 : index
        %get3A_781 = tpu.vector_load %arg9[%get3A_779, %get3A_780] {strides = array<i32>} : memref<640x64xf32, #tpu.memory_space<vmem>>, vector<16xf32>,
        %add3A_782 = arith.addf %add3A_758, %get3A_781 : vector<16xf32>
        %add3A_783 = arith.constant 19 : i32
        %add3A_784 = arith.addi %mul3A_299, %add3A_783 : i32
        %get3A_785 = arith.index_cast %add3A_784 : i32 to index
        %get3A_786 = arith.constant 16 : index
        %get3A_787 = tpu.vector_load %arg9[%get3A_785, %get3A_786] {strides = array<i32>} : memref<640x64xf32, #tpu.memory_space<vmem>>, vector<16xf32>,
        %add3A_788 = arith.addf %add3A_764, %get3A_787 : vector<16xf32>
        %add3A_789 = arith.constant 19 : i32
        %add3A_790 = arith.addi %mul3A_299, %add3A_789 : i32
        %get3A_791 = arith.index_cast %add3A_790 : i32 to index
        %get3A_792 = arith.constant 32 : index
        %get3A_793 = tpu.vector_load %arg9[%get3A_791, %get3A_792] {strides = array<i32>} : memref<640x64xf32, #tpu.memory_space<vmem>>, vector<16xf32>,
        %add3A_794 = arith.addf %add3A_770, %get3A_793 : vector<16xf32>
        %add3A_795 = arith.constant 19 : i32
        %add3A_796 = arith.addi %mul3A_299, %add3A_795 : i32
        %get3A_797 = arith.index_cast %add3A_796 : i32 to index
        %get3A_798 = arith.constant 48 : index
        %get3A_799 = tpu.vector_load %arg9[%get3A_797, %get3A_798] {strides = array<i32>} : memref<640x64xf32, #tpu.memory_space<vmem>>, vector<16xf32>,
        %add3A_800 = arith.addf %add3A_776, %get3A_799 : vector<16xf32>
        %mul3A_801 = arith.mulf %convert_element_type3A_313, %get3A_27 : vector<16xf32>
        %sub3A = arith.subf %add3A_782, %mul3A_801 : vector<16xf32>
        %mul3A_802 = vector.broadcast %scan3A_116 : f32 to vector<16xf32>
        %mul3A_803 = arith.mulf %sub3A, %mul3A_802 : vector<16xf32>
        %add3A_804 = arith.addf %mul3A_803, %get3A_1 : vector<16xf32>
        %mul3A_805 = arith.mulf %convert_element_type3A_313, %get3A_31 : vector<16xf32>
        %sub3A_806 = arith.subf %add3A_788, %mul3A_805 : vector<16xf32>
        %mul3A_807 = vector.broadcast %scan3A_116 : f32 to vector<16xf32>
        %mul3A_808 = arith.mulf %sub3A_806, %mul3A_807 : vector<16xf32>
        %add3A_809 = arith.addf %mul3A_808, %get3A_3 : vector<16xf32>
        %mul3A_810 = arith.mulf %convert_element_type3A_313, %get3A_35 : vector<16xf32>
        %sub3A_811 = arith.subf %add3A_794, %mul3A_810 : vector<16xf32>
        %mul3A_812 = vector.broadcast %scan3A_116 : f32 to vector<16xf32>
        %mul3A_813 = arith.mulf %sub3A_811, %mul3A_812 : vector<16xf32>
        %add3A_814 = arith.addf %mul3A_813, %get3A_5 : vector<16xf32>
        %mul3A_815 = arith.mulf %convert_element_type3A_313, %get3A_39 : vector<16xf32>
        %sub3A_816 = arith.subf %add3A_800, %mul3A_815 : vector<16xf32>
        %mul3A_817 = vector.broadcast %scan3A_116 : f32 to vector<16xf32>
        %mul3A_818 = arith.mulf %sub3A_816, %mul3A_817 : vector<16xf32>
        %add3A_819 = arith.addf %mul3A_818, %get3A_7 : vector<16xf32>
        %add3A_820 = arith.addf %add3A_804, %add3A_809 : vector<16xf32>
        %add3A_821 = arith.addf %add3A_820, %add3A_814 : vector<16xf32>
        %add3A_822 = arith.addf %add3A_821, %add3A_819 : vector<16xf32>
        %mul3A_823 = arith.mulf %add3A_804, %add3A_804 : vector<16xf32>
        %mul3A_824 = arith.mulf %add3A_809, %add3A_809 : vector<16xf32>
        %add3A_825 = arith.addf %mul3A_823, %mul3A_824 : vector<16xf32>
        %mul3A_826 = arith.mulf %add3A_814, %add3A_814 : vector<16xf32>
        %add3A_827 = arith.addf %add3A_825, %mul3A_826 : vector<16xf32>
        %mul3A_828 = arith.mulf %add3A_819, %add3A_819 : vector<16xf32>
        %add3A_829 = arith.addf %add3A_827, %mul3A_828 : vector<16xf32>
        %iota3A_830 = tpu.iota {dimensions = array<i32: 0>} : vector<16xi32>
        %xor3A = arith.constant 8 : i32
        %xor3A_831 = vector.broadcast %xor3A : i32 to vector<16xi32>
        %xor3A_832 = arith.xori %iota3A_830, %xor3A_831 : vector<16xi32>
        %broadcast_in_dim3A_833 = vector.shape_cast %xor3A_832 : vector<16xi32> to vector<16x1xi32>
        %gather3A = vector.shape_cast %broadcast_in_dim3A_833 : vector<16x1xi32> to vector<16xi32>
        %gather3A_834 = tpu.dynamic_gather %add3A_822[%gather3A] in [0] : vector<16xf32>, vector<16xi32> -> vector<16xf32>
        %add3A_835 = arith.addf %add3A_822, %gather3A_834 : vector<16xf32>
        %iota3A_836 = tpu.iota {dimensions = array<i32: 0>} : vector<16xi32>
        %xor3A_837 = arith.constant 4 : i32
        %xor3A_838 = vector.broadcast %xor3A_837 : i32 to vector<16xi32>
        %xor3A_839 = arith.xori %iota3A_836, %xor3A_838 : vector<16xi32>
        %broadcast_in_dim3A_840 = vector.shape_cast %xor3A_839 : vector<16xi32> to vector<16x1xi32>
        %gather3A_841 = vector.shape_cast %broadcast_in_dim3A_840 : vector<16x1xi32> to vector<16xi32>
        %gather3A_842 = tpu.dynamic_gather %add3A_835[%gather3A_841] in [0] : vector<16xf32>, vector<16xi32> -> vector<16xf32>
        %add3A_843 = arith.addf %add3A_835, %gather3A_842 : vector<16xf32>
        %iota3A_844 = tpu.iota {dimensions = array<i32: 0>} : vector<16xi32>
        %xor3A_845 = arith.constant 2 : i32
        %xor3A_846 = vector.broadcast %xor3A_845 : i32 to vector<16xi32>
        %xor3A_847 = arith.xori %iota3A_844, %xor3A_846 : vector<16xi32>
        %broadcast_in_dim3A_848 = vector.shape_cast %xor3A_847 : vector<16xi32> to vector<16x1xi32>
        %gather3A_849 = vector.shape_cast %broadcast_in_dim3A_848 : vector<16x1xi32> to vector<16xi32>
        %gather3A_850 = tpu.dynamic_gather %add3A_843[%gather3A_849] in [0] : vector<16xf32>, vector<16xi32> -> vector<16xf32>
        %add3A_851 = arith.addf %add3A_843, %gather3A_850 : vector<16xf32>
        %iota3A_852 = tpu.iota {dimensions = array<i32: 0>} : vector<16xi32>
        %xor3A_853 = arith.constant 1 : i32
        %xor3A_854 = vector.broadcast %xor3A_853 : i32 to vector<16xi32>
        %xor3A_855 = arith.xori %iota3A_852, %xor3A_854 : vector<16xi32>
        %broadcast_in_dim3A_856 = vector.shape_cast %xor3A_855 : vector<16xi32> to vector<16x1xi32>
        %gather3A_857 = vector.shape_cast %broadcast_in_dim3A_856 : vector<16x1xi32> to vector<16xi32>
        %gather3A_858 = tpu.dynamic_gather %add3A_851[%gather3A_857] in [0] : vector<16xf32>, vector<16xi32> -> vector<16xf32>
        %add3A_859 = arith.addf %add3A_851, %gather3A_858 : vector<16xf32>
        %mul3A_860 = vector.broadcast %scan3A_117 : f32 to vector<16xf32>
        %mul3A_861 = arith.mulf %add3A_859, %mul3A_860 : vector<16xf32>
        %iota3A_862 = tpu.iota {dimensions = array<i32: 0>} : vector<16xi32>
        %xor3A_863 = arith.constant 8 : i32
        %xor3A_864 = vector.broadcast %xor3A_863 : i32 to vector<16xi32>
        %xor3A_865 = arith.xori %iota3A_862, %xor3A_864 : vector<16xi32>
        %broadcast_in_dim3A_866 = vector.shape_cast %xor3A_865 : vector<16xi32> to vector<16x1xi32>
        %gather3A_867 = vector.shape_cast %broadcast_in_dim3A_866 : vector<16x1xi32> to vector<16xi32>
        %gather3A_868 = tpu.dynamic_gather %add3A_829[%gather3A_867] in [0] : vector<16xf32>, vector<16xi32> -> vector<16xf32>
        %add3A_869 = arith.addf %add3A_829, %gather3A_868 : vector<16xf32>
        %iota3A_870 = tpu.iota {dimensions = array<i32: 0>} : vector<16xi32>
        %xor3A_871 = arith.constant 4 : i32
        %xor3A_872 = vector.broadcast %xor3A_871 : i32 to vector<16xi32>
        %xor3A_873 = arith.xori %iota3A_870, %xor3A_872 : vector<16xi32>
        %broadcast_in_dim3A_874 = vector.shape_cast %xor3A_873 : vector<16xi32> to vector<16x1xi32>
        %gather3A_875 = vector.shape_cast %broadcast_in_dim3A_874 : vector<16x1xi32> to vector<16xi32>
        %gather3A_876 = tpu.dynamic_gather %add3A_869[%gather3A_875] in [0] : vector<16xf32>, vector<16xi32> -> vector<16xf32>
        %add3A_877 = arith.addf %add3A_869, %gather3A_876 : vector<16xf32>
        %iota3A_878 = tpu.iota {dimensions = array<i32: 0>} : vector<16xi32>
        %xor3A_879 = arith.constant 2 : i32
        %xor3A_880 = vector.broadcast %xor3A_879 : i32 to vector<16xi32>
        %xor3A_881 = arith.xori %iota3A_878, %xor3A_880 : vector<16xi32>
        %broadcast_in_dim3A_882 = vector.shape_cast %xor3A_881 : vector<16xi32> to vector<16x1xi32>
        %gather3A_883 = vector.shape_cast %broadcast_in_dim3A_882 : vector<16x1xi32> to vector<16xi32>
        %gather3A_884 = tpu.dynamic_gather %add3A_877[%gather3A_883] in [0] : vector<16xf32>, vector<16xi32> -> vector<16xf32>
        %add3A_885 = arith.addf %add3A_877, %gather3A_884 : vector<16xf32>
        %iota3A_886 = tpu.iota {dimensions = array<i32: 0>} : vector<16xi32>
        %xor3A_887 = arith.constant 1 : i32
        %xor3A_888 = vector.broadcast %xor3A_887 : i32 to vector<16xi32>
        %xor3A_889 = arith.xori %iota3A_886, %xor3A_888 : vector<16xi32>
        %broadcast_in_dim3A_890 = vector.shape_cast %xor3A_889 : vector<16xi32> to vector<16x1xi32>
        %gather3A_891 = vector.shape_cast %broadcast_in_dim3A_890 : vector<16x1xi32> to vector<16xi32>
        %gather3A_892 = tpu.dynamic_gather %add3A_885[%gather3A_891] in [0] : vector<16xf32>, vector<16xi32> -> vector<16xf32>
        %add3A_893 = arith.addf %add3A_885, %gather3A_892 : vector<16xf32>
        %mul3A_894 = vector.broadcast %scan3A_117 : f32 to vector<16xf32>
        %mul3A_895 = arith.mulf %add3A_893, %mul3A_894 : vector<16xf32>
        %mul3A_896 = arith.mulf %mul3A_861, %mul3A_861 : vector<16xf32>
        %sub3A_897 = arith.subf %mul3A_895, %mul3A_896 : vector<16xf32>
        %add3A_898 = arith.constant 9.99999974E-6 : f32
        %add3A_899 = vector.broadcast %add3A_898 : f32 to vector<16xf32>
        %add3A_900 = arith.addf %sub3A_897, %add3A_899 : vector<16xf32>
        %bitcast_convert_type3A = tpu.bitcast %add3A_900 : vector<16xf32> -> vector<16xi32>
        %shift_right_arithmetic3A = arith.constant 1 : i32
        %shift_right_arithmetic3A_901 = vector.broadcast %shift_right_arithmetic3A : i32 to vector<16xi32>
        %shift_right_arithmetic3A_902 = arith.shrsi %bitcast_convert_type3A, %shift_right_arithmetic3A_901 : vector<16xi32>
        %sub3A_903 = arith.constant 1597463007 : i32
        %sub3A_904 = vector.broadcast %sub3A_903 : i32 to vector<16xi32>
        %sub3A_905 = arith.subi %sub3A_904, %shift_right_arithmetic3A_902 : vector<16xi32>
        %bitcast_convert_type3A_906 = tpu.bitcast %sub3A_905 : vector<16xi32> -> vector<16xf32>
        %mul3A_907 = arith.constant 5.000000e-01 : f32
        %mul3A_908 = vector.broadcast %mul3A_907 : f32 to vector<16xf32>
        %mul3A_909 = arith.mulf %mul3A_908, %add3A_900 : vector<16xf32>
        %mul3A_910 = arith.mulf %mul3A_909, %bitcast_convert_type3A_906 : vector<16xf32>
        %mul3A_911 = arith.mulf %mul3A_910, %bitcast_convert_type3A_906 : vector<16xf32>
        %sub3A_912 = arith.constant 1.500000e+00 : f32
        %sub3A_913 = vector.broadcast %sub3A_912 : f32 to vector<16xf32>
        %sub3A_914 = arith.subf %sub3A_913, %mul3A_911 : vector<16xf32>
        %mul3A_915 = arith.mulf %bitcast_convert_type3A_906, %sub3A_914 : vector<16xf32>
        %mul3A_916 = arith.constant 5.000000e-01 : f32
        %mul3A_917 = vector.broadcast %mul3A_916 : f32 to vector<16xf32>
        %mul3A_918 = arith.mulf %mul3A_917, %add3A_900 : vector<16xf32>
        %mul3A_919 = arith.mulf %mul3A_918, %mul3A_915 : vector<16xf32>
        %mul3A_920 = arith.mulf %mul3A_919, %mul3A_915 : vector<16xf32>
        %sub3A_921 = arith.constant 1.500000e+00 : f32
        %sub3A_922 = vector.broadcast %sub3A_921 : f32 to vector<16xf32>
        %sub3A_923 = arith.subf %sub3A_922, %mul3A_920 : vector<16xf32>
        %mul3A_924 = arith.mulf %mul3A_915, %sub3A_923 : vector<16xf32>
        %mul3A_925 = arith.constant 5.000000e-01 : f32
        %mul3A_926 = vector.broadcast %mul3A_925 : f32 to vector<16xf32>
        %mul3A_927 = arith.mulf %mul3A_926, %add3A_900 : vector<16xf32>
        %mul3A_928 = arith.mulf %mul3A_927, %mul3A_924 : vector<16xf32>
        %mul3A_929 = arith.mulf %mul3A_928, %mul3A_924 : vector<16xf32>
        %sub3A_930 = arith.constant 1.500000e+00 : f32
        %sub3A_931 = vector.broadcast %sub3A_930 : f32 to vector<16xf32>
        %sub3A_932 = arith.subf %sub3A_931, %mul3A_929 : vector<16xf32>
        %mul3A_933 = arith.mulf %mul3A_924, %sub3A_932 : vector<16xf32>
        %sub3A_934 = arith.subf %add3A_804, %mul3A_861 : vector<16xf32>
        %mul3A_935 = arith.mulf %sub3A_934, %mul3A_933 : vector<16xf32>
        %mul3A_936 = arith.mulf %mul3A_935, %get3A_9 : vector<16xf32>
        %add3A_937 = arith.addf %mul3A_936, %get3A_17 : vector<16xf32>
        %swap3A = arith.index_cast %scan3A_297 : i32 to index
        %swap3A_938 = arith.constant 0 : index
        %swap3A_939 = tpu.vector_load %arg11[%swap3A, %swap3A_938] {strides = array<i32>} : memref<32x64xf32, #tpu.memory_space<vmem>>, vector<16xf32>,
        tpu.vector_store %arg11[%swap3A, %swap3A_938], %add3A_937 {strides = array<i32>} : memref<32x64xf32, #tpu.memory_space<vmem>>, vector<16xf32>,
        %sub3A_940 = arith.subf %add3A_809, %mul3A_861 : vector<16xf32>
        %mul3A_941 = arith.mulf %sub3A_940, %mul3A_933 : vector<16xf32>
        %mul3A_942 = arith.mulf %mul3A_941, %get3A_11 : vector<16xf32>
        %add3A_943 = arith.addf %mul3A_942, %get3A_19 : vector<16xf32>
        %swap3A_944 = arith.index_cast %scan3A_297 : i32 to index
        %swap3A_945 = arith.constant 16 : index
        %swap3A_946 = tpu.vector_load %arg11[%swap3A_944, %swap3A_945] {strides = array<i32>} : memref<32x64xf32, #tpu.memory_space<vmem>>, vector<16xf32>,
        tpu.vector_store %arg11[%swap3A_944, %swap3A_945], %add3A_943 {strides = array<i32>} : memref<32x64xf32, #tpu.memory_space<vmem>>, vector<16xf32>,
        %sub3A_947 = arith.subf %add3A_814, %mul3A_861 : vector<16xf32>
        %mul3A_948 = arith.mulf %sub3A_947, %mul3A_933 : vector<16xf32>
        %mul3A_949 = arith.mulf %mul3A_948, %get3A_13 : vector<16xf32>
        %add3A_950 = arith.addf %mul3A_949, %get3A_21 : vector<16xf32>
        %swap3A_951 = arith.index_cast %scan3A_297 : i32 to index
        %swap3A_952 = arith.constant 32 : index
        %swap3A_953 = tpu.vector_load %arg11[%swap3A_951, %swap3A_952] {strides = array<i32>} : memref<32x64xf32, #tpu.memory_space<vmem>>, vector<16xf32>,
        tpu.vector_store %arg11[%swap3A_951, %swap3A_952], %add3A_950 {strides = array<i32>} : memref<32x64xf32, #tpu.memory_space<vmem>>, vector<16xf32>,
        %sub3A_954 = arith.subf %add3A_819, %mul3A_861 : vector<16xf32>
        %mul3A_955 = arith.mulf %sub3A_954, %mul3A_933 : vector<16xf32>
        %mul3A_956 = arith.mulf %mul3A_955, %get3A_15 : vector<16xf32>
        %add3A_957 = arith.addf %mul3A_956, %get3A_23 : vector<16xf32>
        %swap3A_958 = arith.index_cast %scan3A_297 : i32 to index
        %swap3A_959 = arith.constant 48 : index
        %swap3A_960 = tpu.vector_load %arg11[%swap3A_958, %swap3A_959] {strides = array<i32>} : memref<32x64xf32, #tpu.memory_space<vmem>>, vector<16xf32>,
        tpu.vector_store %arg11[%swap3A_958, %swap3A_959], %add3A_957 {strides = array<i32>} : memref<32x64xf32, #tpu.memory_space<vmem>>, vector<16xf32>,
      }
      %scan3A_280 = arith.constant 32 : i32
      %add3A_281 = arith.constant 2 : i32
      %add3A_282 = arith.addi %add3A_222, %add3A_281 : i32
      %lt3A_283 = arith.constant 50 : i32
      %lt3A_284 = arith.cmpi slt, %add3A_282, %lt3A_283 : i32
      %convert_element_type3A_285 = arith.extui %lt3A_284 : i1 to i32
      %cond3A_286 = arith.constant 0 : i32
      %cond3A_287 = arith.cmpi ne, %convert_element_type3A_285, %cond3A_286 : i32
      scf.if %cond3A_287 {
        %add3A_297 = arith.constant 2 : i32
        %add3A_298 = arith.addi %add3A_222, %add3A_297 : i32
        %mul3A_299 = arith.constant 50 : i32
        %mul3A_300 = arith.muli %add3A, %mul3A_299 : i32
        %add3A_301 = arith.addi %mul3A_300, %add3A_298 : i32
        %mul3A_302 = arith.constant 640 : i32
        %mul3A_303 = arith.muli %add3A_301, %mul3A_302 : i32
        %dma_start3A_304 = arith.constant 0 : i32
        %dma_start3A_305 = tpu.memref_slice %arg7[%dma_start3A_304] : memref<656xi32, #tpu.memory_space<vmem>> -> memref<640xi32, #tpu.memory_space<vmem>>
        %dma_start3A_306 = tpu.memref_slice %arg3[%mul3A_303] : memref<1024000xi32, #tpu.memory_space<hbm>> -> memref<640xi32, #tpu.memory_space<hbm>>
        %dma_start3A_307 = arith.constant 0 : i32
        %dma_start3A_308 = tpu.memref_slice %arg7[%dma_start3A_307] : memref<656xi32, #tpu.memory_space<vmem>> -> memref<640xi32, #tpu.memory_space<vmem>>
        %dma_start3A_309 = tpu.memref_slice %arg3[%mul3A_303] : memref<1024000xi32, #tpu.memory_space<hbm>> -> memref<640xi32, #tpu.memory_space<hbm>>
        tpu.enqueue_dma source(%dma_start3A_309 : memref<640xi32, #tpu.memory_space<hbm>>) target(%dma_start3A_308 : memref<640xi32, #tpu.memory_space<vmem>>) target_semaphore(%arg15 : memref<!tpu.dma_semaphore, #tpu.memory_space<semaphore_mem>>)
      } else {
      }
      %mul3A_288 = arith.constant 50 : i32
      %mul3A_289 = arith.muli %add3A, %mul3A_288 : i32
      %add3A_290 = arith.addi %mul3A_289, %add3A_222 : i32
      %mul3A_291 = arith.constant 32 : i32
      %mul3A_292 = arith.muli %add3A_290, %mul3A_291 : i32
      %dma_start3A_293 = arith.constant 0 : i32
      %dma_start3A_294 = tpu.memref_slice %arg5[%mul3A_292, %dma_start3A_293] : memref<51200x64xf32, #tpu.memory_space<hbm>> -> memref<32x64xf32, #tpu.memory_space<hbm>>
      %dma_start3A_295 = arith.constant 0 : i32
      %dma_start3A_296 = tpu.memref_slice %arg5[%mul3A_292, %dma_start3A_295] : memref<51200x64xf32, #tpu.memory_space<hbm>> -> memref<32x64xf32, #tpu.memory_space<hbm>>
      tpu.enqueue_dma source(%arg11 : memref<32x64xf32, #tpu.memory_space<vmem>>) target(%dma_start3A_296 : memref<32x64xf32, #tpu.memory_space<hbm>>) target_semaphore(%arg19 : memref<!tpu.dma_semaphore, #tpu.memory_space<semaphore_mem>>)
    }
    %scan3A_122 = arith.constant 25 : i32
    %mul3A_123 = arith.constant 50 : i32
    %mul3A_124 = arith.muli %add3A, %mul3A_123 : i32
    %add3A_125 = arith.constant 0 : i32
    %add3A_126 = arith.addi %mul3A_124, %add3A_125 : i32
    %mul3A_127 = arith.constant 32 : i32
    %mul3A_128 = arith.muli %add3A_126, %mul3A_127 : i32
    %dma_wait3A_129 = arith.constant 0 : i32
    %dma_wait3A_130 = tpu.memref_slice %arg5[%mul3A_128, %dma_wait3A_129] : memref<51200x64xf32, #tpu.memory_space<hbm>> -> memref<32x64xf32, #tpu.memory_space<hbm>>
    %dma_wait3A_131 = arith.constant 0 : i32
    %dma_wait3A_132 = tpu.memref_slice %arg5[%mul3A_128, %dma_wait3A_131] : memref<51200x64xf32, #tpu.memory_space<hbm>> -> memref<32x64xf32, #tpu.memory_space<hbm>>
    tpu.wait_dma2 semaphore(%arg18 : memref<!tpu.dma_semaphore, #tpu.memory_space<semaphore_mem>>) src(%arg10 : memref<32x64xf32, #tpu.memory_space<vmem>>) dst(%dma_wait3A_132 : memref<32x64xf32, #tpu.memory_space<hbm>>)
    %mul3A_133 = arith.constant 50 : i32
    %mul3A_134 = arith.muli %add3A, %mul3A_133 : i32
    %add3A_135 = arith.constant 0 : i32
    %add3A_136 = arith.addi %mul3A_134, %add3A_135 : i32
    %mul3A_137 = arith.constant 32 : i32
    %mul3A_138 = arith.muli %add3A_136, %mul3A_137 : i32
    %dma_wait3A_139 = arith.constant 0 : i32
    %dma_wait3A_140 = tpu.memref_slice %arg5[%mul3A_138, %dma_wait3A_139] : memref<51200x64xf32, #tpu.memory_space<hbm>> -> memref<32x64xf32, #tpu.memory_space<hbm>>
    %dma_wait3A_141 = arith.constant 0 : i32
    %dma_wait3A_142 = tpu.memref_slice %arg5[%mul3A_138, %dma_wait3A_141] : memref<51200x64xf32, #tpu.memory_space<hbm>> -> memref<32x64xf32, #tpu.memory_space<hbm>>
    tpu.wait_dma2 semaphore(%arg19 : memref<!tpu.dma_semaphore, #tpu.memory_space<semaphore_mem>>) src(%arg11 : memref<32x64xf32, #tpu.memory_space<vmem>>) dst(%dma_wait3A_142 : memref<32x64xf32, #tpu.memory_space<hbm>>)
    return
  }
}

</mosaic_0001>

<sc_bundles>
// kernel: kernel.3.cloned.1.call-start
scs
__scs_entry_jumppad:
0x0: {  	(pc) =	sbr.rel $0x88, $3  }
0x1: {  	(tag) =	ssettag $0x0;
	lr =	simm.s32 $0x1  }
0x2: {  	[smem:$0x3F9D] =	sst lr;
	_ =	strace $0xD0000000  }
0x3: {  	_ = 	snop  }
0x4: {  	_ = 	snop  }
0x5: {  	_ = 	snop  }
0x6: {  	_ = 	snop  }
0x7: {  	_ = 	snop  }
__scs_overlays_trampoline_lowered:
0x8: {  	[smem:$0x3FAC] =	sst s0  }
0x9: {  	[smem:$0x3FAD] =	sst s1  }
0xa: {  	[smem:$0x3FAE] =	sst s2  }
0xb: {  	[smem:$0x3FAF] =	sst s3  }
0xc: {  	[smem:$0x3FB0] =	sst s4  }
0xd: {  	[smem:$0x3FB1] =	sst s5  }
0xe: {  	[smem:$0x3FB2] =	sst s6  }
0xf: {  	[smem:$0x3FB3] =	sst s7  }
0x10: {  	[smem:$0x3FB4] =	sst s8  }
0x11: {  	[smem:$0x3FB5] =	sst s9;
	s0 =	simm.s32 @!p0 $0x0  }
0x12: {  	s1 =	sld [smem:$0x3F9B];
	s0 =	simm.s32 @p0 $0x1  }
0x13: {  	[smem:$0x3FB6] =	sst s0;
	s0 =	simm.s32 @!p1 $0x0  }
0x14: {  	s2 =	sld [smem:$0x3F9A];
	s0 =	simm.s32 @p1 $0x1  }
0x15: {  	[smem:$0x3FB7] =	sst s0;
	s0 =	simm.s32 @!p2 $0x0  }
0x16: {  	s3 =	sld [smem:$0x3FDB];
	s0 =	simm.s32 @p2 $0x1  }
0x17: {  	s4 =	simm.s32 $0x1BF5;
	[smem:$0x3FB9] =	sst s0  }
0x18: {  	s0 =	sld [smem:$0x3F9C];
	_ =	swait.ge [sflag:s4], $0x0  }
0x19: {  	s7 =	sld [smem:$0x3F9D]  }
0x1a: {  	s8 =	sadd.s32 $0xFFFFE003, lr  }
0x1b: {  	s9 =	sadd.s32 $0xFFFFFEF7, lr;
	s5 =	simm.s32 $0xFFFFFFFF;
	p2 =	slt.u32 s8, $0xFFFFF086  }
0x1c: {  	p1 =	slt.u32 s9, $0xF7A;
	s5 =	simm.s32 @!p2 $0x0  }
0x1d: {  	s5 =	simm.s32 @p1 $0x1;
	p0 =	seq.s32 s7, s2  }
0x1e: {  	s7 =	smul.u32 @!p0 $0xF7A, s2;
	p2 =	seq.s32 @!p0 s5, $0x0  }
0x1f: {  	s9 =	smul.u32 $0xF7A, s1;
	s8 =	simm.s32 @!p0 $0x1BF5;
	p2 =	por !p2, p0  }
0x20: {  	[sflag:s8] =	ssyncset.s32 @!p0 $0xFFFFF086;
	s6 =	sadd.s32 @!p0 s3, s7;
	s7 =	simm.s32 @!p0 $0x108  }
0x21: {  	s3 =	sadd.s32 s3, s9;
	s6 =	sadd.s32 @!p0 $0x88, s6;
	s7 =	simm.s32 @p2 $0x1082  }
0x22: {  	[simem:s7], [sflag:s8] =	dma.local @!p0 [hbm:s6], $0xF7A  }
0x23: {  	s9 =	sor.u32 $0xD0000000, s2;
	s6 =	simm.s32 $0x108;
	_ =	swait.ge @!p0 [sflag:s8], $0x0  }
0x24: {  	s3 =	sadd.s32 $0x88, s3;
	s6 =	simm.s32 @!p1 $0x1082;
	[sflag:s4] =	ssyncset.s32 $0xFFFFF086  }
0x25: {  	[simem:s6], [sflag:s4] =	dma.local [hbm:s3], $0xF7A  }
0x26: {  	[smem:$0x3F9D] =	sst s1;
	(tag) =	ssettag s2;
	_ =	strace s9  }
0x27: {  	s1 =	sld [smem:$0x3FAD]  }
0x28: {  	s2 =	sld [smem:$0x3FAE]  }
0x29: {  	s4 =	sld [smem:$0x3FB0]  }
0x2a: {  	p0 =	seq.s32 s5, $0x0;
	s5 =	sld [smem:$0x3FB1]  }
0x2b: {  	s6 =	sld [smem:$0x3FB2]  }
0x2c: {  	s7 =	sld [smem:$0x3FB3]  }
0x2d: {  	s3 =	simm.s32 $0x108;
	s8 =	sld [smem:$0x3FB4]  }
0x2e: {  	s3 =	simm.s32 @!p0 $0x1082;
	s9 =	sld [smem:$0x3FB5]  }
0x2f: {  	lr =	sadd.s32 s0, s3;
	s0 =	sld [smem:$0x3FAC]  }
0x30: {  	s3 =	sld [smem:$0x3FAF]  }
0x31: {  	[smem:$0x3FB8] =	sst s10  }
0x32: {  	s10 =	sld [smem:$0x3FB6];
	_ =	sdelay $0x3  }
0x33: {  	p0 =	seq.s32 s10, $0x1;
	s10 =	sld [smem:$0x3FB8];
	_ =	sdelay $0x3  }
0x34: {  	[smem:$0x3FB8] =	sst s10  }
0x35: {  	s10 =	sld [smem:$0x3FB7];
	_ =	sdelay $0x3  }
0x36: {  	p1 =	seq.s32 s10, $0x1;
	s10 =	sld [smem:$0x3FB8];
	_ =	sdelay $0x3  }
0x37: {  	[smem:$0x3FB8] =	sst s10  }
0x38: {  	s10 =	sld [smem:$0x3FB9]  }
0x39: {  	_ = 	snop;
	(pc) =	sbr.ind lr, $3  }
0x3a: {  	_ = 	snop  }
0x3b: {  	_ = 	snop  }
0x3c: {  	p2 =	seq.s32 s10, $0x1;
	s10 =	sld [smem:$0x3FB8]  }
0x3d: {  	_ =	shalt  }
0x3e: {  	_ =	shalt  }
0x3f: {  	_ =	shalt  }
0x40: {  	_ =	shalt  }
0x41: {  	_ =	shalt  }
0x42: {  	_ =	shalt  }
0x43: {  	_ =	shalt  }
0x44: {  	_ =	shalt  }
0x45: {  	_ =	shalt  }
0x46: {  	_ =	shalt  }
0x47: {  	_ =	shalt  }
0x48: {  	_ =	shalt  }
0x49: {  	_ =	shalt  }
0x4a: {  	_ =	shalt  }
0x4b: {  	_ =	shalt  }
0x4c: {  	_ =	shalt  }
0x4d: {  	_ =	shalt  }
0x4e: {  	_ =	shalt  }
0x4f: {  	_ =	shalt  }
0x50: {  	_ =	shalt  }
0x51: {  	_ =	shalt  }
0x52: {  	_ =	shalt  }
0x53: {  	_ =	shalt  }
0x54: {  	_ =	shalt  }
0x55: {  	_ =	shalt  }
0x56: {  	_ =	shalt  }
0x57: {  	_ =	shalt  }
0x58: {  	_ =	shalt  }
0x59: {  	_ =	shalt  }
0x5a: {  	_ =	shalt  }
0x5b: {  	_ =	shalt  }
0x5c: {  	_ =	shalt  }
0x5d: {  	_ =	shalt  }
0x5e: {  	_ =	shalt  }
0x5f: {  	_ =	shalt  }
0x60: {  	_ =	shalt  }
0x61: {  	_ =	shalt  }
0x62: {  	_ =	shalt  }
0x63: {  	_ =	shalt  }
0x64: {  	_ =	shalt  }
0x65: {  	_ =	shalt  }
0x66: {  	_ =	shalt  }
0x67: {  	_ =	shalt  }
0x68: {  	_ =	shalt  }
0x69: {  	_ =	shalt  }
0x6a: {  	_ =	shalt  }
0x6b: {  	_ =	shalt  }
0x6c: {  	_ =	shalt  }
0x6d: {  	_ =	shalt  }
0x6e: {  	_ =	shalt  }
0x6f: {  	_ =	shalt  }
0x70: {  	_ =	shalt  }
0x71: {  	_ =	shalt  }
0x72: {  	_ =	shalt  }
0x73: {  	_ =	shalt  }
0x74: {  	_ =	shalt  }
0x75: {  	_ =	shalt  }
0x76: {  	_ =	shalt  }
0x77: {  	_ =	shalt  }
0x78: {  	_ =	shalt  }
0x79: {  	_ =	shalt  }
0x7a: {  	_ =	shalt  }
0x7b: {  	_ =	shalt  }
0x7c: {  	_ =	shalt  }
0x7d: {  	_ =	shalt  }
0x7e: {  	_ =	shalt  }
0x7f: {  	_ =	shalt  }
0x80: {  	_ =	shalt  }
0x81: {  	_ =	shalt  }
0x82: {  	_ =	shalt  }
0x83: {  	_ =	shalt  }
0x84: {  	_ =	shalt  }
0x85: {  	_ =	shalt  }
0x86: {  	_ =	shalt  }
0x87: {  	_ =	shalt  }
.Lfunc_end0:
.L_simem_size_0:
called_computation_lowered:
.L_overlay_start_0:
0x88: {  	s2 =	sld [smem:$0x3FD9]  }
0x89: {  	s3 =	sld [smem:$0x3FFE];
	_ =	sdelay $0x1  }
0x8a: {  	s1 =	srdreg.scid  }
0x8b: {  	s0 =	sand.u32 $0x1, s1  }
0x8c: {  	s17 =	sshll.u32 s0, $0xA;
	s2 =	sadd.s32 s3, s2  }
0x8d: {  	s2 =	sadd.s32 s2, s17  }
0x8e: {  	[smem:$0x3FC4] =	sst s2  }
0x8f: {  	_ = 	snop  }
0x90: {  	s2 =	sld [smem:$0x3FD0];
	(tm) =	ssettm $0x1  }
0x91: {  	s18 =	sld [smem:$0x3FFB];
	_ =	sdelay $0x3  }
0x92: {  	_ =	strace s18  }
0x93: {  	s3 =	sld [smem:$0x3FFC];
	_ =	sdelay $0x3  }
0x94: {  	_ =	strace s3  }
0x95: {  	s3 =	sld [smem:$0x3FFD];
	_ =	sdelay $0x3  }
0x96: {  	_ =	strace s3  }
0x97: {  	_ =	strace $0x8FFFFFFF  }
0x98: {  	s19 =	sld [smem:$0x3FDB];
	_ =	sdelay $0x1  }
0x99: {  	s4 =	simm.s32 $_scs_section_size  }
0x9a: {  	s5 =	simm.s32 $_size__tile_overlayer_lowered;
	s6 =	simm.s32 $_tile_overlayer_lowered  }
0x9b: {  	s22 =	simm.s32 $0x1BFF;
	s21 =	sshll.u32 s6, $0x1;
	s3 =	sadd.s32 s4, s19  }
0x9c: {  	s7 =	simm.s32 $0x0;
	s20 =	sshll.u32 s5, $0x1;
	s5 =	sadd.s32 s21, s3  }
0x9d: {  	[timem:s7], [sflag:s22] =	dma.local [hbm:s5], s20  }
0x9e: {  	_ =	swait.ge [sflag:s22], s20  }
0x9f: {  	s4 =	ssub.s32 $0x0, s20;
	[sflag:s22] =	ssyncset.done $0x0  }
0xa0: {  	[sflag:s22] =	ssyncadd.s32 s4;
	_ =	sdelay $0x1  }
0xa1: {  	s23 =	simm.s32 $0x1B8B  }
0xa2: {  	_ =	swait.ge [sflag:s23], $0x1  }
0xa3: {  	[sflag:s23] =	ssyncset.done $0x0  }
0xa4: {  	s25 =	simm.s32 $0x1B8E;
	s24 =	sld [smem:$0x3FFE];
	[sflag:s23] =	ssyncadd.s32 $0xFFFFFFFF  }
0xa5: {  	s26 =	simm.s32 $execute0_lowered;
	[smem:$0x3FD2] =	sst s25  }
0xa6: {  	s5 =	sshll.u32 s26, $0x1;
	_ =	strace $0x80000046;
	[dreg:$0x1] =	wrdreg $0xFFFFFFFF  }
0xa7: {  	s28 =	simm.s32 $_size_execute0_lowered;
	s3 =	sadd.s32 s3, s5;
	[dreg:$0x0] =	wrdreg $0x0  }
0xa8: {  	s5 =	sshll.u32 s28, $0x1;
	[dreg:$0x2] =	wrdreg s3  }
0xa9: {  	[dreg:$0x3] =	wrdreg s5  }
0xaa: {  	[dreg:$0x4] =	wrdreg $0xC0  }
0xab: {  	_ =	task [dreg:s7], $0x5FFFF  }
0xac: {  	[dreg:$0x1] =	wrdreg $0xFFFFFFFF  }
0xad: {  	[dreg:$0x0] =	wrdreg $0x60  }
0xae: {  	[dreg:$0x2] =	wrdreg s24  }
0xaf: {  	[dreg:$0x3] =	wrdreg s2  }
0xb0: {  	[dreg:$0x4] =	wrdreg $0x9  }
0xb1: {  	_ =	task.clear_ibuf [dreg:s7], $0x5FFFF;
	_ =	strace $0x90000046  }
0xb2: {  	s29 =	simm.s32 $0x9;
	_ =	strace $0x80000048  }
0xb3: {  	_ =	swait.ge [sflag:s29], $0x1  }
0xb4: {  	[sflag:s29] =	ssyncadd.s32 $0xFFFFFFFF  }
0xb5: {  	_ =	strace $0x90000048  }
0xb6: {  	_ =	sfence  }
0xb7: {  	s30 =	sld [smem:$0x0];
	_ =	sdelay $0x2  }
0xb8: {  	s31 =	sshll.u32 s1, $0xD;
	s1 =	sshrl.u32 s1, $0x2  }
0xb9: {  	s3 =	sand.u32 $0x4000, s31;
	s1 =	sadd.s32 s1, s30  }
0xba: {  	s0 =	sor.u32 s3, s0;
	s1 =	sshll.u32 s1, $0x11  }
0xbb: {  	s0 =	sor.u32 s1, s0  }
0xbc: {  	s0 =	sadd.s32 $0x8F2B, s0  }
0xbd: {  	[sflag:s0] =	ssyncadd.remote.s32 $0x1  }
0xbe: {  	_ =	sfence.sel $0xFFFF  }
0xbf: {  	[dreg:$0x0] =	wrdreg $0xFFFFFFFF;
	(pc) =	sbr.abs _section_cstart, $3  }
0xc0: {  	[dreg:$0x1] =	wrdreg $0xFFFFFFFF  }
0xc1: {  	_ =	task.clear_ibuf [dreg:s7], $0x2FFFF;
	_ =	strace $0x9FFFFFFF  }
0xc2: {  	(tm) =	ssettm $0x7FFFFFFF  }
0xc3: {  	_ =	shalt  }
tec
execute0_lowered:
.L_overlay_start_1:
0x0: {  	(tag) =	ssettag $0x1  }
0x1: {  	s0 =	rddreg [dreg:$0x0]  }
0x2: {  	s2 =	rddreg [dreg:$0x1];
	s3 =	simm.s32 $0x0  }
0x3: {  	s1 =	srdreg.scid;
	s4 =	stileid.u32;
	s18 =	simm.s32 $0x290  }
0x4: {  	v0 =	vimm.s32 $0xFEDCBA98;
	v1 =	vimm.s32 $0x76543210;
	s22 =	simm.s32 $0x80;
	s30 =	simm.s32 $0x2;
	s13 =	simm.s32 $0x390  }
0x5: {  	v2 =	vimm.s32 $0xBA98FEDC;
	s14 =	simm.s32 $0xE520;
	s19 =	simm.s32 $0x410;
	s20 =	simm.s32 $0x10520  }
0x6: {  	v3 =	vimm.s32 $0x32107654;
	v4 =	vimm.s32 $0xDCFE98BA;
	s23 =	simm.s32 $0x490;
	s1 =	sand.u32 $0x1, s1;
	s4 =	sshll.u32 s4, $0x1  }
0x7: {  	v5 =	vimm.s32 $0x54761032;
	v6 =	vimm.s32 $0xEFCDAB89;
	s24 =	simm.s32 $0x12520;
	[smem:$0x7FF] =	sst s3;
	s6 =	sor.u32 s1, s4  }
0x8: {  	v7 =	vimm.s32 $0x67452301;
	s28 =	simm.s32 $0x14D20;
	_ =	strace $0x80000047;
	s8 =	smul.u32 $0xFA0, s6  }
0x9: {  	s5 =	sadd.s32 $0xA00, s0;
	v0 =	vunpack.c.l.s4.s8 v0;
	v1 =	vunpack.c.l.s4.s8 v1;
	v2 =	vunpack.c.l.s4.s8 v2;
	s4 =	sadd.s32 $0xF42E00, s0;
	s9 =	smul.u32 $0x7D00, s6  }
0xa: {  	v3 =	vunpack.c.l.s4.s8 v3;
	v4 =	vunpack.c.l.s4.s8 v4;
	v5 =	vunpack.c.l.s4.s8 v5;
	s1 =	ssub.s32 $0x2, s1;
	s0 =	sadd.s32 $0x1FE00, s0;
	s10 =	smul.u32 $0x3200, s6  }
0xb: {  	v6 =	vunpack.c.l.s4.s8 v6;
	v7 =	vunpack.c.l.s4.s8 v7;
	[dreg:$0x3] =	wrdreg s0;
	s25 =	sshrl.u32 s1, $0x1;
	s7 =	smul.u32 $0x32, s6;
	v0 =	vunpack.c.0.s8.s32 v0  }
0xc: {  	v2 =	vunpack.c.0.s8.s32 v2;
	v3 =	vunpack.c.0.s8.s32 v3;
	v4 =	vunpack.c.0.s8.s32 v4;
	s0 =	ssub.s32 s1, s25;
	s25 =	simm.s32 $0x3;
	s26 =	sshrl.u32 s9, $0x3  }
0xd: {  	v5 =	vunpack.c.0.s8.s32 v5;
	v6 =	vunpack.c.0.s8.s32 v6;
	v7 =	vunpack.c.0.s8.s32 v7;
	s29 =	sadd.s32 s5, s8;
	s31 =	sadd.s32 s10, s2;
	s10 =	sadd.s32 $0x2, s7  }
0xe: {  	v1 =	vunpack.c.0.s8.s32 v1;
	s12 =	sadd.s32 $0x3, s7;
	s15 =	sor.u32 $0x1, s7;
	s0 =	smax.u32 s0, $0x1;
	v2 =	vcombine.low v3, v2  }
0xf: {  	v3 =	vcombine.low v5, v4;
	v4 =	vcombine.low v7, v6;
	v0 =	vand.u32 $0xF, v0;
	s8 =	simm.s32 $0x0;
	[dreg:$0x4] =	wrdreg s29;
	s1 =	sadd.s32 s5, s26  }
0x10: {  	vm0 =	vmmov $0xf;
	s11 =	sadd.s32 $0x3000, s31;
	[dreg:$0x6] =	wrdreg s0;
	v0 =	vcombine.low v0, v1;
	s1 =	sadd.s32 $0x50, s1  }
0x11: {  	s26 =	simm.s32 $0x4;
	v1 =	vand.u32 $0xF, v2;
	v2 =	vand.u32 $0xF, v3;
	v3 =	vand.u32 $0xF, v4;
	[dreg:$0x5] =	wrdreg s1;
	s1 =	simm.s32 $0xC520  }
.LBB2_1:
0x12: {  	[dreg:$0x7] =	wrdreg s8  }
0x13: {  	s0 =	rddreg [dreg:$0x3];
	s6 =	simm.s32 $0x15520;
	s16 =	simm.s32 $0x7  }
0x14: {  	[tilespmem:s6], [sflag:$0x7] =	stream.linear.gather [hbm4b:s0+s3], $0xC0, $0x38;
	[tilespmem:$0x15620] =	vst v63  }
0x15: {  	_ =	swait.ge [sflag:s16], $0xC0  }
0x16: {  	[sflag:s16] =	ssyncset.done $0x0  }
0x17: {  	s17 =	simm.s32 $0x155E0;
	[sflag:s16] =	ssyncadd.s32 $0xFFFFFF40  }
0x18: {  	[tilespmem:s17], [sflag:$0x7] =	stream.linear.gather [hbm4b:s4+s3], $0x40, $0x38;
	[tilespmem:$0x15620] =	vst v63  }
0x19: {  	_ =	swait.ge [sflag:s16], $0x40  }
0x1a: {  	[sflag:s16] =	ssyncset.done $0x0  }
0x1b: {  	[sflag:s16] =	ssyncadd.s32 $0xFFFFFFC0  }
0x1c: {  	v5 =	vld [tilespmem:$0x15520]  }
0x1d: {  	v6 =	vld [tilespmem:$0x15530]  }
0x1e: {  	v7 =	vld [tilespmem:$0x15540]  }
0x1f: {  	v8 =	vld [tilespmem:$0x15550]  }
0x20: {  	v9 =	vld [tilespmem:$0x15560]  }
0x21: {  	v10 =	vld [tilespmem:$0x15570]  }
0x22: {  	v11 =	vld [tilespmem:$0x15580]  }
0x23: {  	v12 =	vld [tilespmem:$0x15590]  }
0x24: {  	v4 =	vld [tilespmem:$0x155A0]  }
0x25: {  	v20 =	vld [tilespmem:$0x155B0]  }
0x26: {  	v15 =	vld [tilespmem:$0x155C0]  }
0x27: {  	v14 =	vld [tilespmem:$0x155D0]  }
0x28: {  	v17 =	vld [tilespmem:$0x155E0]  }
0x29: {  	v18 =	vld [tilespmem:$0x155F0]  }
0x2a: {  	s21 =	rddreg [dreg:$0x4];
	v19 =	vld [tilespmem:$0x15600]  }
0x2b: {  	v13 =	vld [tilespmem:$0x15610];
	[tilespmem:s3], [sflag:$0x1] =	stream.linear.gather [hbm4b:s21+s3], $0x280, $0x38  }
0x2c: {  	s31 =	simm.s32 $0x1;
	s29 =	rddreg [dreg:$0x5]  }
0x2d: {  	[tilespmem:s18], [sflag:$0x2] =	stream.linear.gather [hbm4b:s29+s3], $0x280, $0x38;
	[tilespmem:$0x15620] =	vst v63  }
0x2e: {  	_ =	swait.ge [sflag:s31], $0x280  }
0x2f: {  	[sflag:s31] =	ssyncset.done $0x0  }
0x30: {  	s6 =	simm.s32 $0x520;
	[sflag:s31] =	ssyncadd.s32 $0xFFFFFD80  }
0x31: {  	[tilespmem:s6], [sflag:$0x3] =	stream.indirect.gather [hbm4b:s4+s22], $0x40, s3, s22, $0xb8;
	[tilespmem:$0x15620] =	vst v63  }
0x32: {  	s8 =	simm.s32 $0x2520  }
0x33: {  	[tilespmem:s8], [sflag:$0x3] =	stream.indirect.gather [hbm4b:s4+s22], $0x40, s22, s22, $0xb8;
	[tilespmem:$0x15620] =	vst v63  }
0x34: {  	s9 =	simm.s32 $0x100;
	s16 =	simm.s32 $0x4520  }
0x35: {  	[tilespmem:s16], [sflag:$0x3] =	stream.indirect.gather [hbm4b:s4+s22], $0x40, s9, s22, $0xb8;
	[tilespmem:$0x15620] =	vst v63  }
0x36: {  	s17 =	simm.s32 $0x180;
	s21 =	simm.s32 $0x6520  }
0x37: {  	[tilespmem:s21], [sflag:$0x3] =	stream.indirect.gather [hbm4b:s4+s22], $0x40, s17, s22, $0xb8;
	[tilespmem:$0x15620] =	vst v63  }
0x38: {  	s29 =	simm.s32 $0x200;
	s31 =	simm.s32 $0x8520;
	[tilespmem:$0x1FFF0] =	vst v14;
	s9 =	simm.s32 $0x0  }
0x39: {  	[tilespmem:s31], [sflag:$0x3] =	stream.indirect.gather [hbm4b:s4+s22], $0x40, s29, s22, $0xb8;
	[tilespmem:$0x15620] =	vst v63  }
.LBB2_2:
0x3a: {  	_ =	swait.ge [sflag:s30], $0x280  }
0x3b: {  	[sflag:s30] =	ssyncset.done $0x0  }
0x3c: {  	s0 =	simm.s32 $0xA520;
	[sflag:s30] =	ssyncadd.s32 $0xFFFFFD80  }
0x3d: {  	[tilespmem:s0], [sflag:$0x4] =	stream.indirect.gather [hbm4b:s4+s22], $0x40, s18, s22, $0xb8;
	[tilespmem:$0x15620] =	vst v63  }
0x3e: {  	s21 =	simm.s32 $0x310  }
0x3f: {  	[tilespmem:s1], [sflag:$0x4] =	stream.indirect.gather [hbm4b:s4+s22], $0x40, s21, s22, $0xb8;
	[tilespmem:$0x15620] =	vst v63  }
0x40: {  	_ = 	snop  }
0x41: {  	[tilespmem:s14], [sflag:$0x4] =	stream.indirect.gather [hbm4b:s4+s22], $0x40, s13, s22, $0xb8;
	[tilespmem:$0x15620] =	vst v63  }
0x42: {  	_ = 	snop  }
0x43: {  	[tilespmem:s20], [sflag:$0x4] =	stream.indirect.gather [hbm4b:s4+s22], $0x40, s19, s22, $0xb8;
	[tilespmem:$0x15620] =	vst v63  }
0x44: {  	_ = 	snop  }
0x45: {  	[tilespmem:s24], [sflag:$0x4] =	stream.indirect.gather [hbm4b:s4+s22], $0x40, s23, s22, $0xb8;
	[tilespmem:$0x15620] =	vst v63  }
0x46: {  	_ =	swait.ge [sflag:s25], $0x2000  }
0x47: {  	[sflag:s25] =	ssyncset.done $0x0  }
0x48: {  	[sflag:s25] =	ssyncadd.s32 $0xFFFFE000  }
0x49: {  	_ =	swait.ge [sflag:s25], $0x2000  }
0x4a: {  	[sflag:s25] =	ssyncset.done $0x0  }
0x4b: {  	[sflag:s25] =	ssyncadd.s32 $0xFFFFE000  }
0x4c: {  	_ =	swait.ge [sflag:s25], $0x2000  }
0x4d: {  	[sflag:s25] =	ssyncset.done $0x0  }
0x4e: {  	[sflag:s25] =	ssyncadd.s32 $0xFFFFE000  }
0x4f: {  	_ =	swait.ge [sflag:s25], $0x2000  }
0x50: {  	[sflag:s25] =	ssyncset.done $0x0  }
0x51: {  	[sflag:s25] =	ssyncadd.s32 $0xFFFFE000  }
0x52: {  	_ =	swait.ge [sflag:s25], $0x2000  }
0x53: {  	p1 =	seq.s32 s9, $0x0;
	[sflag:s25] =	ssyncset.done $0x0  }
0x54: {  	s6 =	simm.s32 @!p1 $0x5;
	[sflag:s25] =	ssyncadd.s32 $0xFFFFE000  }
0x55: {  	_ =	swait.ge @!p1 [sflag:s6], $0x800  }
0x56: {  	[sflag:s6] =	ssyncset.done @!p1 $0x0  }
0x57: {  	s21 =	simm.s32 $0x7A0;
	[sflag:s6] =	ssyncadd.s32 @!p1 $0xFFFFF800  }
0x58: {  	v14 =	vld [tilespmem:s21+$0x240]  }
0x59: {  	v23 =	vld [tilespmem:s21+$0x200]  }
0x5a: {  	v22 =	vld [tilespmem:s21+$0x210]  }
0x5b: {  	v25 =	vld [tilespmem:s21+$0x1C0]  }
0x5c: {  	v24 =	vld [tilespmem:s21+$0x1D0]  }
0x5d: {  	v27 =	vld [tilespmem:s21+$0x180]  }
0x5e: {  	v26 =	vld [tilespmem:s21+$0x190]  }
0x5f: {  	v28 =	vld [tilespmem:s21+$0xF0]  }
0x60: {  	v30 =	vld [tilespmem:s21+$0x140]  }
0x61: {  	v29 =	vld [tilespmem:s21+$0x120]  }
0x62: {  	v31 =	vld [tilespmem:s21+$0x100]  }
0x63: {  	v32 =	vld [tilespmem:s21+$0x110]  }
0x64: {  	v33 =	vld [tilespmem:s21+$0xC0]  }
0x65: {  	v34 =	vld [tilespmem:s21+$0xD0]  }
0x66: {  	v35 =	vld [tilespmem:s21+$0x80]  }
0x67: {  	v36 =	vld [tilespmem:s21+$0x90]  }
0x68: {  	v37 =	vld [tilespmem:s21+$0x40]  }
0x69: {  	v38 =	vld [tilespmem:s21+$0x50]  }
0x6a: {  	v39 =	vld [tilespmem:s21+$0x0]  }
0x6b: {  	v40 =	vld [tilespmem:s21+$0x10]  }
0x6c: {  	v41 =	vld [tilespmem:s21+$0xFFFFFFC0]  }
0x6d: {  	v42 =	vld [tilespmem:s21+$0xFFFFFFD0]  }
0x6e: {  	v43 =	vld [tilespmem:s21+$0xFFFFFF80]  }
0x6f: {  	v44 =	vld [tilespmem:s21+$0xFFFFFF90]  }
0x70: {  	v45 =	vld [tilespmem:s21+$0xFFFFFF40]  }
0x71: {  	v46 =	vld [tilespmem:s21+$0xFFFFFF50]  }
0x72: {  	v47 =	vld [tilespmem:s21+$0xFFFFFF00]  }
0x73: {  	v48 =	vld [tilespmem:s21+$0xFFFFFF10]  }
0x74: {  	v49 =	vld [tilespmem:s21+$0xFFFFFEC0]  }
0x75: {  	v50 =	vld [tilespmem:s21+$0xFFFFFED0]  }
0x76: {  	v51 =	vld [tilespmem:s21+$0xFFFFFE80]  }
0x77: {  	v52 =	vld [tilespmem:s21+$0xFFFFFE90]  }
0x78: {  	v53 =	vld [tilespmem:s21+$0xFFFFFE40]  }
0x79: {  	v54 =	vld [tilespmem:s21+$0xFFFFFE50]  }
0x7a: {  	v55 =	vld [tilespmem:s21+$0xFFFFFE00]  }
0x7b: {  	v56 =	vld [tilespmem:s21+$0xFFFFFDC0]  }
0x7c: {  	v57 =	vld [tilespmem:s21+$0xFFFFFD90]  }
0x7d: {  	v58 =	vld [tilespmem:s21+$0xFFFFFD80]  }
0x7e: {  	v59 =	vld [tilespmem:s21+$0xFFFFFDD0]  }
0x7f: {  	v60 =	vld [tilespmem:s21+$0xFFFFFDA0]  }
0x80: {  	v61 =	vld [tilespmem:s21+$0xFFFFFE10]  }
0x81: {  	v62 =	vld [tilespmem:s21+$0xFFFFFDE0]  }
0x82: {  	v63 =	vld [tilespmem:s21+$0xFFFFFDB0];
	v58 =	vadd.f32 $0.0e+00, v58  }
0x83: {  	v21 =	vld [tilespmem:s21+$0xFFFFFE20]  }
0x84: {  	v16 =	vmov v20;
	v20 =	vld [tilespmem:s21+$0xFFFFFDF0];
	v56 =	vadd.f32 v56, v58  }
0x85: {  	[tilespmem:$0x1FFD0] =	vst v14;
	v14 =	vld [tilespmem:s21+$0x250];
	v57 =	vadd.f32 $0.0e+00, v57  }
0x86: {  	v58 =	vld [tilespmem:s21+$0xFFFFFE60];
	v55 =	vadd.f32 v55, v56  }
0x87: {  	v57 =	vadd.f32 v59, v57;
	v59 =	vadd.f32 $0.0e+00, v60;
	v60 =	vld [tilespmem:s21+$0xFFFFFE30]  }
0x88: {  	v56 =	vadd.f32 $0.0e+00, v63;
	v63 =	vld [tilespmem:s21+$0xFFFFFEA0];
	v53 =	vadd.f32 v53, v55  }
0x89: {  	v57 =	vadd.f32 v61, v57;
	v61 =	vld [tilespmem:s21+$0xFFFFFE70]  }
0x8a: {  	v59 =	vadd.f32 v62, v59;
	v62 =	vld [tilespmem:s21+$0xFFFFFEF0];
	v51 =	vadd.f32 v51, v53  }
0x8b: {  	[tilespmem:$0x1FFE0] =	vst v14;
	v14 =	vmov v4;
	v4 =	vld [tilespmem:$0x1FFD0]  }
0x8c: {  	v20 =	vadd.f32 v20, v56;
	v55 =	vld [tilespmem:s21+$0xFFFFFEE0];
	v49 =	vadd.f32 v49, v51  }
0x8d: {  	v54 =	vadd.f32 v54, v57;
	v21 =	vadd.f32 v21, v59;
	v56 =	vld [tilespmem:s21+$0xFFFFFEB0]  }
0x8e: {  	v57 =	vld [tilespmem:s21+$0xFFFFFF30];
	v20 =	vadd.f32 v60, v20;
	v47 =	vadd.f32 v47, v49  }
0x8f: {  	v59 =	vld [tilespmem:s21+$0xFFFFFF70];
	v52 =	vadd.f32 v52, v54;
	v21 =	vadd.f32 v58, v21  }
0x90: {  	v53 =	vld [tilespmem:s21+$0xFFFFFF20];
	v20 =	vadd.f32 v61, v20;
	v45 =	vadd.f32 v45, v47  }
0x91: {  	v58 =	vld [tilespmem:s21+$0xFFFFFFA0];
	v50 =	vadd.f32 v50, v52;
	v21 =	vadd.f32 v63, v21  }
0x92: {  	v51 =	vld [tilespmem:s21+$0xFFFFFF60];
	v20 =	vadd.f32 v56, v20;
	v43 =	vadd.f32 v43, v45  }
0x93: {  	v60 =	vld [tilespmem:s21+$0xFFFFFFE0];
	v48 =	vadd.f32 v48, v50;
	v21 =	vadd.f32 v55, v21  }
0x94: {  	v54 =	vld [tilespmem:s21+$0xE0];
	v20 =	vadd.f32 v62, v20;
	v41 =	vadd.f32 v41, v43  }
0x95: {  	v61 =	vld [tilespmem:s21+$0xFFFFFFB0];
	v46 =	vadd.f32 v46, v48;
	v21 =	vadd.f32 v53, v21  }
0x96: {  	v63 =	vld [tilespmem:s21+$0xFFFFFFF0];
	v20 =	vadd.f32 v57, v20;
	v39 =	vadd.f32 v39, v41  }
0x97: {  	v52 =	vld [tilespmem:s21+$0xA0];
	v44 =	vadd.f32 v44, v46;
	v21 =	vadd.f32 v51, v21  }
0x98: {  	v62 =	vld [tilespmem:s21+$0x20];
	v20 =	vadd.f32 v59, v20;
	v37 =	vadd.f32 v37, v39  }
0x99: {  	v51 =	vld [tilespmem:s21+$0x30];
	v42 =	vadd.f32 v42, v44;
	v21 =	vadd.f32 v58, v21  }
0x9a: {  	s31 =	simm.s32 $0x10;
	s8 =	simm.s32 $0x0;
	v50 =	vld [tilespmem:s21+$0x60];
	v20 =	vadd.f32 v61, v20;
	v35 =	vadd.f32 v35, v37  }
0x9b: {  	s8 =	sand.u32 $0x4, s8;
	s6 =	sand.u32 $0x7F8, s31;
	v53 =	vld [tilespmem:s21+$0x70];
	v40 =	vadd.f32 v40, v42;
	v21 =	vadd.f32 v60, v21  }
0x9c: {  	s6 =	sor.u32 s8, s6;
	v55 =	vld [tilespmem:s21+$0xB0];
	v20 =	vadd.f32 v63, v20;
	v33 =	vadd.f32 v33, v35  }
0x9d: {  	v56 =	vld [tilespmem:s6+$0x0];
	v38 =	vadd.f32 v38, v40;
	v21 =	vadd.f32 v62, v21  }
0x9e: {  	s29 =	simm.s32 $0x0;
	v57 =	vld [tilespmem:s21+$0x150];
	v20 =	vadd.f32 v51, v20;
	v31 =	vadd.f32 v31, v33  }
0x9f: {  	v58 =	vld [tilespmem:s29+$0x0];
	v36 =	vadd.f32 v36, v38;
	v21 =	vadd.f32 v50, v21  }
0xa0: {  	v59 =	vld [tilespmem:s21+$0x130];
	v20 =	vadd.f32 v53, v20;
	v30 =	vadd.f32 v30, v31  }
0xa1: {  	v43 =	vld [tilespmem:s21+$0x220];
	v34 =	vadd.f32 v34, v36;
	v21 =	vadd.f32 v52, v21  }
0xa2: {  	v60 =	vld [tilespmem:s21+$0x160];
	v20 =	vadd.f32 v55, v20;
	v27 =	vadd.f32 v27, v30  }
0xa3: {  	vm1 =	veq.s32 v56, $0x0;
	v61 =	vld [tilespmem:s21+$0x170];
	v32 =	vadd.f32 v32, v34;
	v21 =	vadd.f32 v54, v21  }
0xa4: {  	vm1 =	vmand vm1, vm0;
	v62 =	vld [tilespmem:s21+$0x1A0];
	v20 =	vadd.f32 v28, v20;
	v25 =	vadd.f32 v25, v27  }
0xa5: {  	v39 =	vld [tilespmem:s21+$0x1B0];
	v37 =	vmpcnt.ones.xlane vm1;
	v63 =	vadd.f32 v57, v32;
	v21 =	vadd.f32 v29, v21  }
0xa6: {  	v40 =	vld [tilespmem:s21+$0x1E0];
	vm1 =	veq.s32 v58, $0x0;
	v20 =	vadd.f32 v59, v20;
	v23 =	vadd.f32 v23, v25  }
0xa7: {  	v42 =	vld [tilespmem:s21+$0x1F0];
	v41 =	vmpcnt.ones.xlane vm1;
	v26 =	vadd.f32 v26, v63;
	v21 =	vadd.f32 v60, v21  }
0xa8: {  	v20 =	vadd.f32 v61, v20;
	v23 =	vadd.f32 v4, v23;
	v4 =	vld [tilespmem:$0x1FFE0]  }
0xa9: {  	v45 =	vld [tilespmem:s21+$0x230];
	v44 =	vadd.s32 v41, v37;
	v24 =	vadd.f32 v24, v26;
	v21 =	vadd.f32 v62, v21  }
0xaa: {  	v46 =	vld [tilespmem:s21+$0x260];
	v47 =	vcvt.s32.f32 v44;
	v20 =	vadd.f32 v39, v20  }
0xab: {  	v48 =	vld [tilespmem:s21+$0x270];
	v22 =	vadd.f32 v22, v24;
	v21 =	vadd.f32 v40, v21  }
0xac: {  	v26 =	vmul.f32 v47, v17;
	v20 =	vadd.f32 v42, v20  }
0xad: {  	v49 =	vmul.f32 v47, v18;
	v21 =	vadd.f32 v43, v21;
	v22 =	vadd.f32 v4, v22  }
0xae: {  	v20 =	vadd.f32 v45, v20;
	v23 =	vsub.f32 v23, v26  }
0xaf: {  	v50 =	vmul.f32 v47, v19;
	v21 =	vadd.f32 v46, v21;
	v22 =	vsub.f32 v22, v49  }
0xb0: {  	v51 =	vmul.f32 v47, v13;
	v20 =	vadd.f32 v48, v20;
	v23 =	vmul.f32 $5.000000070e-02, v23  }
0xb1: {  	v21 =	vsub.f32 v21, v50;
	v22 =	vmul.f32 $5.000000070e-02, v22  }
0xb2: {  	v23 =	vadd.f32 v23, v5;
	v20 =	vsub.f32 v20, v51  }
0xb3: {  	v21 =	vmul.f32 $5.000000070e-02, v21;
	v22 =	vadd.f32 v22, v6  }
0xb4: {  	v20 =	vmul.f32 $5.000000070e-02, v20;
	v52 =	vmul.f32 v23, v23  }
0xb5: {  	v21 =	vadd.f32 v21, v7;
	v53 =	vadd.f32 v22, v23;
	v54 =	vmul.f32 v22, v22  }
0xb6: {  	v20 =	vadd.f32 v20, v8  }
0xb7: {  	v55 =	vmul.f32 v21, v21;
	v25 =	vadd.f32 v21, v53;
	v24 =	vadd.f32 v54, v52;
	_ =	sdelay $0x1  }
0xb8: {  	v56 =	vmul.f32 v20, v20;
	v25 =	vadd.f32 v20, v25;
	v24 =	vadd.f32 v55, v24;
	_ =	sdelay $0x1  }
0xb9: {  	v24 =	vadd.f32 v56, v24;
	v57 =	vperm.xlane v25, v0;
	_ =	sdelay $0x1  }
0xba: {  	v25 =	vadd.f32 v25, v57;
	v58 =	vperm.xlane v24, v0;
	_ =	sdelay $0x1  }
0xbb: {  	v59 =	vperm.xlane v25, v1;
	v24 =	vadd.f32 v24, v58;
	_ =	sdelay $0x1  }
0xbc: {  	v25 =	vadd.f32 v25, v59;
	v26 =	vperm.xlane v24, v1;
	_ =	sdelay $0x1  }
0xbd: {  	v27 =	vperm.xlane v25, v2;
	v24 =	vadd.f32 v24, v26;
	_ =	sdelay $0x1  }
0xbe: {  	v25 =	vadd.f32 v25, v27;
	v26 =	vperm.xlane v24, v2;
	_ =	sdelay $0x1  }
0xbf: {  	v27 =	vperm.xlane v25, v3;
	v24 =	vadd.f32 v24, v26;
	_ =	sdelay $0x1  }
0xc0: {  	v25 =	vadd.f32 v25, v27;
	v26 =	vperm.xlane v24, v3;
	_ =	sdelay $0x1  }
0xc1: {  	v25 =	vmul.f32 $1.562500000e-02, v25;
	v24 =	vadd.f32 v24, v26;
	_ =	sdelay $0x1  }
0xc2: {  	v24 =	vmul.f32 $1.562500000e-02, v24;
	v60 =	vmul.f32 v25, v25;
	_ =	sdelay $0x1  }
0xc3: {  	v24 =	vsub.f32 v24, v60;
	_ =	sdelay $0x1  }
0xc4: {  	v24 =	vadd.f32 $9.999999740e-06, v24;
	_ =	sdelay $0x1  }
0xc5: {  	v61 =	vshra.s32 v24, $0x1;
	v24 =	vmul.f32 $5.000000000e-01, v24  }
0xc6: {  	v26 =	vsub.s32 $0x5F3759DF, v61  }
0xc7: {  	v62 =	vmul.f32 v26, v24;
	_ =	sdelay $0x1  }
0xc8: {  	v27 =	vmul.f32 v26, v62;
	_ =	sdelay $0x1  }
0xc9: {  	v27 =	vsub.f32 $1.500000000e+00, v27;
	_ =	sdelay $0x1  }
0xca: {  	v26 =	vmul.f32 v26, v27;
	_ =	sdelay $0x1  }
0xcb: {  	v27 =	vmul.f32 v26, v24;
	_ =	sdelay $0x1  }
0xcc: {  	v27 =	vmul.f32 v27, v26;
	_ =	sdelay $0x1  }
0xcd: {  	v27 =	vsub.f32 $1.500000000e+00, v27;
	_ =	sdelay $0x1  }
0xce: {  	v26 =	vmul.f32 v27, v26;
	_ =	sdelay $0x1  }
0xcf: {  	v24 =	vmul.f32 v26, v24;
	_ =	sdelay $0x1  }
0xd0: {  	v24 =	vmul.f32 v24, v26;
	_ =	sdelay $0x1  }
0xd1: {  	v24 =	vsub.f32 $1.500000000e+00, v24;
	_ =	sdelay $0x1  }
0xd2: {  	v23 =	vsub.f32 v23, v25;
	v22 =	vsub.f32 v22, v25;
	v24 =	vmul.f32 v24, v26  }
0xd3: {  	v21 =	vsub.f32 v21, v25;
	v20 =	vsub.f32 v20, v25  }
0xd4: {  	v23 =	vmul.f32 v24, v23;
	v22 =	vmul.f32 v24, v22  }
0xd5: {  	v63 =	vmul.f32 v24, v21;
	v24 =	vmul.f32 v24, v20  }
0xd6: {  	s16 =	sshll.u32 s9, $0x1;
	v20 =	vmul.f32 v23, v9;
	v21 =	vmul.f32 v22, v10  }
0xd7: {  	s17 =	simm.s32 $0x14540;
	s8 =	simm.s32 $0x24;
	s6 =	simm.s32 $0x14540;
	v23 =	vmul.f32 v63, v11;
	v22 =	vmul.f32 v24, v12  }
.LBB2_3:
0xd8: {  	v4 =	vld [tilespmem:$0x1FFF0];
	_ =	sdelay $0x1  }
0xd9: {  	v23 =	vadd.f32 v23, v15  }
0xda: {  	v20 =	vadd.f32 v20, v14  }
0xdb: {  	v21 =	vadd.f32 v21, v16;
	[tilespmem:s6+$0x0] =	vst v23  }
0xdc: {  	[tilespmem:s6+$0xFFFFFFE0] =	vst v20;
	v22 =	vadd.f32 v22, v4  }
0xdd: {  	[tilespmem:s6+$0xFFFFFFF0] =	vst v21  }
0xde: {  	s21 =	sadd.s32 $0x500, s21;
	[tilespmem:s6+$0x10] =	vst v22  }
0xdf: {  	v20 =	vld [tilespmem:s21+$0x240]  }
0xe0: {  	v21 =	vld [tilespmem:s21+$0x250]  }
0xe1: {  	v22 =	vld [tilespmem:s21+$0x200]  }
0xe2: {  	v23 =	vld [tilespmem:s21+$0x210]  }
0xe3: {  	v24 =	vld [tilespmem:s21+$0x1C0]  }
0xe4: {  	v25 =	vld [tilespmem:s21+$0x1D0]  }
0xe5: {  	v26 =	vld [tilespmem:s21+$0x180]  }
0xe6: {  	v27 =	vld [tilespmem:s21+$0x190]  }
0xe7: {  	v28 =	vld [tilespmem:s21+$0xF0]  }
0xe8: {  	v29 =	vld [tilespmem:s21+$0x140]  }
0xe9: {  	v30 =	vld [tilespmem:s21+$0x120]  }
0xea: {  	v32 =	vld [tilespmem:s21+$0x100]  }
0xeb: {  	v33 =	vld [tilespmem:s21+$0x110]  }
0xec: {  	v34 =	vld [tilespmem:s21+$0xC0]  }
0xed: {  	v35 =	vld [tilespmem:s21+$0xD0]  }
0xee: {  	v36 =	vld [tilespmem:s21+$0x80]  }
0xef: {  	v37 =	vld [tilespmem:s21+$0x90]  }
0xf0: {  	v38 =	vld [tilespmem:s21+$0x40]  }
0xf1: {  	v39 =	vld [tilespmem:s21+$0x50]  }
0xf2: {  	v40 =	vld [tilespmem:s21+$0x0]  }
0xf3: {  	v41 =	vld [tilespmem:s21+$0x10]  }
0xf4: {  	v42 =	vld [tilespmem:s21+$0xFFFFFFC0]  }
0xf5: {  	v43 =	vld [tilespmem:s21+$0xFFFFFFD0]  }
0xf6: {  	v44 =	vld [tilespmem:s21+$0xFFFFFF80]  }
0xf7: {  	v45 =	vld [tilespmem:s21+$0xFFFFFF90]  }
0xf8: {  	v46 =	vld [tilespmem:s21+$0xFFFFFF40]  }
0xf9: {  	v47 =	vld [tilespmem:s21+$0xFFFFFF50]  }
0xfa: {  	v48 =	vld [tilespmem:s21+$0xFFFFFF00]  }
0xfb: {  	v49 =	vld [tilespmem:s21+$0xFFFFFF10]  }
0xfc: {  	v50 =	vld [tilespmem:s21+$0xFFFFFEC0]  }
0xfd: {  	v51 =	vld [tilespmem:s21+$0xFFFFFED0]  }
0xfe: {  	v52 =	vld [tilespmem:s21+$0xFFFFFE80]  }
0xff: {  	v53 =	vld [tilespmem:s21+$0xFFFFFE90]  }
0x100: {  	v54 =	vld [tilespmem:s21+$0xFFFFFE40]  }
0x101: {  	v55 =	vld [tilespmem:s21+$0xFFFFFE50]  }
0x102: {  	v56 =	vld [tilespmem:s21+$0xFFFFFE00]  }
0x103: {  	v57 =	vld [tilespmem:s21+$0xFFFFFDC0]  }
0x104: {  	v58 =	vld [tilespmem:s21+$0xFFFFFD90]  }
0x105: {  	v59 =	vld [tilespmem:s21+$0xFFFFFD80]  }
0x106: {  	v60 =	vld [tilespmem:s21+$0xFFFFFDD0]  }
0x107: {  	v61 =	vld [tilespmem:s21+$0xFFFFFDA0]  }
0x108: {  	v62 =	vld [tilespmem:s21+$0xFFFFFE10]  }
0x109: {  	v63 =	vld [tilespmem:s21+$0xFFFFFDE0];
	v58 =	vadd.f32 $0.0e+00, v58  }
0x10a: {  	v4 =	vld [tilespmem:s21+$0xFFFFFDB0];
	v59 =	vadd.f32 $0.0e+00, v59  }
0x10b: {  	v58 =	vadd.f32 v60, v58;
	v60 =	vld [tilespmem:s21+$0xFFFFFE20]  }
0x10c: {  	v57 =	vadd.f32 v57, v59;
	v59 =	vld [tilespmem:s21+$0xFFFFFDF0]  }
0x10d: {  	v61 =	vadd.f32 $0.0e+00, v61;
	v58 =	vadd.f32 v62, v58;
	v62 =	vld [tilespmem:s21+$0xFFFFFE60]  }
0x10e: {  	v56 =	vadd.f32 v56, v57;
	v57 =	vld [tilespmem:s21+$0xFFFFFE30]  }
0x10f: {  	v61 =	vadd.f32 v63, v61;
	v55 =	vadd.f32 v55, v58;
	v58 =	vld [tilespmem:s21+$0xFFFFFEA0]  }
0x110: {  	v4 =	vadd.f32 $0.0e+00, v4;
	v54 =	vadd.f32 v54, v56;
	v56 =	vld [tilespmem:s21+$0xFFFFFE70]  }
0x111: {  	v60 =	vadd.f32 v60, v61;
	v61 =	vld [tilespmem:s21+$0xFFFFFF20]  }
0x112: {  	v4 =	vadd.f32 v59, v4;
	v53 =	vadd.f32 v53, v55;
	v55 =	vld [tilespmem:s21+$0xFFFFFEE0]  }
0x113: {  	v52 =	vadd.f32 v52, v54;
	v63 =	vadd.f32 v62, v60;
	v60 =	vld [tilespmem:s21+$0xFFFFFEB0]  }
0x114: {  	v59 =	vld [tilespmem:s21+$0xFFFFFF30];
	v4 =	vadd.f32 v57, v4;
	v51 =	vadd.f32 v51, v53  }
0x115: {  	v50 =	vadd.f32 v50, v52;
	v62 =	vadd.f32 v58, v63;
	v63 =	vld [tilespmem:s21+$0xFFFFFEF0]  }
0x116: {  	v54 =	vld [tilespmem:s21+$0x60];
	v4 =	vadd.f32 v56, v4;
	v49 =	vadd.f32 v49, v51  }
0x117: {  	v58 =	vld [tilespmem:s21+$0xFFFFFF60];
	v48 =	vadd.f32 v48, v50;
	v55 =	vadd.f32 v55, v62  }
0x118: {  	v4 =	vadd.f32 v60, v4;
	v47 =	vadd.f32 v47, v49;
	v60 =	vld [tilespmem:s21+$0xFFFFFFA0]  }
0x119: {  	v46 =	vadd.f32 v46, v48;
	v53 =	vadd.f32 v61, v55;
	v61 =	vld [tilespmem:s21+$0xFFFFFF70]  }
0x11a: {  	v62 =	vld [tilespmem:s21+$0xFFFFFFE0];
	v4 =	vadd.f32 v63, v4  }
0x11b: {  	v45 =	vadd.f32 v45, v47;
	v44 =	vadd.f32 v44, v46;
	v63 =	vld [tilespmem:s21+$0xFFFFFFB0]  }
0x11c: {  	v52 =	vld [tilespmem:s21+$0x20];
	v51 =	vadd.f32 v58, v53;
	v4 =	vadd.f32 v59, v4  }
0x11d: {  	v53 =	vld [tilespmem:s21+$0xFFFFFFF0];
	v43 =	vadd.f32 v43, v45;
	v42 =	vadd.f32 v42, v44  }
0x11e: {  	s31 =	smov.u32 s8;
	v57 =	vld [tilespmem:s21+$0x70];
	v49 =	vadd.f32 v60, v51;
	v4 =	vadd.f32 v61, v4  }
0x11f: {  	s0 =	sadd.s32 $0xFFFFFFF0, s31;
	v55 =	vld [tilespmem:s21+$0x30];
	v41 =	vadd.f32 v41, v43;
	v40 =	vadd.f32 v40, v42  }
0x120: {  	s31 =	sand.u32 $0x7F8, s31;
	s0 =	sand.u32 $0x4, s0;
	v56 =	vld [tilespmem:s21+$0xA0];
	v47 =	vadd.f32 v62, v49;
	v4 =	vadd.f32 v63, v4  }
0x121: {  	s0 =	sor.u32 s0, s31;
	v58 =	vld [tilespmem:s21+$0xE0];
	v39 =	vadd.f32 v39, v41;
	v38 =	vadd.f32 v38, v40  }
0x122: {  	v60 =	vld [tilespmem:s0+$0x0];
	v45 =	vadd.f32 v52, v47;
	v4 =	vadd.f32 v53, v4  }
0x123: {  	v59 =	vld [tilespmem:s21+$0xB0];
	v37 =	vadd.f32 v37, v39;
	v36 =	vadd.f32 v36, v38  }
0x124: {  	s29 =	sadd.s32 $0x14, s29;
	v31 =	vld [tilespmem:s21+$0x150];
	v43 =	vadd.f32 v54, v45;
	v4 =	vadd.f32 v55, v4  }
0x125: {  	v61 =	vld [tilespmem:s29+$0x0];
	v35 =	vadd.f32 v35, v37;
	v34 =	vadd.f32 v34, v36  }
0x126: {  	v62 =	vld [tilespmem:s21+$0x160];
	v41 =	vadd.f32 v56, v43;
	v4 =	vadd.f32 v57, v4  }
0x127: {  	v39 =	vld [tilespmem:s21+$0x130];
	vm1 =	veq.s32 v60, $0x0;
	v33 =	vadd.f32 v33, v35;
	v32 =	vadd.f32 v32, v34  }
0x128: {  	v40 =	vld [tilespmem:s21+$0x1A0];
	vm1 =	vmand vm1, vm0;
	v63 =	vadd.f32 v58, v41;
	v4 =	vadd.f32 v59, v4  }
0x129: {  	v43 =	vmpcnt.ones.xlane vm1;
	v41 =	vld [tilespmem:s21+$0x170];
	v31 =	vadd.f32 v31, v33;
	v29 =	vadd.f32 v29, v32  }
0x12a: {  	v44 =	vld [tilespmem:s21+$0x1B0];
	vm1 =	veq.s32 v61, $0x0;
	v30 =	vadd.f32 v30, v63;
	v4 =	vadd.f32 v28, v4  }
0x12b: {  	v42 =	vld [tilespmem:s21+$0x1E0];
	v46 =	vmpcnt.ones.xlane vm1;
	v27 =	vadd.f32 v27, v31;
	v26 =	vadd.f32 v26, v29  }
0x12c: {  	v47 =	vld [tilespmem:s21+$0x1F0];
	v30 =	vadd.f32 v62, v30;
	v4 =	vadd.f32 v39, v4  }
0x12d: {  	v45 =	vld [tilespmem:s21+$0x220];
	v31 =	vadd.s32 v46, v43;
	v25 =	vadd.f32 v25, v27;
	v24 =	vadd.f32 v24, v26  }
0x12e: {  	v48 =	vld [tilespmem:s21+$0x260];
	v50 =	vcvt.s32.f32 v31;
	v30 =	vadd.f32 v40, v30;
	v4 =	vadd.f32 v41, v4  }
0x12f: {  	v49 =	vld [tilespmem:s21+$0x230];
	v23 =	vadd.f32 v23, v25;
	v22 =	vadd.f32 v22, v24  }
0x130: {  	v51 =	vmul.f32 v50, v17;
	v28 =	vadd.f32 v42, v30;
	v4 =	vadd.f32 v44, v4  }
0x131: {  	v52 =	vmul.f32 v50, v18;
	v21 =	vadd.f32 v21, v23;
	v20 =	vadd.f32 v20, v22;
	v22 =	vld [tilespmem:s21+$0x270]  }
0x132: {  	v23 =	vadd.f32 v45, v28;
	v4 =	vadd.f32 v47, v4  }
0x133: {  	v20 =	vsub.f32 v20, v51;
	v21 =	vsub.f32 v21, v52  }
0x134: {  	v53 =	vmul.f32 v50, v19;
	v23 =	vadd.f32 v48, v23;
	v4 =	vadd.f32 v49, v4  }
0x135: {  	v20 =	vmul.f32 $5.000000070e-02, v20;
	v21 =	vmul.f32 $5.000000070e-02, v21  }
0x136: {  	v23 =	vsub.f32 v23, v53;
	v4 =	vadd.f32 v22, v4;
	v22 =	vmul.f32 v50, v13  }
0x137: {  	v20 =	vadd.f32 v20, v5;
	v21 =	vadd.f32 v21, v6  }
0x138: {  	v23 =	vmul.f32 $5.000000070e-02, v23;
	v4 =	vsub.f32 v4, v22  }
0x139: {  	v22 =	vmul.f32 v20, v20;
	v55 =	vmul.f32 v21, v21  }
0x13a: {  	v54 =	vadd.f32 v21, v20;
	v23 =	vadd.f32 v23, v7;
	v4 =	vmul.f32 $5.000000070e-02, v4  }
0x13b: {  	v22 =	vadd.f32 v55, v22  }
0x13c: {  	v24 =	vadd.f32 v23, v54;
	v56 =	vmul.f32 v23, v23;
	v4 =	vadd.f32 v4, v8;
	_ =	sdelay $0x1  }
0x13d: {  	v22 =	vadd.f32 v56, v22;
	v57 =	vmul.f32 v4, v4;
	v24 =	vadd.f32 v4, v24;
	_ =	sdelay $0x1  }
0x13e: {  	v22 =	vadd.f32 v57, v22;
	v58 =	vperm.xlane v24, v0;
	_ =	sdelay $0x1  }
0x13f: {  	v24 =	vadd.f32 v24, v58;
	v59 =	vperm.xlane v22, v0;
	_ =	sdelay $0x1  }
0x140: {  	v60 =	vperm.xlane v24, v1;
	v22 =	vadd.f32 v22, v59;
	_ =	sdelay $0x1  }
0x141: {  	v24 =	vadd.f32 v24, v60;
	v25 =	vperm.xlane v22, v1;
	_ =	sdelay $0x1  }
0x142: {  	v26 =	vperm.xlane v24, v2;
	v22 =	vadd.f32 v22, v25;
	_ =	sdelay $0x1  }
0x143: {  	v24 =	vadd.f32 v24, v26;
	v25 =	vperm.xlane v22, v2;
	_ =	sdelay $0x1  }
0x144: {  	v26 =	vperm.xlane v24, v3;
	v22 =	vadd.f32 v22, v25;
	_ =	sdelay $0x1  }
0x145: {  	v24 =	vadd.f32 v24, v26;
	v25 =	vperm.xlane v22, v3;
	_ =	sdelay $0x1  }
0x146: {  	v24 =	vmul.f32 $1.562500000e-02, v24;
	v22 =	vadd.f32 v22, v25;
	_ =	sdelay $0x1  }
0x147: {  	v22 =	vmul.f32 $1.562500000e-02, v22;
	v61 =	vmul.f32 v24, v24;
	_ =	sdelay $0x1  }
0x148: {  	v22 =	vsub.f32 v22, v61;
	_ =	sdelay $0x1  }
0x149: {  	v22 =	vadd.f32 $9.999999740e-06, v22  }
0x14a: {  	v20 =	vsub.f32 v20, v24  }
0x14b: {  	v21 =	vsub.f32 v21, v24;
	v62 =	vshra.s32 v22, $0x1;
	v22 =	vmul.f32 $5.000000000e-01, v22  }
0x14c: {  	v23 =	vsub.f32 v23, v24;
	v4 =	vsub.f32 v4, v24;
	v24 =	vsub.s32 $0x5F3759DF, v62  }
0x14d: {  	v63 =	vmul.f32 v24, v22;
	_ =	sdelay $0x1  }
0x14e: {  	v25 =	vmul.f32 v24, v63;
	_ =	sdelay $0x1  }
0x14f: {  	v25 =	vsub.f32 $1.500000000e+00, v25;
	_ =	sdelay $0x1  }
0x150: {  	v24 =	vmul.f32 v24, v25;
	_ =	sdelay $0x1  }
0x151: {  	v25 =	vmul.f32 v24, v22;
	_ =	sdelay $0x1  }
0x152: {  	v25 =	vmul.f32 v25, v24;
	_ =	sdelay $0x1  }
0x153: {  	v25 =	vsub.f32 $1.500000000e+00, v25;
	_ =	sdelay $0x1  }
0x154: {  	v24 =	vmul.f32 v25, v24;
	_ =	sdelay $0x1  }
0x155: {  	v22 =	vmul.f32 v24, v22;
	_ =	sdelay $0x1  }
0x156: {  	v22 =	vmul.f32 v22, v24;
	_ =	sdelay $0x1  }
0x157: {  	v22 =	vsub.f32 $1.500000000e+00, v22;
	_ =	sdelay $0x1  }
0x158: {  	p0 =	sne.s32 s8, $0x27C;
	v22 =	vmul.f32 v22, v24  }
.Ltmp0:
0x159: {  	_ = 	snop;
	(pc) =	sbr.rel @p0 .LBB2_3-.Ltmp0, $4  }
0x15a: {  	v20 =	vmul.f32 v22, v20;
	v21 =	vmul.f32 v22, v21  }
0x15b: {  	v23 =	vmul.f32 v22, v23;
	v4 =	vmul.f32 v22, v4  }
0x15c: {  	s17 =	sadd.s32 $0x40, s17;
	v20 =	vmul.f32 v20, v9;
	v21 =	vmul.f32 v21, v10  }
0x15d: {  	s8 =	sadd.s32 $0x14, s8;
	s6 =	smov.u32 s17;
	v23 =	vmul.f32 v23, v11;
	v22 =	vmul.f32 v4, v12  }
0x15e: {  	_ = 	snop  }
0x15f: {  	v4 =	vadd.f32 v23, v15;
	_ =	sdelay $0x1  }
0x160: {  	[tilespmem:s6+$0x0] =	vst v4;
	v4 =	vld [tilespmem:$0x1FFF0];
	_ =	sdelay $0x2  }
0x161: {  	v20 =	vadd.f32 v20, v14  }
0x162: {  	v21 =	vadd.f32 v21, v16  }
0x163: {  	p0 =	seq.s32 s9, $0x18;
	[tilespmem:s6+$0xFFFFFFE0] =	vst v20;
	v4 =	vadd.f32 v22, v4  }
0x164: {  	s0 =	sadd.s32 @!p0 s16, s10;
	[tilespmem:s6+$0xFFFFFFF0] =	vst v21  }
0x165: {  	s8 =	simm.s32 @p0 $0x14520;
	s0 =	smul.u32 @!p0 $0x50, s0;
	[tilespmem:s6+$0x10] =	vst v4;
	s6 =	simm.s32 @p0 $0x0  }
0x166: {  	[hbm4b:s11+s6] =	stream.linear.scatter @p0 [tilespmem:s8], [sflag:$0x5], $0x800, $0x38;
	[tilespmem:$0x15620] =	vst v63  }
0x167: {  	s0 =	sadd.s32 @!p0 s5, s0;
	s6 =	simm.s32 @!p0 $0x0  }
0x168: {  	[tilespmem:s6], [sflag:$0x1] =	stream.linear.gather @!p0 [hbm4b:s0+s6], $0x280, $0x38;
	[tilespmem:$0x15620] =	vst v63  }
0x169: {  	s0 =	sadd.s32 @!p0 s7, s16  }
0x16a: {  	s0 =	sshll.u32 @!p0 s0, $0x8  }
0x16b: {  	s8 =	simm.s32 @!p0 $0x14520;
	s0 =	sadd.s32 @!p0 s2, s0  }
0x16c: {  	[hbm4b:s0+s6] =	stream.linear.scatter @!p0 [tilespmem:s8], [sflag:$0x5], $0x800, $0x38;
	[tilespmem:$0x15620] =	vst v63  }
0x16d: {  	s0 =	simm.s32 @!p0 $0x1  }
0x16e: {  	_ =	swait.ge @!p0 [sflag:s0], $0x280  }
0x16f: {  	[sflag:s0] =	ssyncset.done @!p0 $0x0  }
0x170: {  	s8 =	simm.s32 @!p0 $0x520;
	[sflag:s0] =	ssyncadd.s32 @!p0 $0xFFFFFD80;
	s0 =	simm.s32 @!p0 $0x80  }
0x171: {  	[tilespmem:s8], [sflag:$0x3] =	stream.indirect.gather @!p0 [hbm4b:s4+s0], $0x40, s6, s0, $0xb8;
	[tilespmem:$0x15620] =	vst v63  }
0x172: {  	s6 =	simm.s32 @!p0 $0x2520  }
0x173: {  	[tilespmem:s6], [sflag:$0x3] =	stream.indirect.gather @!p0 [hbm4b:s4+s0], $0x40, s0, s0, $0xb8;
	[tilespmem:$0x15620] =	vst v63  }
0x174: {  	s8 =	simm.s32 @!p0 $0x4520;
	s6 =	simm.s32 @!p0 $0x100  }
0x175: {  	[tilespmem:s8], [sflag:$0x3] =	stream.indirect.gather @!p0 [hbm4b:s4+s0], $0x40, s6, s0, $0xb8;
	[tilespmem:$0x15620] =	vst v63  }
0x176: {  	s6 =	simm.s32 @!p0 $0x180;
	s8 =	simm.s32 @!p0 $0x6520  }
0x177: {  	[tilespmem:s8], [sflag:$0x3] =	stream.indirect.gather @!p0 [hbm4b:s4+s0], $0x40, s6, s0, $0xb8;
	[tilespmem:$0x15620] =	vst v63  }
0x178: {  	s6 =	simm.s32 @!p0 $0x200;
	s8 =	simm.s32 @!p0 $0x8520  }
0x179: {  	[tilespmem:s8], [sflag:$0x3] =	stream.indirect.gather @!p0 [hbm4b:s4+s0], $0x40, s6, s0, $0xb8;
	[tilespmem:$0x15620] =	vst v63  }
0x17a: {  	_ =	swait.ge [sflag:s26], $0x2000  }
0x17b: {  	[sflag:s26] =	ssyncset.done $0x0  }
0x17c: {  	[sflag:s26] =	ssyncadd.s32 $0xFFFFE000  }
0x17d: {  	_ =	swait.ge [sflag:s26], $0x2000  }
0x17e: {  	[sflag:s26] =	ssyncset.done $0x0  }
0x17f: {  	[sflag:s26] =	ssyncadd.s32 $0xFFFFE000  }
0x180: {  	_ =	swait.ge [sflag:s26], $0x2000  }
0x181: {  	[sflag:s26] =	ssyncset.done $0x0  }
0x182: {  	[sflag:s26] =	ssyncadd.s32 $0xFFFFE000  }
0x183: {  	_ =	swait.ge [sflag:s26], $0x2000  }
0x184: {  	[sflag:s26] =	ssyncset.done $0x0  }
0x185: {  	[sflag:s26] =	ssyncadd.s32 $0xFFFFE000  }
0x186: {  	_ =	swait.ge [sflag:s26], $0x2000  }
0x187: {  	[sflag:s26] =	ssyncset.done $0x0  }
0x188: {  	s0 =	simm.s32 @!p1 $0x6;
	[sflag:s26] =	ssyncadd.s32 $0xFFFFE000  }
0x189: {  	_ =	swait.ge @!p1 [sflag:s0], $0x800  }
0x18a: {  	[sflag:s0] =	ssyncset.done @!p1 $0x0  }
0x18b: {  	s21 =	simm.s32 $0xA7A0;
	[sflag:s0] =	ssyncadd.s32 @!p1 $0xFFFFF800  }
0x18c: {  	v21 =	vld [tilespmem:s21+$0x240]  }
0x18d: {  	v20 =	vld [tilespmem:s21+$0x250]  }
0x18e: {  	v23 =	vld [tilespmem:s21+$0x200]  }
0x18f: {  	v22 =	vld [tilespmem:s21+$0x210]  }
0x190: {  	v25 =	vld [tilespmem:s21+$0x1C0]  }
0x191: {  	v24 =	vld [tilespmem:s21+$0x1D0]  }
0x192: {  	v27 =	vld [tilespmem:s21+$0x180]  }
0x193: {  	v26 =	vld [tilespmem:s21+$0x190]  }
0x194: {  	v28 =	vld [tilespmem:s21+$0xF0]  }
0x195: {  	v4 =	vld [tilespmem:s21+$0x140]  }
0x196: {  	v29 =	vld [tilespmem:s21+$0x120]  }
0x197: {  	v31 =	vld [tilespmem:s21+$0x100]  }
0x198: {  	v32 =	vld [tilespmem:s21+$0x110]  }
0x199: {  	v33 =	vld [tilespmem:s21+$0xC0]  }
0x19a: {  	v34 =	vld [tilespmem:s21+$0xD0]  }
0x19b: {  	v35 =	vld [tilespmem:s21+$0x80]  }
0x19c: {  	v36 =	vld [tilespmem:s21+$0x90]  }
0x19d: {  	v37 =	vld [tilespmem:s21+$0x40]  }
0x19e: {  	v38 =	vld [tilespmem:s21+$0x50]  }
0x19f: {  	v39 =	vld [tilespmem:s21+$0x0]  }
0x1a0: {  	v40 =	vld [tilespmem:s21+$0x10]  }
0x1a1: {  	v41 =	vld [tilespmem:s21+$0xFFFFFFC0]  }
0x1a2: {  	v42 =	vld [tilespmem:s21+$0xFFFFFFD0]  }
0x1a3: {  	v43 =	vld [tilespmem:s21+$0xFFFFFF80]  }
0x1a4: {  	v44 =	vld [tilespmem:s21+$0xFFFFFF90]  }
0x1a5: {  	v45 =	vld [tilespmem:s21+$0xFFFFFF40]  }
0x1a6: {  	v46 =	vld [tilespmem:s21+$0xFFFFFF50]  }
0x1a7: {  	v47 =	vld [tilespmem:s21+$0xFFFFFF00]  }
0x1a8: {  	v48 =	vld [tilespmem:s21+$0xFFFFFF10]  }
0x1a9: {  	v49 =	vld [tilespmem:s21+$0xFFFFFEC0]  }
0x1aa: {  	v50 =	vld [tilespmem:s21+$0xFFFFFED0]  }
0x1ab: {  	v51 =	vld [tilespmem:s21+$0xFFFFFE80]  }
0x1ac: {  	v52 =	vld [tilespmem:s21+$0xFFFFFE90]  }
0x1ad: {  	v53 =	vld [tilespmem:s21+$0xFFFFFE40]  }
0x1ae: {  	v54 =	vld [tilespmem:s21+$0xFFFFFE50]  }
0x1af: {  	v55 =	vld [tilespmem:s21+$0xFFFFFE00]  }
0x1b0: {  	v56 =	vld [tilespmem:s21+$0xFFFFFDC0]  }
0x1b1: {  	v57 =	vld [tilespmem:s21+$0xFFFFFD80]  }
0x1b2: {  	v58 =	vld [tilespmem:s21+$0xFFFFFD90]  }
0x1b3: {  	v59 =	vld [tilespmem:s21+$0xFFFFFDD0]  }
0x1b4: {  	v60 =	vld [tilespmem:s21+$0xFFFFFDA0]  }
0x1b5: {  	v61 =	vld [tilespmem:s21+$0xFFFFFE10]  }
0x1b6: {  	v62 =	vld [tilespmem:s21+$0xFFFFFDB0];
	v57 =	vadd.f32 $0.0e+00, v57  }
0x1b7: {  	v63 =	vld [tilespmem:s21+$0xFFFFFDE0];
	v58 =	vadd.f32 $0.0e+00, v58  }
0x1b8: {  	v56 =	vadd.f32 v56, v57;
	v57 =	vld [tilespmem:s21+$0xFFFFFDF0]  }
0x1b9: {  	v58 =	vadd.f32 v59, v58;
	v59 =	vld [tilespmem:s21+$0xFFFFFE20]  }
0x1ba: {  	v60 =	vadd.f32 $0.0e+00, v60;
	v55 =	vadd.f32 v55, v56;
	v56 =	vld [tilespmem:s21+$0xFFFFFE30]  }
0x1bb: {  	v62 =	vadd.f32 $0.0e+00, v62;
	v58 =	vadd.f32 v61, v58;
	v61 =	vld [tilespmem:s21+$0xFFFFFE60]  }
0x1bc: {  	v60 =	vadd.f32 v63, v60;
	v53 =	vadd.f32 v53, v55;
	v55 =	vld [tilespmem:s21+$0xFFFFFE70]  }
0x1bd: {  	v54 =	vadd.f32 v54, v58;
	v58 =	vld [tilespmem:s21+$0xFFFFFEA0];
	v57 =	vadd.f32 v57, v62  }
0x1be: {  	v59 =	vadd.f32 v59, v60;
	v51 =	vadd.f32 v51, v53;
	v53 =	vld [tilespmem:s21+$0xFFFFFEB0]  }
0x1bf: {  	v62 =	vadd.f32 v56, v57;
	v56 =	vld [tilespmem:s21+$0xFFFFFEE0]  }
0x1c0: {  	v52 =	vadd.f32 v52, v54;
	v63 =	vadd.f32 v61, v59;
	v59 =	vld [tilespmem:s21+$0xFFFFFEF0]  }
0x1c1: {  	v61 =	vld [tilespmem:s21+$0xFFFFFF20];
	v49 =	vadd.f32 v49, v51  }
0x1c2: {  	v50 =	vadd.f32 v50, v52;
	v52 =	vld [tilespmem:s21+$0xFFFFFF60];
	v60 =	vadd.f32 v55, v62  }
0x1c3: {  	v62 =	vadd.f32 v58, v63;
	v47 =	vadd.f32 v47, v49;
	v49 =	vld [tilespmem:s21+$0xFFFFFF30]  }
0x1c4: {  	v58 =	vld [tilespmem:s21+$0xFFFFFF70];
	v48 =	vadd.f32 v48, v50;
	v63 =	vadd.f32 v53, v60  }
0x1c5: {  	v55 =	vld [tilespmem:s21+$0xFFFFFFF0];
	v57 =	vadd.f32 v56, v62;
	v45 =	vadd.f32 v45, v47  }
0x1c6: {  	v60 =	vld [tilespmem:s21+$0xFFFFFFA0];
	v46 =	vadd.f32 v46, v48;
	v59 =	vadd.f32 v59, v63  }
0x1c7: {  	v62 =	vld [tilespmem:s21+$0xFFFFFFB0];
	v61 =	vadd.f32 v61, v57;
	v43 =	vadd.f32 v43, v45  }
0x1c8: {  	v53 =	vld [tilespmem:s21+$0xFFFFFFE0];
	v44 =	vadd.f32 v44, v46;
	v63 =	vadd.f32 v49, v59  }
0x1c9: {  	v50 =	vld [tilespmem:s21+$0xB0];
	v54 =	vadd.f32 v52, v61;
	v41 =	vadd.f32 v41, v43  }
0x1ca: {  	v57 =	vld [tilespmem:s21+$0x20];
	v42 =	vadd.f32 v42, v44;
	v56 =	vadd.f32 v58, v63  }
0x1cb: {  	v59 =	vld [tilespmem:s21+$0x30];
	v58 =	vadd.f32 v60, v54;
	v39 =	vadd.f32 v39, v41  }
0x1cc: {  	v61 =	vld [tilespmem:s21+$0x60];
	v40 =	vadd.f32 v40, v42;
	v60 =	vadd.f32 v62, v56  }
0x1cd: {  	s17 =	simm.s32 $0x10;
	s31 =	simm.s32 $0x0;
	v63 =	vld [tilespmem:s21+$0x70];
	v62 =	vadd.f32 v53, v58;
	v37 =	vadd.f32 v37, v39  }
0x1ce: {  	s6 =	sand.u32 $0x4, s31;
	s0 =	sand.u32 $0x7F8, s17;
	v48 =	vld [tilespmem:s21+$0xA0];
	v38 =	vadd.f32 v38, v40;
	v47 =	vadd.f32 v55, v60  }
0x1cf: {  	s0 =	sor.u32 s6, s0;
	v52 =	vld [tilespmem:s21+$0xE0];
	v49 =	vadd.f32 v57, v62;
	v35 =	vadd.f32 v35, v37  }
0x1d0: {  	v54 =	vld [tilespmem:s0+$0x290];
	v36 =	vadd.f32 v36, v38;
	v51 =	vadd.f32 v59, v47  }
0x1d1: {  	s29 =	simm.s32 $0x290;
	v30 =	vld [tilespmem:s21+$0x150];
	v53 =	vadd.f32 v61, v49;
	v33 =	vadd.f32 v33, v35  }
0x1d2: {  	v56 =	vld [tilespmem:s29+$0x0];
	v34 =	vadd.f32 v34, v36;
	v55 =	vadd.f32 v63, v51  }
0x1d3: {  	v58 =	vld [tilespmem:s21+$0x130];
	v57 =	vadd.f32 v48, v53;
	v31 =	vadd.f32 v31, v33  }
0x1d4: {  	v60 =	vld [tilespmem:s21+$0x160];
	v32 =	vadd.f32 v32, v34;
	v59 =	vadd.f32 v50, v55  }
0x1d5: {  	v62 =	vld [tilespmem:s21+$0x170];
	vm1 =	veq.s32 v54, $0x0;
	v61 =	vadd.f32 v52, v57;
	v4 =	vadd.f32 v4, v31  }
0x1d6: {  	vm1 =	vmand vm1, vm0;
	v63 =	vld [tilespmem:s21+$0x1A0];
	v30 =	vadd.f32 v30, v32;
	v28 =	vadd.f32 v28, v59  }
0x1d7: {  	v37 =	vld [tilespmem:s21+$0x1B0];
	vm2 =	veq.s32 v56, $0x0;
	v29 =	vadd.f32 v29, v61;
	v4 =	vadd.f32 v27, v4  }
0x1d8: {  	v39 =	vld [tilespmem:s21+$0x1E0];
	v38 =	vmpcnt.ones.xlane vm1;
	v26 =	vadd.f32 v26, v30;
	v28 =	vadd.f32 v58, v28  }
0x1d9: {  	v41 =	vld [tilespmem:s21+$0x1F0];
	v40 =	vmpcnt.ones.xlane vm2;
	v29 =	vadd.f32 v60, v29;
	v4 =	vadd.f32 v25, v4  }
0x1da: {  	v43 =	vld [tilespmem:s21+$0x220];
	v24 =	vadd.f32 v24, v26;
	v42 =	vadd.f32 v62, v28  }
0x1db: {  	v46 =	vld [tilespmem:s21+$0x230];
	v45 =	vadd.s32 v40, v38;
	v44 =	vadd.f32 v63, v29;
	v4 =	vadd.f32 v23, v4  }
0x1dc: {  	v47 =	vld [tilespmem:s21+$0x260];
	v48 =	vcvt.s32.f32 v45;
	v22 =	vadd.f32 v22, v24;
	v23 =	vadd.f32 v37, v42  }
0x1dd: {  	v50 =	vld [tilespmem:s21+$0x270];
	v49 =	vadd.f32 v39, v44;
	v4 =	vadd.f32 v21, v4  }
0x1de: {  	v51 =	vmul.f32 v48, v18;
	v20 =	vadd.f32 v20, v22;
	v21 =	vadd.f32 v41, v23  }
0x1df: {  	v23 =	vmul.f32 v48, v17;
	v22 =	vadd.f32 v43, v49  }
0x1e0: {  	v20 =	vsub.f32 v20, v51;
	v21 =	vadd.f32 v46, v21  }
0x1e1: {  	v4 =	vsub.f32 v4, v23;
	v23 =	vmul.f32 v48, v19;
	v22 =	vadd.f32 v47, v22  }
0x1e2: {  	v52 =	vmul.f32 v48, v13;
	v20 =	vmul.f32 $5.000000070e-02, v20;
	v21 =	vadd.f32 v50, v21  }
0x1e3: {  	v4 =	vmul.f32 $5.000000070e-02, v4;
	v22 =	vsub.f32 v22, v23  }
0x1e4: {  	v20 =	vadd.f32 v20, v6;
	v21 =	vsub.f32 v21, v52  }
0x1e5: {  	v4 =	vadd.f32 v4, v5;
	v22 =	vmul.f32 $5.000000070e-02, v22  }
0x1e6: {  	v54 =	vmul.f32 v20, v20;
	v21 =	vmul.f32 $5.000000070e-02, v21  }
0x1e7: {  	v23 =	vmul.f32 v4, v4;
	v53 =	vadd.f32 v20, v4;
	v22 =	vadd.f32 v22, v7  }
0x1e8: {  	v21 =	vadd.f32 v21, v8  }
0x1e9: {  	v23 =	vadd.f32 v54, v23;
	v24 =	vadd.f32 v22, v53;
	v55 =	vmul.f32 v22, v22;
	_ =	sdelay $0x1  }
0x1ea: {  	v56 =	vmul.f32 v21, v21;
	v24 =	vadd.f32 v21, v24;
	v23 =	vadd.f32 v55, v23;
	_ =	sdelay $0x1  }
0x1eb: {  	v23 =	vadd.f32 v56, v23;
	v57 =	vperm.xlane v24, v0;
	_ =	sdelay $0x1  }
0x1ec: {  	v24 =	vadd.f32 v24, v57;
	v58 =	vperm.xlane v23, v0;
	_ =	sdelay $0x1  }
0x1ed: {  	v59 =	vperm.xlane v24, v1;
	v23 =	vadd.f32 v23, v58;
	_ =	sdelay $0x1  }
0x1ee: {  	v24 =	vadd.f32 v24, v59;
	v25 =	vperm.xlane v23, v1;
	_ =	sdelay $0x1  }
0x1ef: {  	v26 =	vperm.xlane v24, v2;
	v23 =	vadd.f32 v23, v25;
	_ =	sdelay $0x1  }
0x1f0: {  	v24 =	vadd.f32 v24, v26;
	v25 =	vperm.xlane v23, v2;
	_ =	sdelay $0x1  }
0x1f1: {  	v26 =	vperm.xlane v24, v3;
	v23 =	vadd.f32 v23, v25;
	_ =	sdelay $0x1  }
0x1f2: {  	v24 =	vadd.f32 v24, v26;
	v25 =	vperm.xlane v23, v3;
	_ =	sdelay $0x1  }
0x1f3: {  	v24 =	vmul.f32 $1.562500000e-02, v24;
	v23 =	vadd.f32 v23, v25;
	_ =	sdelay $0x1  }
0x1f4: {  	v23 =	vmul.f32 $1.562500000e-02, v23;
	v60 =	vmul.f32 v24, v24;
	_ =	sdelay $0x1  }
0x1f5: {  	v23 =	vsub.f32 v23, v60;
	_ =	sdelay $0x1  }
0x1f6: {  	v23 =	vadd.f32 $9.999999740e-06, v23;
	_ =	sdelay $0x1  }
0x1f7: {  	v61 =	vshra.s32 v23, $0x1;
	v23 =	vmul.f32 $5.000000000e-01, v23  }
0x1f8: {  	v25 =	vsub.s32 $0x5F3759DF, v61  }
0x1f9: {  	v62 =	vmul.f32 v25, v23;
	_ =	sdelay $0x1  }
0x1fa: {  	v26 =	vmul.f32 v25, v62;
	_ =	sdelay $0x1  }
0x1fb: {  	v26 =	vsub.f32 $1.500000000e+00, v26;
	_ =	sdelay $0x1  }
0x1fc: {  	v25 =	vmul.f32 v25, v26;
	_ =	sdelay $0x1  }
0x1fd: {  	v26 =	vmul.f32 v25, v23;
	_ =	sdelay $0x1  }
0x1fe: {  	v26 =	vmul.f32 v26, v25;
	_ =	sdelay $0x1  }
0x1ff: {  	v26 =	vsub.f32 $1.500000000e+00, v26;
	_ =	sdelay $0x1  }
0x200: {  	v25 =	vmul.f32 v26, v25;
	_ =	sdelay $0x1  }
0x201: {  	v23 =	vmul.f32 v25, v23;
	_ =	sdelay $0x1  }
0x202: {  	v23 =	vmul.f32 v23, v25;
	_ =	sdelay $0x1  }
0x203: {  	v23 =	vsub.f32 $1.500000000e+00, v23;
	_ =	sdelay $0x1  }
0x204: {  	v4 =	vsub.f32 v4, v24;
	v20 =	vsub.f32 v20, v24;
	v23 =	vmul.f32 v23, v25  }
0x205: {  	v22 =	vsub.f32 v22, v24;
	v21 =	vsub.f32 v21, v24  }
0x206: {  	v4 =	vmul.f32 v23, v4;
	v63 =	vmul.f32 v23, v20  }
0x207: {  	v22 =	vmul.f32 v23, v22;
	v25 =	vmul.f32 v23, v21  }
0x208: {  	v20 =	vmul.f32 v4, v9;
	v21 =	vmul.f32 v63, v10  }
0x209: {  	s8 =	simm.s32 $0x24;
	s17 =	simm.s32 $0x14D40;
	s6 =	simm.s32 $0x14D40;
	v23 =	vmul.f32 v22, v11;
	v22 =	vmul.f32 v25, v12  }
.LBB2_5:
0x20a: {  	_ = 	snop  }
0x20b: {  	v4 =	vadd.f32 v23, v15;
	v23 =	vld [tilespmem:$0x1FFF0];
	_ =	sdelay $0x2  }
0x20c: {  	v20 =	vadd.f32 v20, v14  }
0x20d: {  	v21 =	vadd.f32 v21, v16;
	[tilespmem:s6+$0x0] =	vst v4  }
0x20e: {  	[tilespmem:s6+$0xFFFFFFE0] =	vst v20;
	v22 =	vadd.f32 v22, v23  }
0x20f: {  	[tilespmem:s6+$0xFFFFFFF0] =	vst v21  }
0x210: {  	s21 =	sadd.s32 $0x500, s21;
	[tilespmem:s6+$0x10] =	vst v22  }
0x211: {  	v20 =	vld [tilespmem:s21+$0x240]  }
0x212: {  	v21 =	vld [tilespmem:s21+$0x250]  }
0x213: {  	v22 =	vld [tilespmem:s21+$0x200]  }
0x214: {  	v23 =	vld [tilespmem:s21+$0x210]  }
0x215: {  	v24 =	vld [tilespmem:s21+$0x1C0]  }
0x216: {  	v25 =	vld [tilespmem:s21+$0x1D0]  }
0x217: {  	v26 =	vld [tilespmem:s21+$0x180]  }
0x218: {  	v27 =	vld [tilespmem:s21+$0x190]  }
0x219: {  	v28 =	vld [tilespmem:s21+$0xF0]  }
0x21a: {  	v29 =	vld [tilespmem:s21+$0x140]  }
0x21b: {  	v30 =	vld [tilespmem:s21+$0x120]  }
0x21c: {  	v32 =	vld [tilespmem:s21+$0x100]  }
0x21d: {  	v33 =	vld [tilespmem:s21+$0x110]  }
0x21e: {  	v34 =	vld [tilespmem:s21+$0xC0]  }
0x21f: {  	v35 =	vld [tilespmem:s21+$0xD0]  }
0x220: {  	v36 =	vld [tilespmem:s21+$0x80]  }
0x221: {  	v37 =	vld [tilespmem:s21+$0x90]  }
0x222: {  	v38 =	vld [tilespmem:s21+$0x40]  }
0x223: {  	v39 =	vld [tilespmem:s21+$0x50]  }
0x224: {  	v4 =	vld [tilespmem:s21+$0x0]  }
0x225: {  	v40 =	vld [tilespmem:s21+$0x10]  }
0x226: {  	v41 =	vld [tilespmem:s21+$0xFFFFFFC0]  }
0x227: {  	v42 =	vld [tilespmem:s21+$0xFFFFFFD0]  }
0x228: {  	v43 =	vld [tilespmem:s21+$0xFFFFFF80]  }
0x229: {  	v44 =	vld [tilespmem:s21+$0xFFFFFF90]  }
0x22a: {  	v45 =	vld [tilespmem:s21+$0xFFFFFF40]  }
0x22b: {  	v46 =	vld [tilespmem:s21+$0xFFFFFF50]  }
0x22c: {  	v47 =	vld [tilespmem:s21+$0xFFFFFF00]  }
0x22d: {  	v48 =	vld [tilespmem:s21+$0xFFFFFF10]  }
0x22e: {  	v49 =	vld [tilespmem:s21+$0xFFFFFEC0]  }
0x22f: {  	v50 =	vld [tilespmem:s21+$0xFFFFFED0]  }
0x230: {  	v51 =	vld [tilespmem:s21+$0xFFFFFE80]  }
0x231: {  	v52 =	vld [tilespmem:s21+$0xFFFFFE90]  }
0x232: {  	v53 =	vld [tilespmem:s21+$0xFFFFFE40]  }
0x233: {  	v54 =	vld [tilespmem:s21+$0xFFFFFE50]  }
0x234: {  	v56 =	vld [tilespmem:s21+$0xFFFFFDC0]  }
0x235: {  	v57 =	vld [tilespmem:s21+$0xFFFFFD90]  }
0x236: {  	v58 =	vld [tilespmem:s21+$0xFFFFFD80]  }
0x237: {  	v59 =	vld [tilespmem:s21+$0xFFFFFDD0]  }
0x238: {  	v60 =	vld [tilespmem:s21+$0xFFFFFDA0]  }
0x239: {  	v62 =	vld [tilespmem:s21+$0xFFFFFDE0]  }
0x23a: {  	v63 =	vld [tilespmem:s21+$0xFFFFFDB0]  }
0x23b: {  	v61 =	vld [tilespmem:s21+$0xFFFFFE10];
	v57 =	vadd.f32 $0.0e+00, v57  }
0x23c: {  	v55 =	vld [tilespmem:s21+$0xFFFFFE00];
	v58 =	vadd.f32 $0.0e+00, v58  }
0x23d: {  	v60 =	vadd.f32 $0.0e+00, v60;
	v57 =	vadd.f32 v59, v57;
	v59 =	vld [tilespmem:s21+$0xFFFFFE20]  }
0x23e: {  	v56 =	vadd.f32 v56, v58;
	v58 =	vld [tilespmem:s21+$0xFFFFFDF0]  }
0x23f: {  	v60 =	vadd.f32 v62, v60;
	v62 =	vadd.f32 $0.0e+00, v63;
	v63 =	vld [tilespmem:s21+$0xFFFFFE70]  }
0x240: {  	v57 =	vadd.f32 v61, v57;
	v61 =	vld [tilespmem:s21+$0xFFFFFE60]  }
0x241: {  	v55 =	vadd.f32 v55, v56;
	v56 =	vld [tilespmem:s21+$0xFFFFFE30]  }
0x242: {  	v54 =	vadd.f32 v54, v57;
	v57 =	vld [tilespmem:s21+$0xFFFFFEA0]  }
0x243: {  	v53 =	vadd.f32 v53, v55;
	v59 =	vadd.f32 v59, v60;
	v60 =	vld [tilespmem:s21+$0xFFFFFEB0]  }
0x244: {  	v58 =	vadd.f32 v58, v62;
	v52 =	vadd.f32 v52, v54;
	v54 =	vld [tilespmem:s21+$0xFFFFFEE0]  }
0x245: {  	v62 =	vld [tilespmem:s21+$0xFFFFFEF0];
	v51 =	vadd.f32 v51, v53;
	v59 =	vadd.f32 v61, v59  }
0x246: {  	v56 =	vadd.f32 v56, v58;
	v61 =	vld [tilespmem:s21+$0xFFFFFF20];
	v50 =	vadd.f32 v50, v52  }
0x247: {  	v58 =	vld [tilespmem:s21+$0xFFFFFF30];
	v49 =	vadd.f32 v49, v51;
	v57 =	vadd.f32 v57, v59  }
0x248: {  	v55 =	vadd.f32 v63, v56;
	v63 =	vld [tilespmem:s21+$0xFFFFFF60];
	v48 =	vadd.f32 v48, v50  }
0x249: {  	v59 =	vld [tilespmem:s21+$0xFFFFFFA0];
	v47 =	vadd.f32 v47, v49;
	v54 =	vadd.f32 v54, v57  }
0x24a: {  	v56 =	vld [tilespmem:s21+$0x70];
	v53 =	vadd.f32 v60, v55;
	v46 =	vadd.f32 v46, v48  }
0x24b: {  	v60 =	vld [tilespmem:s21+$0xFFFFFF70];
	v45 =	vadd.f32 v45, v47;
	v52 =	vadd.f32 v61, v54  }
0x24c: {  	v51 =	vadd.f32 v62, v53;
	v61 =	vld [tilespmem:s21+$0xFFFFFFE0];
	v44 =	vadd.f32 v44, v46  }
0x24d: {  	v62 =	vld [tilespmem:s21+$0xFFFFFFB0];
	v43 =	vadd.f32 v43, v45;
	v50 =	vadd.f32 v63, v52  }
0x24e: {  	v49 =	vadd.f32 v58, v51;
	v63 =	vld [tilespmem:s21+$0x20];
	v42 =	vadd.f32 v42, v44  }
0x24f: {  	v52 =	vld [tilespmem:s21+$0xFFFFFFF0];
	v41 =	vadd.f32 v41, v43;
	v48 =	vadd.f32 v59, v50  }
0x250: {  	s31 =	smov.u32 s8;
	v53 =	vld [tilespmem:s21+$0x60];
	v47 =	vadd.f32 v60, v49;
	v40 =	vadd.f32 v40, v42  }
0x251: {  	s0 =	sadd.s32 $0xFFFFFFF0, s31;
	v54 =	vld [tilespmem:s21+$0x30];
	v4 =	vadd.f32 v4, v41;
	v46 =	vadd.f32 v61, v48  }
0x252: {  	s31 =	sand.u32 $0x7F8, s31;
	s0 =	sand.u32 $0x4, s0;
	v55 =	vld [tilespmem:s21+$0xA0];
	v45 =	vadd.f32 v62, v47;
	v39 =	vadd.f32 v39, v40  }
0x253: {  	s0 =	sor.u32 s0, s31;
	v57 =	vld [tilespmem:s21+$0xE0];
	v4 =	vadd.f32 v38, v4;
	v44 =	vadd.f32 v63, v46  }
0x254: {  	v59 =	vld [tilespmem:s0+$0x290];
	v43 =	vadd.f32 v52, v45;
	v37 =	vadd.f32 v37, v39  }
0x255: {  	v58 =	vld [tilespmem:s21+$0xB0];
	v4 =	vadd.f32 v36, v4;
	v42 =	vadd.f32 v53, v44  }
0x256: {  	s29 =	sadd.s32 $0x14, s29;
	v31 =	vld [tilespmem:s21+$0x150];
	v41 =	vadd.f32 v54, v43;
	v35 =	vadd.f32 v35, v37  }
0x257: {  	v60 =	vld [tilespmem:s29+$0x0];
	v4 =	vadd.f32 v34, v4;
	v40 =	vadd.f32 v55, v42  }
0x258: {  	v62 =	vld [tilespmem:s21+$0x160];
	v61 =	vadd.f32 v56, v41;
	v33 =	vadd.f32 v33, v35  }
0x259: {  	vm1 =	veq.s32 v59, $0x0;
	v4 =	vadd.f32 v32, v4;
	v63 =	vadd.f32 v57, v40;
	v40 =	vld [tilespmem:s21+$0x130]  }
0x25a: {  	vm1 =	vmand vm1, vm0;
	v41 =	vld [tilespmem:s21+$0x1A0];
	v34 =	vadd.f32 v58, v61  }
0x25b: {  	v44 =	vmpcnt.ones.xlane vm1;
	v42 =	vld [tilespmem:s21+$0x170];
	v31 =	vadd.f32 v31, v33;
	v4 =	vadd.f32 v29, v4  }
0x25c: {  	v45 =	vld [tilespmem:s21+$0x1B0];
	vm1 =	veq.s32 v60, $0x0;
	v30 =	vadd.f32 v30, v63;
	v28 =	vadd.f32 v28, v34  }
0x25d: {  	v43 =	vld [tilespmem:s21+$0x1E0];
	v47 =	vmpcnt.ones.xlane vm1;
	v27 =	vadd.f32 v27, v31;
	v4 =	vadd.f32 v26, v4  }
0x25e: {  	v48 =	vld [tilespmem:s21+$0x1F0];
	v30 =	vadd.f32 v62, v30;
	v28 =	vadd.f32 v40, v28  }
0x25f: {  	v46 =	vld [tilespmem:s21+$0x220];
	v50 =	vadd.s32 v47, v44;
	v25 =	vadd.f32 v25, v27;
	v4 =	vadd.f32 v24, v4  }
0x260: {  	v49 =	vld [tilespmem:s21+$0x260];
	v29 =	vcvt.s32.f32 v50;
	v30 =	vadd.f32 v41, v30;
	v28 =	vadd.f32 v42, v28  }
0x261: {  	v23 =	vadd.f32 v23, v25;
	v4 =	vadd.f32 v22, v4;
	v22 =	vld [tilespmem:s21+$0x230]  }
0x262: {  	v51 =	vmul.f32 v29, v17;
	v30 =	vadd.f32 v43, v30;
	v26 =	vadd.f32 v45, v28  }
0x263: {  	v52 =	vmul.f32 v29, v18;
	v21 =	vadd.f32 v21, v23;
	v4 =	vadd.f32 v20, v4;
	v20 =	vld [tilespmem:s21+$0x270]  }
0x264: {  	v23 =	vadd.f32 v46, v30;
	v24 =	vadd.f32 v48, v26  }
0x265: {  	v4 =	vsub.f32 v4, v51;
	v21 =	vsub.f32 v21, v52  }
0x266: {  	v53 =	vmul.f32 v29, v19;
	v23 =	vadd.f32 v49, v23;
	v22 =	vadd.f32 v22, v24  }
0x267: {  	v4 =	vmul.f32 $5.000000070e-02, v4;
	v21 =	vmul.f32 $5.000000070e-02, v21  }
0x268: {  	v23 =	vsub.f32 v23, v53;
	v20 =	vadd.f32 v20, v22;
	v22 =	vmul.f32 v29, v13  }
0x269: {  	v4 =	vadd.f32 v4, v5;
	v21 =	vadd.f32 v21, v6  }
0x26a: {  	v23 =	vmul.f32 $5.000000070e-02, v23;
	v20 =	vsub.f32 v20, v22  }
0x26b: {  	v22 =	vmul.f32 v4, v4;
	v55 =	vmul.f32 v21, v21  }
0x26c: {  	v54 =	vadd.f32 v21, v4;
	v23 =	vadd.f32 v23, v7;
	v20 =	vmul.f32 $5.000000070e-02, v20  }
0x26d: {  	v22 =	vadd.f32 v55, v22  }
0x26e: {  	v24 =	vadd.f32 v23, v54;
	v56 =	vmul.f32 v23, v23;
	v20 =	vadd.f32 v20, v8;
	_ =	sdelay $0x1  }
0x26f: {  	v22 =	vadd.f32 v56, v22;
	v57 =	vmul.f32 v20, v20;
	v24 =	vadd.f32 v20, v24;
	_ =	sdelay $0x1  }
0x270: {  	v22 =	vadd.f32 v57, v22;
	v58 =	vperm.xlane v24, v0;
	_ =	sdelay $0x1  }
0x271: {  	v24 =	vadd.f32 v24, v58;
	v59 =	vperm.xlane v22, v0;
	_ =	sdelay $0x1  }
0x272: {  	v60 =	vperm.xlane v24, v1;
	v22 =	vadd.f32 v22, v59;
	_ =	sdelay $0x1  }
0x273: {  	v24 =	vadd.f32 v24, v60;
	v25 =	vperm.xlane v22, v1;
	_ =	sdelay $0x1  }
0x274: {  	v26 =	vperm.xlane v24, v2;
	v22 =	vadd.f32 v22, v25;
	_ =	sdelay $0x1  }
0x275: {  	v24 =	vadd.f32 v24, v26;
	v25 =	vperm.xlane v22, v2;
	_ =	sdelay $0x1  }
0x276: {  	v26 =	vperm.xlane v24, v3;
	v22 =	vadd.f32 v22, v25;
	_ =	sdelay $0x1  }
0x277: {  	v24 =	vadd.f32 v24, v26;
	v25 =	vperm.xlane v22, v3;
	_ =	sdelay $0x1  }
0x278: {  	v24 =	vmul.f32 $1.562500000e-02, v24;
	v22 =	vadd.f32 v22, v25;
	_ =	sdelay $0x1  }
0x279: {  	v22 =	vmul.f32 $1.562500000e-02, v22;
	v61 =	vmul.f32 v24, v24;
	_ =	sdelay $0x1  }
0x27a: {  	v22 =	vsub.f32 v22, v61;
	_ =	sdelay $0x1  }
0x27b: {  	v22 =	vadd.f32 $9.999999740e-06, v22  }
0x27c: {  	v4 =	vsub.f32 v4, v24  }
0x27d: {  	v21 =	vsub.f32 v21, v24;
	v62 =	vshra.s32 v22, $0x1;
	v22 =	vmul.f32 $5.000000000e-01, v22  }
0x27e: {  	v23 =	vsub.f32 v23, v24;
	v20 =	vsub.f32 v20, v24;
	v24 =	vsub.s32 $0x5F3759DF, v62  }
0x27f: {  	v63 =	vmul.f32 v24, v22;
	_ =	sdelay $0x1  }
0x280: {  	v25 =	vmul.f32 v24, v63;
	_ =	sdelay $0x1  }
0x281: {  	v25 =	vsub.f32 $1.500000000e+00, v25;
	_ =	sdelay $0x1  }
0x282: {  	v24 =	vmul.f32 v24, v25;
	_ =	sdelay $0x1  }
0x283: {  	v25 =	vmul.f32 v24, v22;
	_ =	sdelay $0x1  }
0x284: {  	v25 =	vmul.f32 v25, v24;
	_ =	sdelay $0x1  }
0x285: {  	v25 =	vsub.f32 $1.500000000e+00, v25;
	_ =	sdelay $0x1  }
0x286: {  	v24 =	vmul.f32 v25, v24;
	_ =	sdelay $0x1  }
0x287: {  	v22 =	vmul.f32 v24, v22;
	_ =	sdelay $0x1  }
0x288: {  	v22 =	vmul.f32 v22, v24;
	_ =	sdelay $0x1  }
0x289: {  	v22 =	vsub.f32 $1.500000000e+00, v22;
	_ =	sdelay $0x1  }
0x28a: {  	p1 =	sne.s32 s8, $0x27C;
	v22 =	vmul.f32 v22, v24  }
.Ltmp1:
0x28b: {  	_ = 	snop;
	(pc) =	sbr.rel @p1 .LBB2_5-.Ltmp1, $4  }
0x28c: {  	v4 =	vmul.f32 v22, v4;
	v21 =	vmul.f32 v22, v21  }
0x28d: {  	v23 =	vmul.f32 v22, v23;
	v22 =	vmul.f32 v22, v20  }
0x28e: {  	s17 =	sadd.s32 $0x40, s17;
	v20 =	vmul.f32 v4, v9;
	v21 =	vmul.f32 v21, v10  }
0x28f: {  	s8 =	sadd.s32 $0x14, s8;
	s6 =	smov.u32 s17;
	v23 =	vmul.f32 v23, v11;
	v22 =	vmul.f32 v22, v12  }
0x290: {  	_ = 	snop  }
0x291: {  	v24 =	vmovc v15;
	v21 =	vadd.f32 v21, v16;
	v4 =	vadd.f32 v23, v15;
	v15 =	vmov v16;
	v16 =	vld [tilespmem:$0x1FFF0];
	_ =	sdelay $0x1  }
0x292: {  	v20 =	vadd.f32 v20, v14;
	_ =	sdelay $0x1  }
0x293: {  	s0 =	sadd.s32 @!p0 s16, s12;
	[tilespmem:s6+$0xFFFFFFE0] =	vst v20  }
0x294: {  	s0 =	smul.u32 @!p0 $0x50, s0;
	[tilespmem:s6+$0x0] =	vst v4;
	v4 =	vadd.f32 v22, v16  }
0x295: {  	s8 =	simm.s32 @!p0 $0x290;
	[tilespmem:s6+$0xFFFFFFF0] =	vst v21  }
0x296: {  	s9 =	sadd.s32 $0x1, s9;
	s0 =	sadd.s32 @!p0 s5, s0;
	[tilespmem:s6+$0x10] =	vst v4;
	s6 =	simm.s32 @!p0 $0x0  }
0x297: {  	[tilespmem:s8], [sflag:$0x2] =	stream.linear.gather @!p0 [hbm4b:s0+s6], $0x280, $0x38;
	[tilespmem:$0x15620] =	vst v63  }
0x298: {  	p0 =	sne.s32 s9, $0x19  }
.Ltmp2:
0x299: {  	s31 =	sadd.s32 s16, s15;
	(pc) =	sbr.rel @p0 .LBB2_2-.Ltmp2, $4  }
0x29a: {  	s0 =	sshll.u32 s31, $0x8  }
0x29b: {  	s0 =	sand.u32 $0x1FFFFF00, s0  }
0x29c: {  	s0 =	sadd.s32 s2, s0  }
0x29d: {  	v20 =	vmov v15;
	v15 =	vmov v24;
	v4 =	vmov v14;
	[hbm4b:s0+s3] =	stream.linear.scatter [tilespmem:s28], [sflag:$0x6], $0x800, $0x38;
	[tilespmem:$0x15620] =	vst v63  }
0x29e: {  	s0 =	simm.s32 $0x5  }
0x29f: {  	_ =	swait.ge [sflag:s0], $0x800  }
0x2a0: {  	[sflag:s0] =	ssyncset.done $0x0  }
0x2a1: {  	s6 =	simm.s32 $0x6;
	[sflag:s0] =	ssyncadd.s32 $0xFFFFF800  }
0x2a2: {  	_ =	swait.ge [sflag:s6], $0x800  }
0x2a3: {  	s8 =	rddreg [dreg:$0x7]  }
0x2a4: {  	s31 =	rddreg [dreg:$0x6];
	s8 =	sadd.s32 $0x1, s8  }
0x2a5: {  	p0 =	sne.s32 s8, s31  }
.Ltmp3:
0x2a6: {  	_ = 	snop;
	(pc) =	sbr.rel @p0 .LBB2_1-.Ltmp3, $3  }
0x2a7: {  	_ =	sdelay $0x1  }
0x2a8: {  	[sflag:s6] =	ssyncset.done $0x0  }
0x2a9: {  	[sflag:s6] =	ssyncadd.s32 $0xFFFFF800  }
0x2aa: {  	_ =	sfence.sel $0x180000  }
0x2ab: {  	[bflag:$0x0] =	sbarrier.arrive $0xFFFF  }
0x2ac: {  	_ =	strace $0x90000047  }
0x2ad: {  	s0 =	stileid.u32;
	[bflag:$0x2] =	sbarrier.arrive $0xFFFF  }
0x2ae: {  	p0 =	sne.s32 s0, $0x0;
	s0 =	rddreg [dreg:$0x2]  }
0x2af: {  	s0 =	sadd.s32 @!p0 $0x100000, s0  }
0x2b0: {  	[sflag:s0] =	ssyncadd.tile.s32 @!p0 $0x1;
	_ =	shalt  }
.Lfunc_end2:
_tile_overlayer_lowered:
.L_overlay_start_2:
0x2b1: {  	(tag) =	ssettag $0x2  }
0x2b2: {  	s0 =	rddreg [dreg:$0x0];
	s2 =	stileid.u32  }
0x2b3: {  	s1 =	rddreg [dreg:$0x1];
	p0 =	sne.s32 s2, $0x0  }
0x2b4: {  	s3 =	rddreg [dreg:$0x2];
	[bflag:$0x3] =	sbarrier.arrive $0xFFFF;
	s2 =	simm.s32 @!p0 $0x1C07  }
0x2b5: {  	[timem:s3], [sflag:s2] =	dma.local @!p0 [hbm:s0], s1  }
0x2b6: {  	s0 =	simm.s32 @!p0 $0x7  }
0x2b7: {  	_ =	swait.ge @!p0 [sflag:s0], s1  }
0x2b8: {  	s1 =	ssub.s32 @!p0 $0x0, s1;
	[sflag:s0] =	ssyncset.done @!p0 $0x0  }
0x2b9: {  	[sflag:s0] =	ssyncadd.s32 @!p0 s1  }
0x2ba: {  	[bflag:$0x3] =	sbarrier.arrive $0xFFFF  }
0x2bb: {  	_ =	shalt  }

</sc_bundles>
